<compile_context>
chip_gen: v7x
topology: tpu7x:2x2x1
jax: 0.10.2.dev20260603
libtpu: 0.0.44.dev20260713+nightly
codegen_flags: <defaults>
</compile_context>

<pallas_src>
import functools

import jax
import jax.numpy as jnp
from jax import lax
from jax.experimental import pallas as pl
from jax.experimental.pallas import tpu as pltpu
from jax.experimental.pallas import tpu_sc as plsc

B = 16384
K = 32
L = 16
W = 128
RPW = W // K

_info = plsc.get_sparse_core_info()
NC = _info.num_cores
NS = _info.num_subcores
NW = NC * NS
BPW = B // NW
CH = 128
NR = BPW // CH
GPR = CH // L

_mesh = plsc.VectorSubcoreMesh(core_axis_name="c", subcore_axis_name="s")


@functools.partial(
    pl.kernel,
    mesh=_mesh,
    compiler_params=pltpu.CompilerParams(
        needs_layout_passes=False,
        use_tc_tiling_on_sc=False,
    ),
    out_type=jax.ShapeDtypeStruct((B,), jnp.float32),
    scratch_types=[
        pltpu.VMEM((BPW,), jnp.int32),
        pltpu.VMEM((BPW,), jnp.int32),
        pltpu.VMEM((BPW,), jnp.int32),
        pltpu.VMEM((BPW,), jnp.int32),
        pltpu.VMEM((BPW,), jnp.int32),
        pltpu.VMEM((BPW,), jnp.int32),
        pltpu.VMEM((CH, W), jnp.float32),
        pltpu.VMEM((CH, W), jnp.float32),
        pltpu.VMEM((CH, W), jnp.float32),
        pltpu.VMEM((CH, W), jnp.float32),
        pltpu.VMEM((L,), jnp.float32),
        pltpu.VMEM((BPW,), jnp.float32),
        pltpu.SemaphoreType.DMA,
    ],
)
def _sc_predict(u_hbm, i_hbm, user_hbm, bu_hbm, movie_hbm, bm_hbm, mean_hbm,
                out_hbm, idx_u, idx_i, hu, hi, hbu, hbi, urows, mrows, burows,
                bmrows, mean_v, out_v, sem):
    wid = lax.axis_index("s") * NC + lax.axis_index("c")
    base = wid * BPW

    pltpu.sync_copy(u_hbm.at[pl.ds(base, BPW)], idx_u)
    pltpu.sync_copy(i_hbm.at[pl.ds(base, BPW)], idx_i)
    pltpu.sync_copy(mean_hbm, mean_v)

    def hi_body(c, _):
        s = pl.ds(pl.multiple_of(c * L, L), L)
        uvec = idx_u[s]
        ivec = idx_i[s]
        hu[s] = uvec
        hi[s] = ivec
        hbu[s] = lax.shift_right_logical(uvec, 7)
        hbi[s] = lax.shift_right_logical(ivec, 7)
        return 0

    lax.fori_loop(0, BPW // L, hi_body, 0)

    mean = mean_v[...]
    lo_col = jnp.full((L,), RPW - 1, jnp.int32)
    lo_bias = jnp.full((L,), W - 1, jnp.int32)
    rid_g = lax.iota(jnp.int32, L)

    for r in range(NR):
        s = pl.ds(r * CH, CH)
        c1 = pltpu.async_copy(user_hbm.at[hu.at[s]], urows, sem)
        c2 = pltpu.async_copy(movie_hbm.at[hi.at[s]], mrows, sem)
        c3 = pltpu.async_copy(bu_hbm.at[hbu.at[s]], burows, sem)
        c4 = pltpu.async_copy(bm_hbm.at[hbi.at[s]], bmrows, sem)
        c1.wait()
        c2.wait()
        c3.wait()
        c4.wait()

        def round_body(g, _, r=r):
            sg = pl.ds(pl.multiple_of(r * CH, L) + g * L, L)
            rid = g * L + rid_g
            uvec = idx_u[sg]
            ivec = idx_i[sg]
            acc = jnp.zeros((L,), jnp.float32)
            for k in range(K):
                kk = jnp.full((L,), k, jnp.int32)
                uc = plsc.load_gather(urows, [rid, kk])
                mc = plsc.load_gather(mrows, [rid, kk])
                acc = acc + uc * mc
            bu = plsc.load_gather(burows, [rid, uvec & lo_bias])
            bm = plsc.load_gather(bmrows, [rid, ivec & lo_bias])
            out_v[sg] = acc + bu + bm + mean
            return 0

        lax.fori_loop(0, GPR, round_body, 0)

    pltpu.sync_copy(out_v, out_hbm.at[pl.ds(base, BPW)])


def _pad_rows(n):
    rows = -(-n // W)
    rows += (-rows) % 8
    return rows


def _as_rows128(x, one):
    n = x.shape[0]
    if (n * x.shape[1]) % W == 0 and x.shape[1] == K:
        return x.reshape(-1, W)
    rows = _pad_rows(n)
    return jnp.pad(x.reshape(-1) * one, (0, rows * W - n)).reshape(rows, W)


def kernel(u, i, user, bias_user, movie, bias_movie, mean):
    one = (mean - mean) + jnp.float32(1.0)
    user128 = jnp.pad(user, ((0, 0), (0, W - K)))
    movie128 = jnp.pad(movie, ((0, 0), (0, W - K)))
    bu128 = _as_rows128(bias_user, one)
    bm128 = _as_rows128(bias_movie, one)
    mean_v = jnp.full((L,), mean, dtype=jnp.float32)
    return _sc_predict(u, i, user128, bu128, movie128, bm128, mean_v)

# --- scband reference (transcript-rebuilt; emitter-appended) ---
"""Pipeline reference for scband-model-66073776882092 (READ-ONLY COPY).

The authoritative reference and input builder live on the scoring server;
editing this copy changes nothing except your own understanding.
"""

import jax, jax.numpy as jnp
import numpy as np

USERS_NUM = 1000000
MOVIES_NUM = 100000
K = 32
BATCH = 16384


def setup_inputs(seed: int = 0) -> dict:
    key = jax.random.key(seed)
    k1, k2, k3, k4, k5, k6 = jax.random.split(key, 6)
    u = jax.random.randint(k1, (BATCH,), 0, USERS_NUM, dtype=jnp.int32)
    i = jax.random.randint(k2, (BATCH,), 0, MOVIES_NUM, dtype=jnp.int32)
    user = jax.random.normal(k3, (USERS_NUM, K), dtype=jnp.float32)
    bias_user = jax.random.normal(k4, (USERS_NUM, 1), dtype=jnp.float32)
    movie = jax.random.normal(k5, (MOVIES_NUM, K), dtype=jnp.float32)
    bias_movie = jax.random.normal(k6, (MOVIES_NUM, 1), dtype=jnp.float32)
    mean = jnp.asarray(3.5, dtype=jnp.float32)
    return {"u": u, "i": i, "user": user, "bias_user": bias_user,
            "movie": movie, "bias_movie": bias_movie, "mean": mean}


def reference(u, i, user, bias_user, movie, bias_movie, mean):
    # UserLayer: gather user embedding + user bias
    ue = jnp.take(user, u, axis=0)            # [B, K]
    bu = jnp.take(bias_user, u, axis=0)       # [B, 1]
    # MovieLayer: gather movie embedding + movie bias
    me = jnp.take(movie, i, axis=0)           # [B, K]
    bm = jnp.take(bias_movie, i, axis=0)      # [B, 1]
    # predict: per-sample dot product (tf.tensordot(user, movie, axes=1) on
    # scalar-indexed vectors), plus both biases and the global mean, squeezed.
    part1 = jnp.sum(ue * me, axis=-1)         # [B]
    part2 = jnp.squeeze(bu + bm, axis=-1)     # [B]
    part3 = mean
    res = part1 + part2 + part3
    return res

if __name__ == "__main__":
    import jax
    _d = setup_inputs()
    print(jax.jit(kernel)(*tuple(_d.values())))

</pallas_src>

<mosaic_0001>
#map = affine_map<(d0, d1) -> (0)>
#map1 = affine_map<(d0, d1) -> (0, 0)>
module attributes {stable_mosaic.version = 14 : i64} {
  func.func @_sc_predict(%arg0: i32, %arg1: i32, %arg2: memref<16384xi32, #tpu.memory_space<hbm>>, %arg3: memref<16384xi32, #tpu.memory_space<hbm>>, %arg4: memref<1000000x128xf32, #tpu.memory_space<hbm>>, %arg5: memref<7816x128xf32, #tpu.memory_space<hbm>>, %arg6: memref<100000x128xf32, #tpu.memory_space<hbm>>, %arg7: memref<784x128xf32, #tpu.memory_space<hbm>>, %arg8: memref<16xf32, #tpu.memory_space<hbm>>, %arg9: memref<16384xf32, #tpu.memory_space<hbm>>, %arg10: memref<512xi32, #tpu.memory_space<vmem>>, %arg11: memref<512xi32, #tpu.memory_space<vmem>>, %arg12: memref<512xi32, #tpu.memory_space<vmem>>, %arg13: memref<512xi32, #tpu.memory_space<vmem>>, %arg14: memref<512xi32, #tpu.memory_space<vmem>>, %arg15: memref<512xi32, #tpu.memory_space<vmem>>, %arg16: memref<128x128xf32, #tpu.memory_space<vmem>>, %arg17: memref<128x128xf32, #tpu.memory_space<vmem>>, %arg18: memref<128x128xf32, #tpu.memory_space<vmem>>, %arg19: memref<128x128xf32, #tpu.memory_space<vmem>>, %arg20: memref<16xf32, #tpu.memory_space<vmem>>, %arg21: memref<512xf32, #tpu.memory_space<vmem>>, %arg22: memref<!tpu.dma_semaphore, #tpu.memory_space<semaphore_mem>>) attributes {dimension_semantics = [#tpu.dimension_semantics<core_parallel>, #tpu.dimension_semantics<subcore_parallel>], iteration_bounds = array<i64: 2, 16>, scalar_prefetch = 0 : i64, scratch_operands = 13 : i64, tpu.core_type = #tpu.core_type<sc_vector_subcore>, window_params = [{transform_indices = #map}, {transform_indices = #map}, {transform_indices = #map1}, {transform_indices = #map1}, {transform_indices = #map1}, {transform_indices = #map1}, {transform_indices = #map}, {transform_indices = #map}]} {
    %mul3A = arith.constant 2 : i32
    %mul3A_0 = arith.muli %arg1, %mul3A : i32
    %add3A = arith.addi %mul3A_0, %arg0 : i32
    %mul3A_1 = arith.constant 512 : i32
    %mul3A_2 = arith.muli %add3A, %mul3A_1 : i32
    "tpu.region"() ({
      %run_scoped3A = tpu.sem_alloc : memref<!tpu.dma_semaphore, #tpu.memory_space<semaphore_mem>>
      %dma_start3A_199 = tpu.memref_slice %arg2[%mul3A_2] : memref<16384xi32, #tpu.memory_space<hbm>> -> memref<512xi32, #tpu.memory_space<hbm>>
      %dma_start3A_200 = tpu.memref_slice %arg2[%mul3A_2] : memref<16384xi32, #tpu.memory_space<hbm>> -> memref<512xi32, #tpu.memory_space<hbm>>
      tpu.enqueue_dma source(%dma_start3A_200 : memref<512xi32, #tpu.memory_space<hbm>>) target(%arg10 : memref<512xi32, #tpu.memory_space<vmem>>) target_semaphore(%run_scoped3A : memref<!tpu.dma_semaphore, #tpu.memory_space<semaphore_mem>>)
      %dma_wait3A_201 = tpu.memref_slice %arg2[%mul3A_2] : memref<16384xi32, #tpu.memory_space<hbm>> -> memref<512xi32, #tpu.memory_space<hbm>>
      %dma_wait3A_202 = tpu.memref_slice %arg2[%mul3A_2] : memref<16384xi32, #tpu.memory_space<hbm>> -> memref<512xi32, #tpu.memory_space<hbm>>
      tpu.wait_dma2 semaphore(%run_scoped3A : memref<!tpu.dma_semaphore, #tpu.memory_space<semaphore_mem>>) src(%dma_wait3A_202 : memref<512xi32, #tpu.memory_space<hbm>>) dst(%arg10 : memref<512xi32, #tpu.memory_space<vmem>>)
      tpu.yield
    }) : () -> ()
    "tpu.region"() ({
      %run_scoped3A = tpu.sem_alloc : memref<!tpu.dma_semaphore, #tpu.memory_space<semaphore_mem>>
      %dma_start3A_199 = tpu.memref_slice %arg3[%mul3A_2] : memref<16384xi32, #tpu.memory_space<hbm>> -> memref<512xi32, #tpu.memory_space<hbm>>
      %dma_start3A_200 = tpu.memref_slice %arg3[%mul3A_2] : memref<16384xi32, #tpu.memory_space<hbm>> -> memref<512xi32, #tpu.memory_space<hbm>>
      tpu.enqueue_dma source(%dma_start3A_200 : memref<512xi32, #tpu.memory_space<hbm>>) target(%arg11 : memref<512xi32, #tpu.memory_space<vmem>>) target_semaphore(%run_scoped3A : memref<!tpu.dma_semaphore, #tpu.memory_space<semaphore_mem>>)
      %dma_wait3A_201 = tpu.memref_slice %arg3[%mul3A_2] : memref<16384xi32, #tpu.memory_space<hbm>> -> memref<512xi32, #tpu.memory_space<hbm>>
      %dma_wait3A_202 = tpu.memref_slice %arg3[%mul3A_2] : memref<16384xi32, #tpu.memory_space<hbm>> -> memref<512xi32, #tpu.memory_space<hbm>>
      tpu.wait_dma2 semaphore(%run_scoped3A : memref<!tpu.dma_semaphore, #tpu.memory_space<semaphore_mem>>) src(%dma_wait3A_202 : memref<512xi32, #tpu.memory_space<hbm>>) dst(%arg11 : memref<512xi32, #tpu.memory_space<vmem>>)
      tpu.yield
    }) : () -> ()
    "tpu.region"() ({
      %run_scoped3A = tpu.sem_alloc : memref<!tpu.dma_semaphore, #tpu.memory_space<semaphore_mem>>
      tpu.enqueue_dma source(%arg8 : memref<16xf32, #tpu.memory_space<hbm>>) target(%arg20 : memref<16xf32, #tpu.memory_space<vmem>>) target_semaphore(%run_scoped3A : memref<!tpu.dma_semaphore, #tpu.memory_space<semaphore_mem>>)
      tpu.wait_dma2 semaphore(%run_scoped3A : memref<!tpu.dma_semaphore, #tpu.memory_space<semaphore_mem>>) src(%arg8 : memref<16xf32, #tpu.memory_space<hbm>>) dst(%arg20 : memref<16xf32, #tpu.memory_space<vmem>>)
      tpu.yield
    }) : () -> ()
    %scan3A = arith.constant 0 : i32
    %scan3A_3 = arith.constant 0 : i32
    %scan3A_4 = arith.constant 32 : i32
    %scan3A_5 = arith.addi %scan3A_3, %scan3A_4 : i32
    %scan3A_6 = arith.constant 1 : i32
    %scan3A_7 = scf.for %scan3A_199 = %scan3A_3 to %scan3A_5 step %scan3A_6 iter_args(%scan3A_200 = %scan3A) -> (i32)  : i32 {
      %mul3A_201 = arith.constant 16 : i32
      %mul3A_202 = arith.muli %scan3A_199, %mul3A_201 : i32
      %multiple_of3A = tpu.assume_multiple %mul3A_202, 16 : i32
      %get3A_203 = arith.index_cast %multiple_of3A : i32 to index
      %get3A_204 = tpu.vector_load %arg10[%get3A_203] {strides = array<i32>} : memref<512xi32, #tpu.memory_space<vmem>>, vector<16xi32>,
      %get3A_205 = arith.index_cast %multiple_of3A : i32 to index
      %get3A_206 = tpu.vector_load %arg11[%get3A_205] {strides = array<i32>} : memref<512xi32, #tpu.memory_space<vmem>>, vector<16xi32>,
      %swap3A = arith.index_cast %multiple_of3A : i32 to index
      %swap3A_207 = tpu.vector_load %arg12[%swap3A] {strides = array<i32>} : memref<512xi32, #tpu.memory_space<vmem>>, vector<16xi32>,
      tpu.vector_store %arg12[%swap3A], %get3A_204 {strides = array<i32>} : memref<512xi32, #tpu.memory_space<vmem>>, vector<16xi32>,
      %swap3A_208 = arith.index_cast %multiple_of3A : i32 to index
      %swap3A_209 = tpu.vector_load %arg13[%swap3A_208] {strides = array<i32>} : memref<512xi32, #tpu.memory_space<vmem>>, vector<16xi32>,
      tpu.vector_store %arg13[%swap3A_208], %get3A_206 {strides = array<i32>} : memref<512xi32, #tpu.memory_space<vmem>>, vector<16xi32>,
      %shift_right_logical3A = arith.constant 7 : i32
      %shift_right_logical3A_210 = vector.broadcast %shift_right_logical3A : i32 to vector<16xi32>
      %shift_right_logical3A_211 = arith.shrui %get3A_204, %shift_right_logical3A_210 : vector<16xi32>
      %swap3A_212 = arith.index_cast %multiple_of3A : i32 to index
      %swap3A_213 = tpu.vector_load %arg14[%swap3A_212] {strides = array<i32>} : memref<512xi32, #tpu.memory_space<vmem>>, vector<16xi32>,
      tpu.vector_store %arg14[%swap3A_212], %shift_right_logical3A_211 {strides = array<i32>} : memref<512xi32, #tpu.memory_space<vmem>>, vector<16xi32>,
      %shift_right_logical3A_214 = arith.constant 7 : i32
      %shift_right_logical3A_215 = vector.broadcast %shift_right_logical3A_214 : i32 to vector<16xi32>
      %shift_right_logical3A_216 = arith.shrui %get3A_206, %shift_right_logical3A_215 : vector<16xi32>
      %swap3A_217 = arith.index_cast %multiple_of3A : i32 to index
      %swap3A_218 = tpu.vector_load %arg15[%swap3A_217] {strides = array<i32>} : memref<512xi32, #tpu.memory_space<vmem>>, vector<16xi32>,
      tpu.vector_store %arg15[%swap3A_217], %shift_right_logical3A_216 {strides = array<i32>} : memref<512xi32, #tpu.memory_space<vmem>>, vector<16xi32>,
      %scan3A_219 = arith.constant 0 : i32
      scf.yield %scan3A_219 : i32
    }
    %scan3A_8 = arith.constant 32 : i32
    %get3A = arith.constant 0 : index
    %get3A_9 = tpu.vector_load %arg20[%get3A] {strides = array<i32>} : memref<16xf32, #tpu.memory_space<vmem>>, vector<16xf32>,
    %broadcast_in_dim3A = arith.constant 3 : i32
    %broadcast_in_dim3A_10 = vector.broadcast %broadcast_in_dim3A : i32 to vector<16xi32>
    %broadcast_in_dim3A_11 = arith.constant 127 : i32
    %broadcast_in_dim3A_12 = vector.broadcast %broadcast_in_dim3A_11 : i32 to vector<16xi32>
    %iota3A = tpu.iota {dimensions = array<i32: 0>} : vector<16xi32>
    %dma_start3A = arith.constant 0 : i32
    %dma_start3A_13 = tpu.memref_slice %arg12[%dma_start3A] : memref<512xi32, #tpu.memory_space<vmem>> -> memref<128xi32, #tpu.memory_space<vmem>>
    %dma_start3A_14 = arith.constant 0 : i32
    %dma_start3A_15 = arith.constant 0 : i32
    %dma_start3A_16 = tpu.memref_slice %arg4[%dma_start3A_14, %dma_start3A_15] : memref<1000000x128xf32, #tpu.memory_space<hbm>> -> memref<1000000x128xf32, #tpu.memory_space<hbm>>
    tpu.enqueue_indirect_dma source(%dma_start3A_16 : memref<1000000x128xf32, #tpu.memory_space<hbm>>) target(%arg16 : memref<128x128xf32, #tpu.memory_space<vmem>>) offsets(%dma_start3A_13 : memref<128xi32, #tpu.memory_space<vmem>>) semaphore(%arg22 : memref<!tpu.dma_semaphore, #tpu.memory_space<semaphore_mem>>)
    %dma_start3A_17 = arith.constant 0 : i32
    %dma_start3A_18 = tpu.memref_slice %arg13[%dma_start3A_17] : memref<512xi32, #tpu.memory_space<vmem>> -> memref<128xi32, #tpu.memory_space<vmem>>
    %dma_start3A_19 = arith.constant 0 : i32
    %dma_start3A_20 = arith.constant 0 : i32
    %dma_start3A_21 = tpu.memref_slice %arg6[%dma_start3A_19, %dma_start3A_20] : memref<100000x128xf32, #tpu.memory_space<hbm>> -> memref<100000x128xf32, #tpu.memory_space<hbm>>
    tpu.enqueue_indirect_dma source(%dma_start3A_21 : memref<100000x128xf32, #tpu.memory_space<hbm>>) target(%arg17 : memref<128x128xf32, #tpu.memory_space<vmem>>) offsets(%dma_start3A_18 : memref<128xi32, #tpu.memory_space<vmem>>) semaphore(%arg22 : memref<!tpu.dma_semaphore, #tpu.memory_space<semaphore_mem>>)
    %dma_start3A_22 = arith.constant 0 : i32
    %dma_start3A_23 = tpu.memref_slice %arg14[%dma_start3A_22] : memref<512xi32, #tpu.memory_space<vmem>> -> memref<128xi32, #tpu.memory_space<vmem>>
    %dma_start3A_24 = arith.constant 0 : i32
    %dma_start3A_25 = arith.constant 0 : i32
    %dma_start3A_26 = tpu.memref_slice %arg5[%dma_start3A_24, %dma_start3A_25] : memref<7816x128xf32, #tpu.memory_space<hbm>> -> memref<7816x128xf32, #tpu.memory_space<hbm>>
    tpu.enqueue_indirect_dma source(%dma_start3A_26 : memref<7816x128xf32, #tpu.memory_space<hbm>>) target(%arg18 : memref<128x128xf32, #tpu.memory_space<vmem>>) offsets(%dma_start3A_23 : memref<128xi32, #tpu.memory_space<vmem>>) semaphore(%arg22 : memref<!tpu.dma_semaphore, #tpu.memory_space<semaphore_mem>>)
    %dma_start3A_27 = arith.constant 0 : i32
    %dma_start3A_28 = tpu.memref_slice %arg15[%dma_start3A_27] : memref<512xi32, #tpu.memory_space<vmem>> -> memref<128xi32, #tpu.memory_space<vmem>>
    %dma_start3A_29 = arith.constant 0 : i32
    %dma_start3A_30 = arith.constant 0 : i32
    %dma_start3A_31 = tpu.memref_slice %arg7[%dma_start3A_29, %dma_start3A_30] : memref<784x128xf32, #tpu.memory_space<hbm>> -> memref<784x128xf32, #tpu.memory_space<hbm>>
    tpu.enqueue_indirect_dma source(%dma_start3A_31 : memref<784x128xf32, #tpu.memory_space<hbm>>) target(%arg19 : memref<128x128xf32, #tpu.memory_space<vmem>>) offsets(%dma_start3A_28 : memref<128xi32, #tpu.memory_space<vmem>>) semaphore(%arg22 : memref<!tpu.dma_semaphore, #tpu.memory_space<semaphore_mem>>)
    %dma_wait3A = arith.constant 0 : i32
    %dma_wait3A_32 = tpu.memref_slice %arg12[%dma_wait3A] : memref<512xi32, #tpu.memory_space<vmem>> -> memref<128xi32, #tpu.memory_space<vmem>>
    %dma_wait3A_33 = arith.constant 0 : i32
    %dma_wait3A_34 = arith.constant 0 : i32
    %dma_wait3A_35 = tpu.memref_slice %arg4[%dma_wait3A_33, %dma_wait3A_34] : memref<1000000x128xf32, #tpu.memory_space<hbm>> -> memref<1000000x128xf32, #tpu.memory_space<hbm>>
    tpu.wait_indirect_dma semaphore(%arg22 : memref<!tpu.dma_semaphore, #tpu.memory_space<semaphore_mem>>) src(%dma_wait3A_35 : memref<1000000x128xf32, #tpu.memory_space<hbm>>) dst(%arg16 : memref<128x128xf32, #tpu.memory_space<vmem>>)
    %dma_wait3A_36 = arith.constant 0 : i32
    %dma_wait3A_37 = tpu.memref_slice %arg13[%dma_wait3A_36] : memref<512xi32, #tpu.memory_space<vmem>> -> memref<128xi32, #tpu.memory_space<vmem>>
    %dma_wait3A_38 = arith.constant 0 : i32
    %dma_wait3A_39 = arith.constant 0 : i32
    %dma_wait3A_40 = tpu.memref_slice %arg6[%dma_wait3A_38, %dma_wait3A_39] : memref<100000x128xf32, #tpu.memory_space<hbm>> -> memref<100000x128xf32, #tpu.memory_space<hbm>>
    tpu.wait_indirect_dma semaphore(%arg22 : memref<!tpu.dma_semaphore, #tpu.memory_space<semaphore_mem>>) src(%dma_wait3A_40 : memref<100000x128xf32, #tpu.memory_space<hbm>>) dst(%arg17 : memref<128x128xf32, #tpu.memory_space<vmem>>)
    %dma_wait3A_41 = arith.constant 0 : i32
    %dma_wait3A_42 = tpu.memref_slice %arg14[%dma_wait3A_41] : memref<512xi32, #tpu.memory_space<vmem>> -> memref<128xi32, #tpu.memory_space<vmem>>
    %dma_wait3A_43 = arith.constant 0 : i32
    %dma_wait3A_44 = arith.constant 0 : i32
    %dma_wait3A_45 = tpu.memref_slice %arg5[%dma_wait3A_43, %dma_wait3A_44] : memref<7816x128xf32, #tpu.memory_space<hbm>> -> memref<7816x128xf32, #tpu.memory_space<hbm>>
    tpu.wait_indirect_dma semaphore(%arg22 : memref<!tpu.dma_semaphore, #tpu.memory_space<semaphore_mem>>) src(%dma_wait3A_45 : memref<7816x128xf32, #tpu.memory_space<hbm>>) dst(%arg18 : memref<128x128xf32, #tpu.memory_space<vmem>>)
    %dma_wait3A_46 = arith.constant 0 : i32
    %dma_wait3A_47 = tpu.memref_slice %arg15[%dma_wait3A_46] : memref<512xi32, #tpu.memory_space<vmem>> -> memref<128xi32, #tpu.memory_space<vmem>>
    %dma_wait3A_48 = arith.constant 0 : i32
    %dma_wait3A_49 = arith.constant 0 : i32
    %dma_wait3A_50 = tpu.memref_slice %arg7[%dma_wait3A_48, %dma_wait3A_49] : memref<784x128xf32, #tpu.memory_space<hbm>> -> memref<784x128xf32, #tpu.memory_space<hbm>>
    tpu.wait_indirect_dma semaphore(%arg22 : memref<!tpu.dma_semaphore, #tpu.memory_space<semaphore_mem>>) src(%dma_wait3A_50 : memref<784x128xf32, #tpu.memory_space<hbm>>) dst(%arg19 : memref<128x128xf32, #tpu.memory_space<vmem>>)
    %scan3A_51 = arith.constant 0 : i32
    %scan3A_52 = arith.constant 0 : i32
    %scan3A_53 = arith.constant 8 : i32
    %scan3A_54 = arith.addi %scan3A_52, %scan3A_53 : i32
    %scan3A_55 = arith.constant 1 : i32
    %scan3A_56 = scf.for %scan3A_199 = %scan3A_52 to %scan3A_54 step %scan3A_55 iter_args(%scan3A_200 = %scan3A_51) -> (i32)  : i32 {
      %multiple_of3A = arith.constant 0 : i32
      %multiple_of3A_201 = tpu.assume_multiple %multiple_of3A, 16 : i32
      %mul3A_202 = arith.constant 16 : i32
      %mul3A_203 = arith.muli %scan3A_199, %mul3A_202 : i32
      %add3A_204 = arith.addi %multiple_of3A_201, %mul3A_203 : i32
      %mul3A_205 = arith.constant 16 : i32
      %mul3A_206 = arith.muli %scan3A_199, %mul3A_205 : i32
      %add3A_207 = vector.broadcast %mul3A_206 : i32 to vector<16xi32>
      %add3A_208 = arith.addi %add3A_207, %iota3A : vector<16xi32>
      %get3A_209 = arith.index_cast %add3A_204 : i32 to index
      %get3A_210 = tpu.vector_load %arg10[%get3A_209] {strides = array<i32>} : memref<512xi32, #tpu.memory_space<vmem>>, vector<16xi32>,
      %get3A_211 = arith.index_cast %add3A_204 : i32 to index
      %get3A_212 = tpu.vector_load %arg11[%get3A_211] {strides = array<i32>} : memref<512xi32, #tpu.memory_space<vmem>>, vector<16xi32>,
      %broadcast_in_dim3A_213 = arith.constant 0.000000e+00 : f32
      %broadcast_in_dim3A_214 = vector.broadcast %broadcast_in_dim3A_213 : f32 to vector<16xf32>
      %broadcast_in_dim3A_215 = arith.constant 0 : i32
      %broadcast_in_dim3A_216 = vector.broadcast %broadcast_in_dim3A_215 : i32 to vector<16xi32>
      %gather3A = tpu.vector_load_idx %arg16[%add3A_208, %broadcast_in_dim3A_216] : memref<128x128xf32, #tpu.memory_space<vmem>>[vector<16xi32>, vector<16xi32>], vector<16xf32>,
      %gather3A_217 = tpu.vector_load_idx %arg17[%add3A_208, %broadcast_in_dim3A_216] : memref<128x128xf32, #tpu.memory_space<vmem>>[vector<16xi32>, vector<16xi32>], vector<16xf32>,
      %mul3A_218 = arith.mulf %gather3A, %gather3A_217 : vector<16xf32>
      %add3A_219 = arith.addf %broadcast_in_dim3A_214, %mul3A_218 : vector<16xf32>
      %broadcast_in_dim3A_220 = arith.constant 1 : i32
      %broadcast_in_dim3A_221 = vector.broadcast %broadcast_in_dim3A_220 : i32 to vector<16xi32>
      %gather3A_222 = tpu.vector_load_idx %arg16[%add3A_208, %broadcast_in_dim3A_221] : memref<128x128xf32, #tpu.memory_space<vmem>>[vector<16xi32>, vector<16xi32>], vector<16xf32>,
      %gather3A_223 = tpu.vector_load_idx %arg17[%add3A_208, %broadcast_in_dim3A_221] : memref<128x128xf32, #tpu.memory_space<vmem>>[vector<16xi32>, vector<16xi32>], vector<16xf32>,
      %mul3A_224 = arith.mulf %gather3A_222, %gather3A_223 : vector<16xf32>
      %add3A_225 = arith.addf %add3A_219, %mul3A_224 : vector<16xf32>
      %broadcast_in_dim3A_226 = arith.constant 2 : i32
      %broadcast_in_dim3A_227 = vector.broadcast %broadcast_in_dim3A_226 : i32 to vector<16xi32>
      %gather3A_228 = tpu.vector_load_idx %arg16[%add3A_208, %broadcast_in_dim3A_227] : memref<128x128xf32, #tpu.memory_space<vmem>>[vector<16xi32>, vector<16xi32>], vector<16xf32>,
      %gather3A_229 = tpu.vector_load_idx %arg17[%add3A_208, %broadcast_in_dim3A_227] : memref<128x128xf32, #tpu.memory_space<vmem>>[vector<16xi32>, vector<16xi32>], vector<16xf32>,
      %mul3A_230 = arith.mulf %gather3A_228, %gather3A_229 : vector<16xf32>
      %add3A_231 = arith.addf %add3A_225, %mul3A_230 : vector<16xf32>
      %broadcast_in_dim3A_232 = arith.constant 3 : i32
      %broadcast_in_dim3A_233 = vector.broadcast %broadcast_in_dim3A_232 : i32 to vector<16xi32>
      %gather3A_234 = tpu.vector_load_idx %arg16[%add3A_208, %broadcast_in_dim3A_233] : memref<128x128xf32, #tpu.memory_space<vmem>>[vector<16xi32>, vector<16xi32>], vector<16xf32>,
      %gather3A_235 = tpu.vector_load_idx %arg17[%add3A_208, %broadcast_in_dim3A_233] : memref<128x128xf32, #tpu.memory_space<vmem>>[vector<16xi32>, vector<16xi32>], vector<16xf32>,
      %mul3A_236 = arith.mulf %gather3A_234, %gather3A_235 : vector<16xf32>
      %add3A_237 = arith.addf %add3A_231, %mul3A_236 : vector<16xf32>
      %broadcast_in_dim3A_238 = arith.constant 4 : i32
      %broadcast_in_dim3A_239 = vector.broadcast %broadcast_in_dim3A_238 : i32 to vector<16xi32>
      %gather3A_240 = tpu.vector_load_idx %arg16[%add3A_208, %broadcast_in_dim3A_239] : memref<128x128xf32, #tpu.memory_space<vmem>>[vector<16xi32>, vector<16xi32>], vector<16xf32>,
      %gather3A_241 = tpu.vector_load_idx %arg17[%add3A_208, %broadcast_in_dim3A_239] : memref<128x128xf32, #tpu.memory_space<vmem>>[vector<16xi32>, vector<16xi32>], vector<16xf32>,
      %mul3A_242 = arith.mulf %gather3A_240, %gather3A_241 : vector<16xf32>
      %add3A_243 = arith.addf %add3A_237, %mul3A_242 : vector<16xf32>
      %broadcast_in_dim3A_244 = arith.constant 5 : i32
      %broadcast_in_dim3A_245 = vector.broadcast %broadcast_in_dim3A_244 : i32 to vector<16xi32>
      %gather3A_246 = tpu.vector_load_idx %arg16[%add3A_208, %broadcast_in_dim3A_245] : memref<128x128xf32, #tpu.memory_space<vmem>>[vector<16xi32>, vector<16xi32>], vector<16xf32>,
      %gather3A_247 = tpu.vector_load_idx %arg17[%add3A_208, %broadcast_in_dim3A_245] : memref<128x128xf32, #tpu.memory_space<vmem>>[vector<16xi32>, vector<16xi32>], vector<16xf32>,
      %mul3A_248 = arith.mulf %gather3A_246, %gather3A_247 : vector<16xf32>
      %add3A_249 = arith.addf %add3A_243, %mul3A_248 : vector<16xf32>
      %broadcast_in_dim3A_250 = arith.constant 6 : i32
      %broadcast_in_dim3A_251 = vector.broadcast %broadcast_in_dim3A_250 : i32 to vector<16xi32>
      %gather3A_252 = tpu.vector_load_idx %arg16[%add3A_208, %broadcast_in_dim3A_251] : memref<128x128xf32, #tpu.memory_space<vmem>>[vector<16xi32>, vector<16xi32>], vector<16xf32>,
      %gather3A_253 = tpu.vector_load_idx %arg17[%add3A_208, %broadcast_in_dim3A_251] : memref<128x128xf32, #tpu.memory_space<vmem>>[vector<16xi32>, vector<16xi32>], vector<16xf32>,
      %mul3A_254 = arith.mulf %gather3A_252, %gather3A_253 : vector<16xf32>
      %add3A_255 = arith.addf %add3A_249, %mul3A_254 : vector<16xf32>
      %broadcast_in_dim3A_256 = arith.constant 7 : i32
      %broadcast_in_dim3A_257 = vector.broadcast %broadcast_in_dim3A_256 : i32 to vector<16xi32>
      %gather3A_258 = tpu.vector_load_idx %arg16[%add3A_208, %broadcast_in_dim3A_257] : memref<128x128xf32, #tpu.memory_space<vmem>>[vector<16xi32>, vector<16xi32>], vector<16xf32>,
      %gather3A_259 = tpu.vector_load_idx %arg17[%add3A_208, %broadcast_in_dim3A_257] : memref<128x128xf32, #tpu.memory_space<vmem>>[vector<16xi32>, vector<16xi32>], vector<16xf32>,
      %mul3A_260 = arith.mulf %gather3A_258, %gather3A_259 : vector<16xf32>
      %add3A_261 = arith.addf %add3A_255, %mul3A_260 : vector<16xf32>
      %broadcast_in_dim3A_262 = arith.constant 8 : i32
      %broadcast_in_dim3A_263 = vector.broadcast %broadcast_in_dim3A_262 : i32 to vector<16xi32>
      %gather3A_264 = tpu.vector_load_idx %arg16[%add3A_208, %broadcast_in_dim3A_263] : memref<128x128xf32, #tpu.memory_space<vmem>>[vector<16xi32>, vector<16xi32>], vector<16xf32>,
      %gather3A_265 = tpu.vector_load_idx %arg17[%add3A_208, %broadcast_in_dim3A_263] : memref<128x128xf32, #tpu.memory_space<vmem>>[vector<16xi32>, vector<16xi32>], vector<16xf32>,
      %mul3A_266 = arith.mulf %gather3A_264, %gather3A_265 : vector<16xf32>
      %add3A_267 = arith.addf %add3A_261, %mul3A_266 : vector<16xf32>
      %broadcast_in_dim3A_268 = arith.constant 9 : i32
      %broadcast_in_dim3A_269 = vector.broadcast %broadcast_in_dim3A_268 : i32 to vector<16xi32>
      %gather3A_270 = tpu.vector_load_idx %arg16[%add3A_208, %broadcast_in_dim3A_269] : memref<128x128xf32, #tpu.memory_space<vmem>>[vector<16xi32>, vector<16xi32>], vector<16xf32>,
      %gather3A_271 = tpu.vector_load_idx %arg17[%add3A_208, %broadcast_in_dim3A_269] : memref<128x128xf32, #tpu.memory_space<vmem>>[vector<16xi32>, vector<16xi32>], vector<16xf32>,
      %mul3A_272 = arith.mulf %gather3A_270, %gather3A_271 : vector<16xf32>
      %add3A_273 = arith.addf %add3A_267, %mul3A_272 : vector<16xf32>
      %broadcast_in_dim3A_274 = arith.constant 10 : i32
      %broadcast_in_dim3A_275 = vector.broadcast %broadcast_in_dim3A_274 : i32 to vector<16xi32>
      %gather3A_276 = tpu.vector_load_idx %arg16[%add3A_208, %broadcast_in_dim3A_275] : memref<128x128xf32, #tpu.memory_space<vmem>>[vector<16xi32>, vector<16xi32>], vector<16xf32>,
      %gather3A_277 = tpu.vector_load_idx %arg17[%add3A_208, %broadcast_in_dim3A_275] : memref<128x128xf32, #tpu.memory_space<vmem>>[vector<16xi32>, vector<16xi32>], vector<16xf32>,
      %mul3A_278 = arith.mulf %gather3A_276, %gather3A_277 : vector<16xf32>
      %add3A_279 = arith.addf %add3A_273, %mul3A_278 : vector<16xf32>
      %broadcast_in_dim3A_280 = arith.constant 11 : i32
      %broadcast_in_dim3A_281 = vector.broadcast %broadcast_in_dim3A_280 : i32 to vector<16xi32>
      %gather3A_282 = tpu.vector_load_idx %arg16[%add3A_208, %broadcast_in_dim3A_281] : memref<128x128xf32, #tpu.memory_space<vmem>>[vector<16xi32>, vector<16xi32>], vector<16xf32>,
      %gather3A_283 = tpu.vector_load_idx %arg17[%add3A_208, %broadcast_in_dim3A_281] : memref<128x128xf32, #tpu.memory_space<vmem>>[vector<16xi32>, vector<16xi32>], vector<16xf32>,
      %mul3A_284 = arith.mulf %gather3A_282, %gather3A_283 : vector<16xf32>
      %add3A_285 = arith.addf %add3A_279, %mul3A_284 : vector<16xf32>
      %broadcast_in_dim3A_286 = arith.constant 12 : i32
      %broadcast_in_dim3A_287 = vector.broadcast %broadcast_in_dim3A_286 : i32 to vector<16xi32>
      %gather3A_288 = tpu.vector_load_idx %arg16[%add3A_208, %broadcast_in_dim3A_287] : memref<128x128xf32, #tpu.memory_space<vmem>>[vector<16xi32>, vector<16xi32>], vector<16xf32>,
      %gather3A_289 = tpu.vector_load_idx %arg17[%add3A_208, %broadcast_in_dim3A_287] : memref<128x128xf32, #tpu.memory_space<vmem>>[vector<16xi32>, vector<16xi32>], vector<16xf32>,
      %mul3A_290 = arith.mulf %gather3A_288, %gather3A_289 : vector<16xf32>
      %add3A_291 = arith.addf %add3A_285, %mul3A_290 : vector<16xf32>
      %broadcast_in_dim3A_292 = arith.constant 13 : i32
      %broadcast_in_dim3A_293 = vector.broadcast %broadcast_in_dim3A_292 : i32 to vector<16xi32>
      %gather3A_294 = tpu.vector_load_idx %arg16[%add3A_208, %broadcast_in_dim3A_293] : memref<128x128xf32, #tpu.memory_space<vmem>>[vector<16xi32>, vector<16xi32>], vector<16xf32>,
      %gather3A_295 = tpu.vector_load_idx %arg17[%add3A_208, %broadcast_in_dim3A_293] : memref<128x128xf32, #tpu.memory_space<vmem>>[vector<16xi32>, vector<16xi32>], vector<16xf32>,
      %mul3A_296 = arith.mulf %gather3A_294, %gather3A_295 : vector<16xf32>
      %add3A_297 = arith.addf %add3A_291, %mul3A_296 : vector<16xf32>
      %broadcast_in_dim3A_298 = arith.constant 14 : i32
      %broadcast_in_dim3A_299 = vector.broadcast %broadcast_in_dim3A_298 : i32 to vector<16xi32>
      %gather3A_300 = tpu.vector_load_idx %arg16[%add3A_208, %broadcast_in_dim3A_299] : memref<128x128xf32, #tpu.memory_space<vmem>>[vector<16xi32>, vector<16xi32>], vector<16xf32>,
      %gather3A_301 = tpu.vector_load_idx %arg17[%add3A_208, %broadcast_in_dim3A_299] : memref<128x128xf32, #tpu.memory_space<vmem>>[vector<16xi32>, vector<16xi32>], vector<16xf32>,
      %mul3A_302 = arith.mulf %gather3A_300, %gather3A_301 : vector<16xf32>
      %add3A_303 = arith.addf %add3A_297, %mul3A_302 : vector<16xf32>
      %broadcast_in_dim3A_304 = arith.constant 15 : i32
      %broadcast_in_dim3A_305 = vector.broadcast %broadcast_in_dim3A_304 : i32 to vector<16xi32>
      %gather3A_306 = tpu.vector_load_idx %arg16[%add3A_208, %broadcast_in_dim3A_305] : memref<128x128xf32, #tpu.memory_space<vmem>>[vector<16xi32>, vector<16xi32>], vector<16xf32>,
      %gather3A_307 = tpu.vector_load_idx %arg17[%add3A_208, %broadcast_in_dim3A_305] : memref<128x128xf32, #tpu.memory_space<vmem>>[vector<16xi32>, vector<16xi32>], vector<16xf32>,
      %mul3A_308 = arith.mulf %gather3A_306, %gather3A_307 : vector<16xf32>
      %add3A_309 = arith.addf %add3A_303, %mul3A_308 : vector<16xf32>
      %broadcast_in_dim3A_310 = arith.constant 16 : i32
      %broadcast_in_dim3A_311 = vector.broadcast %broadcast_in_dim3A_310 : i32 to vector<16xi32>
      %gather3A_312 = tpu.vector_load_idx %arg16[%add3A_208, %broadcast_in_dim3A_311] : memref<128x128xf32, #tpu.memory_space<vmem>>[vector<16xi32>, vector<16xi32>], vector<16xf32>,
      %gather3A_313 = tpu.vector_load_idx %arg17[%add3A_208, %broadcast_in_dim3A_311] : memref<128x128xf32, #tpu.memory_space<vmem>>[vector<16xi32>, vector<16xi32>], vector<16xf32>,
      %mul3A_314 = arith.mulf %gather3A_312, %gather3A_313 : vector<16xf32>
      %add3A_315 = arith.addf %add3A_309, %mul3A_314 : vector<16xf32>
      %broadcast_in_dim3A_316 = arith.constant 17 : i32
      %broadcast_in_dim3A_317 = vector.broadcast %broadcast_in_dim3A_316 : i32 to vector<16xi32>
      %gather3A_318 = tpu.vector_load_idx %arg16[%add3A_208, %broadcast_in_dim3A_317] : memref<128x128xf32, #tpu.memory_space<vmem>>[vector<16xi32>, vector<16xi32>], vector<16xf32>,
      %gather3A_319 = tpu.vector_load_idx %arg17[%add3A_208, %broadcast_in_dim3A_317] : memref<128x128xf32, #tpu.memory_space<vmem>>[vector<16xi32>, vector<16xi32>], vector<16xf32>,
      %mul3A_320 = arith.mulf %gather3A_318, %gather3A_319 : vector<16xf32>
      %add3A_321 = arith.addf %add3A_315, %mul3A_320 : vector<16xf32>
      %broadcast_in_dim3A_322 = arith.constant 18 : i32
      %broadcast_in_dim3A_323 = vector.broadcast %broadcast_in_dim3A_322 : i32 to vector<16xi32>
      %gather3A_324 = tpu.vector_load_idx %arg16[%add3A_208, %broadcast_in_dim3A_323] : memref<128x128xf32, #tpu.memory_space<vmem>>[vector<16xi32>, vector<16xi32>], vector<16xf32>,
      %gather3A_325 = tpu.vector_load_idx %arg17[%add3A_208, %broadcast_in_dim3A_323] : memref<128x128xf32, #tpu.memory_space<vmem>>[vector<16xi32>, vector<16xi32>], vector<16xf32>,
      %mul3A_326 = arith.mulf %gather3A_324, %gather3A_325 : vector<16xf32>
      %add3A_327 = arith.addf %add3A_321, %mul3A_326 : vector<16xf32>
      %broadcast_in_dim3A_328 = arith.constant 19 : i32
      %broadcast_in_dim3A_329 = vector.broadcast %broadcast_in_dim3A_328 : i32 to vector<16xi32>
      %gather3A_330 = tpu.vector_load_idx %arg16[%add3A_208, %broadcast_in_dim3A_329] : memref<128x128xf32, #tpu.memory_space<vmem>>[vector<16xi32>, vector<16xi32>], vector<16xf32>,
      %gather3A_331 = tpu.vector_load_idx %arg17[%add3A_208, %broadcast_in_dim3A_329] : memref<128x128xf32, #tpu.memory_space<vmem>>[vector<16xi32>, vector<16xi32>], vector<16xf32>,
      %mul3A_332 = arith.mulf %gather3A_330, %gather3A_331 : vector<16xf32>
      %add3A_333 = arith.addf %add3A_327, %mul3A_332 : vector<16xf32>
      %broadcast_in_dim3A_334 = arith.constant 20 : i32
      %broadcast_in_dim3A_335 = vector.broadcast %broadcast_in_dim3A_334 : i32 to vector<16xi32>
      %gather3A_336 = tpu.vector_load_idx %arg16[%add3A_208, %broadcast_in_dim3A_335] : memref<128x128xf32, #tpu.memory_space<vmem>>[vector<16xi32>, vector<16xi32>], vector<16xf32>,
      %gather3A_337 = tpu.vector_load_idx %arg17[%add3A_208, %broadcast_in_dim3A_335] : memref<128x128xf32, #tpu.memory_space<vmem>>[vector<16xi32>, vector<16xi32>], vector<16xf32>,
      %mul3A_338 = arith.mulf %gather3A_336, %gather3A_337 : vector<16xf32>
      %add3A_339 = arith.addf %add3A_333, %mul3A_338 : vector<16xf32>
      %broadcast_in_dim3A_340 = arith.constant 21 : i32
      %broadcast_in_dim3A_341 = vector.broadcast %broadcast_in_dim3A_340 : i32 to vector<16xi32>
      %gather3A_342 = tpu.vector_load_idx %arg16[%add3A_208, %broadcast_in_dim3A_341] : memref<128x128xf32, #tpu.memory_space<vmem>>[vector<16xi32>, vector<16xi32>], vector<16xf32>,
      %gather3A_343 = tpu.vector_load_idx %arg17[%add3A_208, %broadcast_in_dim3A_341] : memref<128x128xf32, #tpu.memory_space<vmem>>[vector<16xi32>, vector<16xi32>], vector<16xf32>,
      %mul3A_344 = arith.mulf %gather3A_342, %gather3A_343 : vector<16xf32>
      %add3A_345 = arith.addf %add3A_339, %mul3A_344 : vector<16xf32>
      %broadcast_in_dim3A_346 = arith.constant 22 : i32
      %broadcast_in_dim3A_347 = vector.broadcast %broadcast_in_dim3A_346 : i32 to vector<16xi32>
      %gather3A_348 = tpu.vector_load_idx %arg16[%add3A_208, %broadcast_in_dim3A_347] : memref<128x128xf32, #tpu.memory_space<vmem>>[vector<16xi32>, vector<16xi32>], vector<16xf32>,
      %gather3A_349 = tpu.vector_load_idx %arg17[%add3A_208, %broadcast_in_dim3A_347] : memref<128x128xf32, #tpu.memory_space<vmem>>[vector<16xi32>, vector<16xi32>], vector<16xf32>,
      %mul3A_350 = arith.mulf %gather3A_348, %gather3A_349 : vector<16xf32>
      %add3A_351 = arith.addf %add3A_345, %mul3A_350 : vector<16xf32>
      %broadcast_in_dim3A_352 = arith.constant 23 : i32
      %broadcast_in_dim3A_353 = vector.broadcast %broadcast_in_dim3A_352 : i32 to vector<16xi32>
      %gather3A_354 = tpu.vector_load_idx %arg16[%add3A_208, %broadcast_in_dim3A_353] : memref<128x128xf32, #tpu.memory_space<vmem>>[vector<16xi32>, vector<16xi32>], vector<16xf32>,
      %gather3A_355 = tpu.vector_load_idx %arg17[%add3A_208, %broadcast_in_dim3A_353] : memref<128x128xf32, #tpu.memory_space<vmem>>[vector<16xi32>, vector<16xi32>], vector<16xf32>,
      %mul3A_356 = arith.mulf %gather3A_354, %gather3A_355 : vector<16xf32>
      %add3A_357 = arith.addf %add3A_351, %mul3A_356 : vector<16xf32>
      %broadcast_in_dim3A_358 = arith.constant 24 : i32
      %broadcast_in_dim3A_359 = vector.broadcast %broadcast_in_dim3A_358 : i32 to vector<16xi32>
      %gather3A_360 = tpu.vector_load_idx %arg16[%add3A_208, %broadcast_in_dim3A_359] : memref<128x128xf32, #tpu.memory_space<vmem>>[vector<16xi32>, vector<16xi32>], vector<16xf32>,
      %gather3A_361 = tpu.vector_load_idx %arg17[%add3A_208, %broadcast_in_dim3A_359] : memref<128x128xf32, #tpu.memory_space<vmem>>[vector<16xi32>, vector<16xi32>], vector<16xf32>,
      %mul3A_362 = arith.mulf %gather3A_360, %gather3A_361 : vector<16xf32>
      %add3A_363 = arith.addf %add3A_357, %mul3A_362 : vector<16xf32>
      %broadcast_in_dim3A_364 = arith.constant 25 : i32
      %broadcast_in_dim3A_365 = vector.broadcast %broadcast_in_dim3A_364 : i32 to vector<16xi32>
      %gather3A_366 = tpu.vector_load_idx %arg16[%add3A_208, %broadcast_in_dim3A_365] : memref<128x128xf32, #tpu.memory_space<vmem>>[vector<16xi32>, vector<16xi32>], vector<16xf32>,
      %gather3A_367 = tpu.vector_load_idx %arg17[%add3A_208, %broadcast_in_dim3A_365] : memref<128x128xf32, #tpu.memory_space<vmem>>[vector<16xi32>, vector<16xi32>], vector<16xf32>,
      %mul3A_368 = arith.mulf %gather3A_366, %gather3A_367 : vector<16xf32>
      %add3A_369 = arith.addf %add3A_363, %mul3A_368 : vector<16xf32>
      %broadcast_in_dim3A_370 = arith.constant 26 : i32
      %broadcast_in_dim3A_371 = vector.broadcast %broadcast_in_dim3A_370 : i32 to vector<16xi32>
      %gather3A_372 = tpu.vector_load_idx %arg16[%add3A_208, %broadcast_in_dim3A_371] : memref<128x128xf32, #tpu.memory_space<vmem>>[vector<16xi32>, vector<16xi32>], vector<16xf32>,
      %gather3A_373 = tpu.vector_load_idx %arg17[%add3A_208, %broadcast_in_dim3A_371] : memref<128x128xf32, #tpu.memory_space<vmem>>[vector<16xi32>, vector<16xi32>], vector<16xf32>,
      %mul3A_374 = arith.mulf %gather3A_372, %gather3A_373 : vector<16xf32>
      %add3A_375 = arith.addf %add3A_369, %mul3A_374 : vector<16xf32>
      %broadcast_in_dim3A_376 = arith.constant 27 : i32
      %broadcast_in_dim3A_377 = vector.broadcast %broadcast_in_dim3A_376 : i32 to vector<16xi32>
      %gather3A_378 = tpu.vector_load_idx %arg16[%add3A_208, %broadcast_in_dim3A_377] : memref<128x128xf32, #tpu.memory_space<vmem>>[vector<16xi32>, vector<16xi32>], vector<16xf32>,
      %gather3A_379 = tpu.vector_load_idx %arg17[%add3A_208, %broadcast_in_dim3A_377] : memref<128x128xf32, #tpu.memory_space<vmem>>[vector<16xi32>, vector<16xi32>], vector<16xf32>,
      %mul3A_380 = arith.mulf %gather3A_378, %gather3A_379 : vector<16xf32>
      %add3A_381 = arith.addf %add3A_375, %mul3A_380 : vector<16xf32>
      %broadcast_in_dim3A_382 = arith.constant 28 : i32
      %broadcast_in_dim3A_383 = vector.broadcast %broadcast_in_dim3A_382 : i32 to vector<16xi32>
      %gather3A_384 = tpu.vector_load_idx %arg16[%add3A_208, %broadcast_in_dim3A_383] : memref<128x128xf32, #tpu.memory_space<vmem>>[vector<16xi32>, vector<16xi32>], vector<16xf32>,
      %gather3A_385 = tpu.vector_load_idx %arg17[%add3A_208, %broadcast_in_dim3A_383] : memref<128x128xf32, #tpu.memory_space<vmem>>[vector<16xi32>, vector<16xi32>], vector<16xf32>,
      %mul3A_386 = arith.mulf %gather3A_384, %gather3A_385 : vector<16xf32>
      %add3A_387 = arith.addf %add3A_381, %mul3A_386 : vector<16xf32>
      %broadcast_in_dim3A_388 = arith.constant 29 : i32
      %broadcast_in_dim3A_389 = vector.broadcast %broadcast_in_dim3A_388 : i32 to vector<16xi32>
      %gather3A_390 = tpu.vector_load_idx %arg16[%add3A_208, %broadcast_in_dim3A_389] : memref<128x128xf32, #tpu.memory_space<vmem>>[vector<16xi32>, vector<16xi32>], vector<16xf32>,
      %gather3A_391 = tpu.vector_load_idx %arg17[%add3A_208, %broadcast_in_dim3A_389] : memref<128x128xf32, #tpu.memory_space<vmem>>[vector<16xi32>, vector<16xi32>], vector<16xf32>,
      %mul3A_392 = arith.mulf %gather3A_390, %gather3A_391 : vector<16xf32>
      %add3A_393 = arith.addf %add3A_387, %mul3A_392 : vector<16xf32>
      %broadcast_in_dim3A_394 = arith.constant 30 : i32
      %broadcast_in_dim3A_395 = vector.broadcast %broadcast_in_dim3A_394 : i32 to vector<16xi32>
      %gather3A_396 = tpu.vector_load_idx %arg16[%add3A_208, %broadcast_in_dim3A_395] : memref<128x128xf32, #tpu.memory_space<vmem>>[vector<16xi32>, vector<16xi32>], vector<16xf32>,
      %gather3A_397 = tpu.vector_load_idx %arg17[%add3A_208, %broadcast_in_dim3A_395] : memref<128x128xf32, #tpu.memory_space<vmem>>[vector<16xi32>, vector<16xi32>], vector<16xf32>,
      %mul3A_398 = arith.mulf %gather3A_396, %gather3A_397 : vector<16xf32>
      %add3A_399 = arith.addf %add3A_393, %mul3A_398 : vector<16xf32>
      %broadcast_in_dim3A_400 = arith.constant 31 : i32
      %broadcast_in_dim3A_401 = vector.broadcast %broadcast_in_dim3A_400 : i32 to vector<16xi32>
      %gather3A_402 = tpu.vector_load_idx %arg16[%add3A_208, %broadcast_in_dim3A_401] : memref<128x128xf32, #tpu.memory_space<vmem>>[vector<16xi32>, vector<16xi32>], vector<16xf32>,
      %gather3A_403 = tpu.vector_load_idx %arg17[%add3A_208, %broadcast_in_dim3A_401] : memref<128x128xf32, #tpu.memory_space<vmem>>[vector<16xi32>, vector<16xi32>], vector<16xf32>,
      %mul3A_404 = arith.mulf %gather3A_402, %gather3A_403 : vector<16xf32>
      %add3A_405 = arith.addf %add3A_399, %mul3A_404 : vector<16xf32>
      %and3A = arith.andi %get3A_210, %broadcast_in_dim3A_12 : vector<16xi32>
      %gather3A_406 = tpu.vector_load_idx %arg18[%add3A_208, %and3A] : memref<128x128xf32, #tpu.memory_space<vmem>>[vector<16xi32>, vector<16xi32>], vector<16xf32>,
      %and3A_407 = arith.andi %get3A_212, %broadcast_in_dim3A_12 : vector<16xi32>
      %gather3A_408 = tpu.vector_load_idx %arg19[%add3A_208, %and3A_407] : memref<128x128xf32, #tpu.memory_space<vmem>>[vector<16xi32>, vector<16xi32>], vector<16xf32>,
      %add3A_409 = arith.addf %add3A_405, %gather3A_406 : vector<16xf32>
      %add3A_410 = arith.addf %add3A_409, %gather3A_408 : vector<16xf32>
      %add3A_411 = arith.addf %add3A_410, %get3A_9 : vector<16xf32>
      %swap3A = arith.index_cast %add3A_204 : i32 to index
      %swap3A_412 = tpu.vector_load %arg21[%swap3A] {strides = array<i32>} : memref<512xf32, #tpu.memory_space<vmem>>, vector<16xf32>,
      tpu.vector_store %arg21[%swap3A], %add3A_411 {strides = array<i32>} : memref<512xf32, #tpu.memory_space<vmem>>, vector<16xf32>,
      %scan3A_413 = arith.constant 0 : i32
      scf.yield %scan3A_413 : i32
    }
    %scan3A_57 = arith.constant 8 : i32
    %dma_start3A_58 = arith.constant 128 : i32
    %dma_start3A_59 = tpu.memref_slice %arg12[%dma_start3A_58] : memref<512xi32, #tpu.memory_space<vmem>> -> memref<128xi32, #tpu.memory_space<vmem>>
    %dma_start3A_60 = arith.constant 0 : i32
    %dma_start3A_61 = arith.constant 0 : i32
    %dma_start3A_62 = tpu.memref_slice %arg4[%dma_start3A_60, %dma_start3A_61] : memref<1000000x128xf32, #tpu.memory_space<hbm>> -> memref<1000000x128xf32, #tpu.memory_space<hbm>>
    tpu.enqueue_indirect_dma source(%dma_start3A_62 : memref<1000000x128xf32, #tpu.memory_space<hbm>>) target(%arg16 : memref<128x128xf32, #tpu.memory_space<vmem>>) offsets(%dma_start3A_59 : memref<128xi32, #tpu.memory_space<vmem>>) semaphore(%arg22 : memref<!tpu.dma_semaphore, #tpu.memory_space<semaphore_mem>>)
    %dma_start3A_63 = arith.constant 128 : i32
    %dma_start3A_64 = tpu.memref_slice %arg13[%dma_start3A_63] : memref<512xi32, #tpu.memory_space<vmem>> -> memref<128xi32, #tpu.memory_space<vmem>>
    %dma_start3A_65 = arith.constant 0 : i32
    %dma_start3A_66 = arith.constant 0 : i32
    %dma_start3A_67 = tpu.memref_slice %arg6[%dma_start3A_65, %dma_start3A_66] : memref<100000x128xf32, #tpu.memory_space<hbm>> -> memref<100000x128xf32, #tpu.memory_space<hbm>>
    tpu.enqueue_indirect_dma source(%dma_start3A_67 : memref<100000x128xf32, #tpu.memory_space<hbm>>) target(%arg17 : memref<128x128xf32, #tpu.memory_space<vmem>>) offsets(%dma_start3A_64 : memref<128xi32, #tpu.memory_space<vmem>>) semaphore(%arg22 : memref<!tpu.dma_semaphore, #tpu.memory_space<semaphore_mem>>)
    %dma_start3A_68 = arith.constant 128 : i32
    %dma_start3A_69 = tpu.memref_slice %arg14[%dma_start3A_68] : memref<512xi32, #tpu.memory_space<vmem>> -> memref<128xi32, #tpu.memory_space<vmem>>
    %dma_start3A_70 = arith.constant 0 : i32
    %dma_start3A_71 = arith.constant 0 : i32
    %dma_start3A_72 = tpu.memref_slice %arg5[%dma_start3A_70, %dma_start3A_71] : memref<7816x128xf32, #tpu.memory_space<hbm>> -> memref<7816x128xf32, #tpu.memory_space<hbm>>
    tpu.enqueue_indirect_dma source(%dma_start3A_72 : memref<7816x128xf32, #tpu.memory_space<hbm>>) target(%arg18 : memref<128x128xf32, #tpu.memory_space<vmem>>) offsets(%dma_start3A_69 : memref<128xi32, #tpu.memory_space<vmem>>) semaphore(%arg22 : memref<!tpu.dma_semaphore, #tpu.memory_space<semaphore_mem>>)
    %dma_start3A_73 = arith.constant 128 : i32
    %dma_start3A_74 = tpu.memref_slice %arg15[%dma_start3A_73] : memref<512xi32, #tpu.memory_space<vmem>> -> memref<128xi32, #tpu.memory_space<vmem>>
    %dma_start3A_75 = arith.constant 0 : i32
    %dma_start3A_76 = arith.constant 0 : i32
    %dma_start3A_77 = tpu.memref_slice %arg7[%dma_start3A_75, %dma_start3A_76] : memref<784x128xf32, #tpu.memory_space<hbm>> -> memref<784x128xf32, #tpu.memory_space<hbm>>
    tpu.enqueue_indirect_dma source(%dma_start3A_77 : memref<784x128xf32, #tpu.memory_space<hbm>>) target(%arg19 : memref<128x128xf32, #tpu.memory_space<vmem>>) offsets(%dma_start3A_74 : memref<128xi32, #tpu.memory_space<vmem>>) semaphore(%arg22 : memref<!tpu.dma_semaphore, #tpu.memory_space<semaphore_mem>>)
    %dma_wait3A_78 = arith.constant 128 : i32
    %dma_wait3A_79 = tpu.memref_slice %arg12[%dma_wait3A_78] : memref<512xi32, #tpu.memory_space<vmem>> -> memref<128xi32, #tpu.memory_space<vmem>>
    %dma_wait3A_80 = arith.constant 0 : i32
    %dma_wait3A_81 = arith.constant 0 : i32
    %dma_wait3A_82 = tpu.memref_slice %arg4[%dma_wait3A_80, %dma_wait3A_81] : memref<1000000x128xf32, #tpu.memory_space<hbm>> -> memref<1000000x128xf32, #tpu.memory_space<hbm>>
    tpu.wait_indirect_dma semaphore(%arg22 : memref<!tpu.dma_semaphore, #tpu.memory_space<semaphore_mem>>) src(%dma_wait3A_82 : memref<1000000x128xf32, #tpu.memory_space<hbm>>) dst(%arg16 : memref<128x128xf32, #tpu.memory_space<vmem>>)
    %dma_wait3A_83 = arith.constant 128 : i32
    %dma_wait3A_84 = tpu.memref_slice %arg13[%dma_wait3A_83] : memref<512xi32, #tpu.memory_space<vmem>> -> memref<128xi32, #tpu.memory_space<vmem>>
    %dma_wait3A_85 = arith.constant 0 : i32
    %dma_wait3A_86 = arith.constant 0 : i32
    %dma_wait3A_87 = tpu.memref_slice %arg6[%dma_wait3A_85, %dma_wait3A_86] : memref<100000x128xf32, #tpu.memory_space<hbm>> -> memref<100000x128xf32, #tpu.memory_space<hbm>>
    tpu.wait_indirect_dma semaphore(%arg22 : memref<!tpu.dma_semaphore, #tpu.memory_space<semaphore_mem>>) src(%dma_wait3A_87 : memref<100000x128xf32, #tpu.memory_space<hbm>>) dst(%arg17 : memref<128x128xf32, #tpu.memory_space<vmem>>)
    %dma_wait3A_88 = arith.constant 128 : i32
    %dma_wait3A_89 = tpu.memref_slice %arg14[%dma_wait3A_88] : memref<512xi32, #tpu.memory_space<vmem>> -> memref<128xi32, #tpu.memory_space<vmem>>
    %dma_wait3A_90 = arith.constant 0 : i32
    %dma_wait3A_91 = arith.constant 0 : i32
    %dma_wait3A_92 = tpu.memref_slice %arg5[%dma_wait3A_90, %dma_wait3A_91] : memref<7816x128xf32, #tpu.memory_space<hbm>> -> memref<7816x128xf32, #tpu.memory_space<hbm>>
    tpu.wait_indirect_dma semaphore(%arg22 : memref<!tpu.dma_semaphore, #tpu.memory_space<semaphore_mem>>) src(%dma_wait3A_92 : memref<7816x128xf32, #tpu.memory_space<hbm>>) dst(%arg18 : memref<128x128xf32, #tpu.memory_space<vmem>>)
    %dma_wait3A_93 = arith.constant 128 : i32
    %dma_wait3A_94 = tpu.memref_slice %arg15[%dma_wait3A_93] : memref<512xi32, #tpu.memory_space<vmem>> -> memref<128xi32, #tpu.memory_space<vmem>>
    %dma_wait3A_95 = arith.constant 0 : i32
    %dma_wait3A_96 = arith.constant 0 : i32
    %dma_wait3A_97 = tpu.memref_slice %arg7[%dma_wait3A_95, %dma_wait3A_96] : memref<784x128xf32, #tpu.memory_space<hbm>> -> memref<784x128xf32, #tpu.memory_space<hbm>>
    tpu.wait_indirect_dma semaphore(%arg22 : memref<!tpu.dma_semaphore, #tpu.memory_space<semaphore_mem>>) src(%dma_wait3A_97 : memref<784x128xf32, #tpu.memory_space<hbm>>) dst(%arg19 : memref<128x128xf32, #tpu.memory_space<vmem>>)
    %scan3A_98 = arith.constant 0 : i32
    %scan3A_99 = arith.constant 0 : i32
    %scan3A_100 = arith.constant 8 : i32
    %scan3A_101 = arith.addi %scan3A_99, %scan3A_100 : i32
    %scan3A_102 = arith.constant 1 : i32
    %scan3A_103 = scf.for %scan3A_199 = %scan3A_99 to %scan3A_101 step %scan3A_102 iter_args(%scan3A_200 = %scan3A_98) -> (i32)  : i32 {
      %multiple_of3A = arith.constant 128 : i32
      %multiple_of3A_201 = tpu.assume_multiple %multiple_of3A, 16 : i32
      %mul3A_202 = arith.constant 16 : i32
      %mul3A_203 = arith.muli %scan3A_199, %mul3A_202 : i32
      %add3A_204 = arith.addi %multiple_of3A_201, %mul3A_203 : i32
      %mul3A_205 = arith.constant 16 : i32
      %mul3A_206 = arith.muli %scan3A_199, %mul3A_205 : i32
      %add3A_207 = vector.broadcast %mul3A_206 : i32 to vector<16xi32>
      %add3A_208 = arith.addi %add3A_207, %iota3A : vector<16xi32>
      %get3A_209 = arith.index_cast %add3A_204 : i32 to index
      %get3A_210 = tpu.vector_load %arg10[%get3A_209] {strides = array<i32>} : memref<512xi32, #tpu.memory_space<vmem>>, vector<16xi32>,
      %get3A_211 = arith.index_cast %add3A_204 : i32 to index
      %get3A_212 = tpu.vector_load %arg11[%get3A_211] {strides = array<i32>} : memref<512xi32, #tpu.memory_space<vmem>>, vector<16xi32>,
      %broadcast_in_dim3A_213 = arith.constant 0.000000e+00 : f32
      %broadcast_in_dim3A_214 = vector.broadcast %broadcast_in_dim3A_213 : f32 to vector<16xf32>
      %broadcast_in_dim3A_215 = arith.constant 0 : i32
      %broadcast_in_dim3A_216 = vector.broadcast %broadcast_in_dim3A_215 : i32 to vector<16xi32>
      %gather3A = tpu.vector_load_idx %arg16[%add3A_208, %broadcast_in_dim3A_216] : memref<128x128xf32, #tpu.memory_space<vmem>>[vector<16xi32>, vector<16xi32>], vector<16xf32>,
      %gather3A_217 = tpu.vector_load_idx %arg17[%add3A_208, %broadcast_in_dim3A_216] : memref<128x128xf32, #tpu.memory_space<vmem>>[vector<16xi32>, vector<16xi32>], vector<16xf32>,
      %mul3A_218 = arith.mulf %gather3A, %gather3A_217 : vector<16xf32>
      %add3A_219 = arith.addf %broadcast_in_dim3A_214, %mul3A_218 : vector<16xf32>
      %broadcast_in_dim3A_220 = arith.constant 1 : i32
      %broadcast_in_dim3A_221 = vector.broadcast %broadcast_in_dim3A_220 : i32 to vector<16xi32>
      %gather3A_222 = tpu.vector_load_idx %arg16[%add3A_208, %broadcast_in_dim3A_221] : memref<128x128xf32, #tpu.memory_space<vmem>>[vector<16xi32>, vector<16xi32>], vector<16xf32>,
      %gather3A_223 = tpu.vector_load_idx %arg17[%add3A_208, %broadcast_in_dim3A_221] : memref<128x128xf32, #tpu.memory_space<vmem>>[vector<16xi32>, vector<16xi32>], vector<16xf32>,
      %mul3A_224 = arith.mulf %gather3A_222, %gather3A_223 : vector<16xf32>
      %add3A_225 = arith.addf %add3A_219, %mul3A_224 : vector<16xf32>
      %broadcast_in_dim3A_226 = arith.constant 2 : i32
      %broadcast_in_dim3A_227 = vector.broadcast %broadcast_in_dim3A_226 : i32 to vector<16xi32>
      %gather3A_228 = tpu.vector_load_idx %arg16[%add3A_208, %broadcast_in_dim3A_227] : memref<128x128xf32, #tpu.memory_space<vmem>>[vector<16xi32>, vector<16xi32>], vector<16xf32>,
      %gather3A_229 = tpu.vector_load_idx %arg17[%add3A_208, %broadcast_in_dim3A_227] : memref<128x128xf32, #tpu.memory_space<vmem>>[vector<16xi32>, vector<16xi32>], vector<16xf32>,
      %mul3A_230 = arith.mulf %gather3A_228, %gather3A_229 : vector<16xf32>
      %add3A_231 = arith.addf %add3A_225, %mul3A_230 : vector<16xf32>
      %broadcast_in_dim3A_232 = arith.constant 3 : i32
      %broadcast_in_dim3A_233 = vector.broadcast %broadcast_in_dim3A_232 : i32 to vector<16xi32>
      %gather3A_234 = tpu.vector_load_idx %arg16[%add3A_208, %broadcast_in_dim3A_233] : memref<128x128xf32, #tpu.memory_space<vmem>>[vector<16xi32>, vector<16xi32>], vector<16xf32>,
      %gather3A_235 = tpu.vector_load_idx %arg17[%add3A_208, %broadcast_in_dim3A_233] : memref<128x128xf32, #tpu.memory_space<vmem>>[vector<16xi32>, vector<16xi32>], vector<16xf32>,
      %mul3A_236 = arith.mulf %gather3A_234, %gather3A_235 : vector<16xf32>
      %add3A_237 = arith.addf %add3A_231, %mul3A_236 : vector<16xf32>
      %broadcast_in_dim3A_238 = arith.constant 4 : i32
      %broadcast_in_dim3A_239 = vector.broadcast %broadcast_in_dim3A_238 : i32 to vector<16xi32>
      %gather3A_240 = tpu.vector_load_idx %arg16[%add3A_208, %broadcast_in_dim3A_239] : memref<128x128xf32, #tpu.memory_space<vmem>>[vector<16xi32>, vector<16xi32>], vector<16xf32>,
      %gather3A_241 = tpu.vector_load_idx %arg17[%add3A_208, %broadcast_in_dim3A_239] : memref<128x128xf32, #tpu.memory_space<vmem>>[vector<16xi32>, vector<16xi32>], vector<16xf32>,
      %mul3A_242 = arith.mulf %gather3A_240, %gather3A_241 : vector<16xf32>
      %add3A_243 = arith.addf %add3A_237, %mul3A_242 : vector<16xf32>
      %broadcast_in_dim3A_244 = arith.constant 5 : i32
      %broadcast_in_dim3A_245 = vector.broadcast %broadcast_in_dim3A_244 : i32 to vector<16xi32>
      %gather3A_246 = tpu.vector_load_idx %arg16[%add3A_208, %broadcast_in_dim3A_245] : memref<128x128xf32, #tpu.memory_space<vmem>>[vector<16xi32>, vector<16xi32>], vector<16xf32>,
      %gather3A_247 = tpu.vector_load_idx %arg17[%add3A_208, %broadcast_in_dim3A_245] : memref<128x128xf32, #tpu.memory_space<vmem>>[vector<16xi32>, vector<16xi32>], vector<16xf32>,
      %mul3A_248 = arith.mulf %gather3A_246, %gather3A_247 : vector<16xf32>
      %add3A_249 = arith.addf %add3A_243, %mul3A_248 : vector<16xf32>
      %broadcast_in_dim3A_250 = arith.constant 6 : i32
      %broadcast_in_dim3A_251 = vector.broadcast %broadcast_in_dim3A_250 : i32 to vector<16xi32>
      %gather3A_252 = tpu.vector_load_idx %arg16[%add3A_208, %broadcast_in_dim3A_251] : memref<128x128xf32, #tpu.memory_space<vmem>>[vector<16xi32>, vector<16xi32>], vector<16xf32>,
      %gather3A_253 = tpu.vector_load_idx %arg17[%add3A_208, %broadcast_in_dim3A_251] : memref<128x128xf32, #tpu.memory_space<vmem>>[vector<16xi32>, vector<16xi32>], vector<16xf32>,
      %mul3A_254 = arith.mulf %gather3A_252, %gather3A_253 : vector<16xf32>
      %add3A_255 = arith.addf %add3A_249, %mul3A_254 : vector<16xf32>
      %broadcast_in_dim3A_256 = arith.constant 7 : i32
      %broadcast_in_dim3A_257 = vector.broadcast %broadcast_in_dim3A_256 : i32 to vector<16xi32>
      %gather3A_258 = tpu.vector_load_idx %arg16[%add3A_208, %broadcast_in_dim3A_257] : memref<128x128xf32, #tpu.memory_space<vmem>>[vector<16xi32>, vector<16xi32>], vector<16xf32>,
      %gather3A_259 = tpu.vector_load_idx %arg17[%add3A_208, %broadcast_in_dim3A_257] : memref<128x128xf32, #tpu.memory_space<vmem>>[vector<16xi32>, vector<16xi32>], vector<16xf32>,
      %mul3A_260 = arith.mulf %gather3A_258, %gather3A_259 : vector<16xf32>
      %add3A_261 = arith.addf %add3A_255, %mul3A_260 : vector<16xf32>
      %broadcast_in_dim3A_262 = arith.constant 8 : i32
      %broadcast_in_dim3A_263 = vector.broadcast %broadcast_in_dim3A_262 : i32 to vector<16xi32>
      %gather3A_264 = tpu.vector_load_idx %arg16[%add3A_208, %broadcast_in_dim3A_263] : memref<128x128xf32, #tpu.memory_space<vmem>>[vector<16xi32>, vector<16xi32>], vector<16xf32>,
      %gather3A_265 = tpu.vector_load_idx %arg17[%add3A_208, %broadcast_in_dim3A_263] : memref<128x128xf32, #tpu.memory_space<vmem>>[vector<16xi32>, vector<16xi32>], vector<16xf32>,
      %mul3A_266 = arith.mulf %gather3A_264, %gather3A_265 : vector<16xf32>
      %add3A_267 = arith.addf %add3A_261, %mul3A_266 : vector<16xf32>
      %broadcast_in_dim3A_268 = arith.constant 9 : i32
      %broadcast_in_dim3A_269 = vector.broadcast %broadcast_in_dim3A_268 : i32 to vector<16xi32>
      %gather3A_270 = tpu.vector_load_idx %arg16[%add3A_208, %broadcast_in_dim3A_269] : memref<128x128xf32, #tpu.memory_space<vmem>>[vector<16xi32>, vector<16xi32>], vector<16xf32>,
      %gather3A_271 = tpu.vector_load_idx %arg17[%add3A_208, %broadcast_in_dim3A_269] : memref<128x128xf32, #tpu.memory_space<vmem>>[vector<16xi32>, vector<16xi32>], vector<16xf32>,
      %mul3A_272 = arith.mulf %gather3A_270, %gather3A_271 : vector<16xf32>
      %add3A_273 = arith.addf %add3A_267, %mul3A_272 : vector<16xf32>
      %broadcast_in_dim3A_274 = arith.constant 10 : i32
      %broadcast_in_dim3A_275 = vector.broadcast %broadcast_in_dim3A_274 : i32 to vector<16xi32>
      %gather3A_276 = tpu.vector_load_idx %arg16[%add3A_208, %broadcast_in_dim3A_275] : memref<128x128xf32, #tpu.memory_space<vmem>>[vector<16xi32>, vector<16xi32>], vector<16xf32>,
      %gather3A_277 = tpu.vector_load_idx %arg17[%add3A_208, %broadcast_in_dim3A_275] : memref<128x128xf32, #tpu.memory_space<vmem>>[vector<16xi32>, vector<16xi32>], vector<16xf32>,
      %mul3A_278 = arith.mulf %gather3A_276, %gather3A_277 : vector<16xf32>
      %add3A_279 = arith.addf %add3A_273, %mul3A_278 : vector<16xf32>
      %broadcast_in_dim3A_280 = arith.constant 11 : i32
      %broadcast_in_dim3A_281 = vector.broadcast %broadcast_in_dim3A_280 : i32 to vector<16xi32>
      %gather3A_282 = tpu.vector_load_idx %arg16[%add3A_208, %broadcast_in_dim3A_281] : memref<128x128xf32, #tpu.memory_space<vmem>>[vector<16xi32>, vector<16xi32>], vector<16xf32>,
      %gather3A_283 = tpu.vector_load_idx %arg17[%add3A_208, %broadcast_in_dim3A_281] : memref<128x128xf32, #tpu.memory_space<vmem>>[vector<16xi32>, vector<16xi32>], vector<16xf32>,
      %mul3A_284 = arith.mulf %gather3A_282, %gather3A_283 : vector<16xf32>
      %add3A_285 = arith.addf %add3A_279, %mul3A_284 : vector<16xf32>
      %broadcast_in_dim3A_286 = arith.constant 12 : i32
      %broadcast_in_dim3A_287 = vector.broadcast %broadcast_in_dim3A_286 : i32 to vector<16xi32>
      %gather3A_288 = tpu.vector_load_idx %arg16[%add3A_208, %broadcast_in_dim3A_287] : memref<128x128xf32, #tpu.memory_space<vmem>>[vector<16xi32>, vector<16xi32>], vector<16xf32>,
      %gather3A_289 = tpu.vector_load_idx %arg17[%add3A_208, %broadcast_in_dim3A_287] : memref<128x128xf32, #tpu.memory_space<vmem>>[vector<16xi32>, vector<16xi32>], vector<16xf32>,
      %mul3A_290 = arith.mulf %gather3A_288, %gather3A_289 : vector<16xf32>
      %add3A_291 = arith.addf %add3A_285, %mul3A_290 : vector<16xf32>
      %broadcast_in_dim3A_292 = arith.constant 13 : i32
      %broadcast_in_dim3A_293 = vector.broadcast %broadcast_in_dim3A_292 : i32 to vector<16xi32>
      %gather3A_294 = tpu.vector_load_idx %arg16[%add3A_208, %broadcast_in_dim3A_293] : memref<128x128xf32, #tpu.memory_space<vmem>>[vector<16xi32>, vector<16xi32>], vector<16xf32>,
      %gather3A_295 = tpu.vector_load_idx %arg17[%add3A_208, %broadcast_in_dim3A_293] : memref<128x128xf32, #tpu.memory_space<vmem>>[vector<16xi32>, vector<16xi32>], vector<16xf32>,
      %mul3A_296 = arith.mulf %gather3A_294, %gather3A_295 : vector<16xf32>
      %add3A_297 = arith.addf %add3A_291, %mul3A_296 : vector<16xf32>
      %broadcast_in_dim3A_298 = arith.constant 14 : i32
      %broadcast_in_dim3A_299 = vector.broadcast %broadcast_in_dim3A_298 : i32 to vector<16xi32>
      %gather3A_300 = tpu.vector_load_idx %arg16[%add3A_208, %broadcast_in_dim3A_299] : memref<128x128xf32, #tpu.memory_space<vmem>>[vector<16xi32>, vector<16xi32>], vector<16xf32>,
      %gather3A_301 = tpu.vector_load_idx %arg17[%add3A_208, %broadcast_in_dim3A_299] : memref<128x128xf32, #tpu.memory_space<vmem>>[vector<16xi32>, vector<16xi32>], vector<16xf32>,
      %mul3A_302 = arith.mulf %gather3A_300, %gather3A_301 : vector<16xf32>
      %add3A_303 = arith.addf %add3A_297, %mul3A_302 : vector<16xf32>
      %broadcast_in_dim3A_304 = arith.constant 15 : i32
      %broadcast_in_dim3A_305 = vector.broadcast %broadcast_in_dim3A_304 : i32 to vector<16xi32>
      %gather3A_306 = tpu.vector_load_idx %arg16[%add3A_208, %broadcast_in_dim3A_305] : memref<128x128xf32, #tpu.memory_space<vmem>>[vector<16xi32>, vector<16xi32>], vector<16xf32>,
      %gather3A_307 = tpu.vector_load_idx %arg17[%add3A_208, %broadcast_in_dim3A_305] : memref<128x128xf32, #tpu.memory_space<vmem>>[vector<16xi32>, vector<16xi32>], vector<16xf32>,
      %mul3A_308 = arith.mulf %gather3A_306, %gather3A_307 : vector<16xf32>
      %add3A_309 = arith.addf %add3A_303, %mul3A_308 : vector<16xf32>
      %broadcast_in_dim3A_310 = arith.constant 16 : i32
      %broadcast_in_dim3A_311 = vector.broadcast %broadcast_in_dim3A_310 : i32 to vector<16xi32>
      %gather3A_312 = tpu.vector_load_idx %arg16[%add3A_208, %broadcast_in_dim3A_311] : memref<128x128xf32, #tpu.memory_space<vmem>>[vector<16xi32>, vector<16xi32>], vector<16xf32>,
      %gather3A_313 = tpu.vector_load_idx %arg17[%add3A_208, %broadcast_in_dim3A_311] : memref<128x128xf32, #tpu.memory_space<vmem>>[vector<16xi32>, vector<16xi32>], vector<16xf32>,
      %mul3A_314 = arith.mulf %gather3A_312, %gather3A_313 : vector<16xf32>
      %add3A_315 = arith.addf %add3A_309, %mul3A_314 : vector<16xf32>
      %broadcast_in_dim3A_316 = arith.constant 17 : i32
      %broadcast_in_dim3A_317 = vector.broadcast %broadcast_in_dim3A_316 : i32 to vector<16xi32>
      %gather3A_318 = tpu.vector_load_idx %arg16[%add3A_208, %broadcast_in_dim3A_317] : memref<128x128xf32, #tpu.memory_space<vmem>>[vector<16xi32>, vector<16xi32>], vector<16xf32>,
      %gather3A_319 = tpu.vector_load_idx %arg17[%add3A_208, %broadcast_in_dim3A_317] : memref<128x128xf32, #tpu.memory_space<vmem>>[vector<16xi32>, vector<16xi32>], vector<16xf32>,
      %mul3A_320 = arith.mulf %gather3A_318, %gather3A_319 : vector<16xf32>
      %add3A_321 = arith.addf %add3A_315, %mul3A_320 : vector<16xf32>
      %broadcast_in_dim3A_322 = arith.constant 18 : i32
      %broadcast_in_dim3A_323 = vector.broadcast %broadcast_in_dim3A_322 : i32 to vector<16xi32>
      %gather3A_324 = tpu.vector_load_idx %arg16[%add3A_208, %broadcast_in_dim3A_323] : memref<128x128xf32, #tpu.memory_space<vmem>>[vector<16xi32>, vector<16xi32>], vector<16xf32>,
      %gather3A_325 = tpu.vector_load_idx %arg17[%add3A_208, %broadcast_in_dim3A_323] : memref<128x128xf32, #tpu.memory_space<vmem>>[vector<16xi32>, vector<16xi32>], vector<16xf32>,
      %mul3A_326 = arith.mulf %gather3A_324, %gather3A_325 : vector<16xf32>
      %add3A_327 = arith.addf %add3A_321, %mul3A_326 : vector<16xf32>
      %broadcast_in_dim3A_328 = arith.constant 19 : i32
      %broadcast_in_dim3A_329 = vector.broadcast %broadcast_in_dim3A_328 : i32 to vector<16xi32>
      %gather3A_330 = tpu.vector_load_idx %arg16[%add3A_208, %broadcast_in_dim3A_329] : memref<128x128xf32, #tpu.memory_space<vmem>>[vector<16xi32>, vector<16xi32>], vector<16xf32>,
      %gather3A_331 = tpu.vector_load_idx %arg17[%add3A_208, %broadcast_in_dim3A_329] : memref<128x128xf32, #tpu.memory_space<vmem>>[vector<16xi32>, vector<16xi32>], vector<16xf32>,
      %mul3A_332 = arith.mulf %gather3A_330, %gather3A_331 : vector<16xf32>
      %add3A_333 = arith.addf %add3A_327, %mul3A_332 : vector<16xf32>
      %broadcast_in_dim3A_334 = arith.constant 20 : i32
      %broadcast_in_dim3A_335 = vector.broadcast %broadcast_in_dim3A_334 : i32 to vector<16xi32>
      %gather3A_336 = tpu.vector_load_idx %arg16[%add3A_208, %broadcast_in_dim3A_335] : memref<128x128xf32, #tpu.memory_space<vmem>>[vector<16xi32>, vector<16xi32>], vector<16xf32>,
      %gather3A_337 = tpu.vector_load_idx %arg17[%add3A_208, %broadcast_in_dim3A_335] : memref<128x128xf32, #tpu.memory_space<vmem>>[vector<16xi32>, vector<16xi32>], vector<16xf32>,
      %mul3A_338 = arith.mulf %gather3A_336, %gather3A_337 : vector<16xf32>
      %add3A_339 = arith.addf %add3A_333, %mul3A_338 : vector<16xf32>
      %broadcast_in_dim3A_340 = arith.constant 21 : i32
      %broadcast_in_dim3A_341 = vector.broadcast %broadcast_in_dim3A_340 : i32 to vector<16xi32>
      %gather3A_342 = tpu.vector_load_idx %arg16[%add3A_208, %broadcast_in_dim3A_341] : memref<128x128xf32, #tpu.memory_space<vmem>>[vector<16xi32>, vector<16xi32>], vector<16xf32>,
      %gather3A_343 = tpu.vector_load_idx %arg17[%add3A_208, %broadcast_in_dim3A_341] : memref<128x128xf32, #tpu.memory_space<vmem>>[vector<16xi32>, vector<16xi32>], vector<16xf32>,
      %mul3A_344 = arith.mulf %gather3A_342, %gather3A_343 : vector<16xf32>
      %add3A_345 = arith.addf %add3A_339, %mul3A_344 : vector<16xf32>
      %broadcast_in_dim3A_346 = arith.constant 22 : i32
      %broadcast_in_dim3A_347 = vector.broadcast %broadcast_in_dim3A_346 : i32 to vector<16xi32>
      %gather3A_348 = tpu.vector_load_idx %arg16[%add3A_208, %broadcast_in_dim3A_347] : memref<128x128xf32, #tpu.memory_space<vmem>>[vector<16xi32>, vector<16xi32>], vector<16xf32>,
      %gather3A_349 = tpu.vector_load_idx %arg17[%add3A_208, %broadcast_in_dim3A_347] : memref<128x128xf32, #tpu.memory_space<vmem>>[vector<16xi32>, vector<16xi32>], vector<16xf32>,
      %mul3A_350 = arith.mulf %gather3A_348, %gather3A_349 : vector<16xf32>
      %add3A_351 = arith.addf %add3A_345, %mul3A_350 : vector<16xf32>
      %broadcast_in_dim3A_352 = arith.constant 23 : i32
      %broadcast_in_dim3A_353 = vector.broadcast %broadcast_in_dim3A_352 : i32 to vector<16xi32>
      %gather3A_354 = tpu.vector_load_idx %arg16[%add3A_208, %broadcast_in_dim3A_353] : memref<128x128xf32, #tpu.memory_space<vmem>>[vector<16xi32>, vector<16xi32>], vector<16xf32>,
      %gather3A_355 = tpu.vector_load_idx %arg17[%add3A_208, %broadcast_in_dim3A_353] : memref<128x128xf32, #tpu.memory_space<vmem>>[vector<16xi32>, vector<16xi32>], vector<16xf32>,
      %mul3A_356 = arith.mulf %gather3A_354, %gather3A_355 : vector<16xf32>
      %add3A_357 = arith.addf %add3A_351, %mul3A_356 : vector<16xf32>
      %broadcast_in_dim3A_358 = arith.constant 24 : i32
      %broadcast_in_dim3A_359 = vector.broadcast %broadcast_in_dim3A_358 : i32 to vector<16xi32>
      %gather3A_360 = tpu.vector_load_idx %arg16[%add3A_208, %broadcast_in_dim3A_359] : memref<128x128xf32, #tpu.memory_space<vmem>>[vector<16xi32>, vector<16xi32>], vector<16xf32>,
      %gather3A_361 = tpu.vector_load_idx %arg17[%add3A_208, %broadcast_in_dim3A_359] : memref<128x128xf32, #tpu.memory_space<vmem>>[vector<16xi32>, vector<16xi32>], vector<16xf32>,
      %mul3A_362 = arith.mulf %gather3A_360, %gather3A_361 : vector<16xf32>
      %add3A_363 = arith.addf %add3A_357, %mul3A_362 : vector<16xf32>
      %broadcast_in_dim3A_364 = arith.constant 25 : i32
      %broadcast_in_dim3A_365 = vector.broadcast %broadcast_in_dim3A_364 : i32 to vector<16xi32>
      %gather3A_366 = tpu.vector_load_idx %arg16[%add3A_208, %broadcast_in_dim3A_365] : memref<128x128xf32, #tpu.memory_space<vmem>>[vector<16xi32>, vector<16xi32>], vector<16xf32>,
      %gather3A_367 = tpu.vector_load_idx %arg17[%add3A_208, %broadcast_in_dim3A_365] : memref<128x128xf32, #tpu.memory_space<vmem>>[vector<16xi32>, vector<16xi32>], vector<16xf32>,
      %mul3A_368 = arith.mulf %gather3A_366, %gather3A_367 : vector<16xf32>
      %add3A_369 = arith.addf %add3A_363, %mul3A_368 : vector<16xf32>
      %broadcast_in_dim3A_370 = arith.constant 26 : i32
      %broadcast_in_dim3A_371 = vector.broadcast %broadcast_in_dim3A_370 : i32 to vector<16xi32>
      %gather3A_372 = tpu.vector_load_idx %arg16[%add3A_208, %broadcast_in_dim3A_371] : memref<128x128xf32, #tpu.memory_space<vmem>>[vector<16xi32>, vector<16xi32>], vector<16xf32>,
      %gather3A_373 = tpu.vector_load_idx %arg17[%add3A_208, %broadcast_in_dim3A_371] : memref<128x128xf32, #tpu.memory_space<vmem>>[vector<16xi32>, vector<16xi32>], vector<16xf32>,
      %mul3A_374 = arith.mulf %gather3A_372, %gather3A_373 : vector<16xf32>
      %add3A_375 = arith.addf %add3A_369, %mul3A_374 : vector<16xf32>
      %broadcast_in_dim3A_376 = arith.constant 27 : i32
      %broadcast_in_dim3A_377 = vector.broadcast %broadcast_in_dim3A_376 : i32 to vector<16xi32>
      %gather3A_378 = tpu.vector_load_idx %arg16[%add3A_208, %broadcast_in_dim3A_377] : memref<128x128xf32, #tpu.memory_space<vmem>>[vector<16xi32>, vector<16xi32>], vector<16xf32>,
      %gather3A_379 = tpu.vector_load_idx %arg17[%add3A_208, %broadcast_in_dim3A_377] : memref<128x128xf32, #tpu.memory_space<vmem>>[vector<16xi32>, vector<16xi32>], vector<16xf32>,
      %mul3A_380 = arith.mulf %gather3A_378, %gather3A_379 : vector<16xf32>
      %add3A_381 = arith.addf %add3A_375, %mul3A_380 : vector<16xf32>
      %broadcast_in_dim3A_382 = arith.constant 28 : i32
      %broadcast_in_dim3A_383 = vector.broadcast %broadcast_in_dim3A_382 : i32 to vector<16xi32>
      %gather3A_384 = tpu.vector_load_idx %arg16[%add3A_208, %broadcast_in_dim3A_383] : memref<128x128xf32, #tpu.memory_space<vmem>>[vector<16xi32>, vector<16xi32>], vector<16xf32>,
      %gather3A_385 = tpu.vector_load_idx %arg17[%add3A_208, %broadcast_in_dim3A_383] : memref<128x128xf32, #tpu.memory_space<vmem>>[vector<16xi32>, vector<16xi32>], vector<16xf32>,
      %mul3A_386 = arith.mulf %gather3A_384, %gather3A_385 : vector<16xf32>
      %add3A_387 = arith.addf %add3A_381, %mul3A_386 : vector<16xf32>
      %broadcast_in_dim3A_388 = arith.constant 29 : i32
      %broadcast_in_dim3A_389 = vector.broadcast %broadcast_in_dim3A_388 : i32 to vector<16xi32>
      %gather3A_390 = tpu.vector_load_idx %arg16[%add3A_208, %broadcast_in_dim3A_389] : memref<128x128xf32, #tpu.memory_space<vmem>>[vector<16xi32>, vector<16xi32>], vector<16xf32>,
      %gather3A_391 = tpu.vector_load_idx %arg17[%add3A_208, %broadcast_in_dim3A_389] : memref<128x128xf32, #tpu.memory_space<vmem>>[vector<16xi32>, vector<16xi32>], vector<16xf32>,
      %mul3A_392 = arith.mulf %gather3A_390, %gather3A_391 : vector<16xf32>
      %add3A_393 = arith.addf %add3A_387, %mul3A_392 : vector<16xf32>
      %broadcast_in_dim3A_394 = arith.constant 30 : i32
      %broadcast_in_dim3A_395 = vector.broadcast %broadcast_in_dim3A_394 : i32 to vector<16xi32>
      %gather3A_396 = tpu.vector_load_idx %arg16[%add3A_208, %broadcast_in_dim3A_395] : memref<128x128xf32, #tpu.memory_space<vmem>>[vector<16xi32>, vector<16xi32>], vector<16xf32>,
      %gather3A_397 = tpu.vector_load_idx %arg17[%add3A_208, %broadcast_in_dim3A_395] : memref<128x128xf32, #tpu.memory_space<vmem>>[vector<16xi32>, vector<16xi32>], vector<16xf32>,
      %mul3A_398 = arith.mulf %gather3A_396, %gather3A_397 : vector<16xf32>
      %add3A_399 = arith.addf %add3A_393, %mul3A_398 : vector<16xf32>
      %broadcast_in_dim3A_400 = arith.constant 31 : i32
      %broadcast_in_dim3A_401 = vector.broadcast %broadcast_in_dim3A_400 : i32 to vector<16xi32>
      %gather3A_402 = tpu.vector_load_idx %arg16[%add3A_208, %broadcast_in_dim3A_401] : memref<128x128xf32, #tpu.memory_space<vmem>>[vector<16xi32>, vector<16xi32>], vector<16xf32>,
      %gather3A_403 = tpu.vector_load_idx %arg17[%add3A_208, %broadcast_in_dim3A_401] : memref<128x128xf32, #tpu.memory_space<vmem>>[vector<16xi32>, vector<16xi32>], vector<16xf32>,
      %mul3A_404 = arith.mulf %gather3A_402, %gather3A_403 : vector<16xf32>
      %add3A_405 = arith.addf %add3A_399, %mul3A_404 : vector<16xf32>
      %and3A = arith.andi %get3A_210, %broadcast_in_dim3A_12 : vector<16xi32>
      %gather3A_406 = tpu.vector_load_idx %arg18[%add3A_208, %and3A] : memref<128x128xf32, #tpu.memory_space<vmem>>[vector<16xi32>, vector<16xi32>], vector<16xf32>,
      %and3A_407 = arith.andi %get3A_212, %broadcast_in_dim3A_12 : vector<16xi32>
      %gather3A_408 = tpu.vector_load_idx %arg19[%add3A_208, %and3A_407] : memref<128x128xf32, #tpu.memory_space<vmem>>[vector<16xi32>, vector<16xi32>], vector<16xf32>,
      %add3A_409 = arith.addf %add3A_405, %gather3A_406 : vector<16xf32>
      %add3A_410 = arith.addf %add3A_409, %gather3A_408 : vector<16xf32>
      %add3A_411 = arith.addf %add3A_410, %get3A_9 : vector<16xf32>
      %swap3A = arith.index_cast %add3A_204 : i32 to index
      %swap3A_412 = tpu.vector_load %arg21[%swap3A] {strides = array<i32>} : memref<512xf32, #tpu.memory_space<vmem>>, vector<16xf32>,
      tpu.vector_store %arg21[%swap3A], %add3A_411 {strides = array<i32>} : memref<512xf32, #tpu.memory_space<vmem>>, vector<16xf32>,
      %scan3A_413 = arith.constant 0 : i32
      scf.yield %scan3A_413 : i32
    }
    %scan3A_104 = arith.constant 8 : i32
    %dma_start3A_105 = arith.constant 256 : i32
    %dma_start3A_106 = tpu.memref_slice %arg12[%dma_start3A_105] : memref<512xi32, #tpu.memory_space<vmem>> -> memref<128xi32, #tpu.memory_space<vmem>>
    %dma_start3A_107 = arith.constant 0 : i32
    %dma_start3A_108 = arith.constant 0 : i32
    %dma_start3A_109 = tpu.memref_slice %arg4[%dma_start3A_107, %dma_start3A_108] : memref<1000000x128xf32, #tpu.memory_space<hbm>> -> memref<1000000x128xf32, #tpu.memory_space<hbm>>
    tpu.enqueue_indirect_dma source(%dma_start3A_109 : memref<1000000x128xf32, #tpu.memory_space<hbm>>) target(%arg16 : memref<128x128xf32, #tpu.memory_space<vmem>>) offsets(%dma_start3A_106 : memref<128xi32, #tpu.memory_space<vmem>>) semaphore(%arg22 : memref<!tpu.dma_semaphore, #tpu.memory_space<semaphore_mem>>)
    %dma_start3A_110 = arith.constant 256 : i32
    %dma_start3A_111 = tpu.memref_slice %arg13[%dma_start3A_110] : memref<512xi32, #tpu.memory_space<vmem>> -> memref<128xi32, #tpu.memory_space<vmem>>
    %dma_start3A_112 = arith.constant 0 : i32
    %dma_start3A_113 = arith.constant 0 : i32
    %dma_start3A_114 = tpu.memref_slice %arg6[%dma_start3A_112, %dma_start3A_113] : memref<100000x128xf32, #tpu.memory_space<hbm>> -> memref<100000x128xf32, #tpu.memory_space<hbm>>
    tpu.enqueue_indirect_dma source(%dma_start3A_114 : memref<100000x128xf32, #tpu.memory_space<hbm>>) target(%arg17 : memref<128x128xf32, #tpu.memory_space<vmem>>) offsets(%dma_start3A_111 : memref<128xi32, #tpu.memory_space<vmem>>) semaphore(%arg22 : memref<!tpu.dma_semaphore, #tpu.memory_space<semaphore_mem>>)
    %dma_start3A_115 = arith.constant 256 : i32
    %dma_start3A_116 = tpu.memref_slice %arg14[%dma_start3A_115] : memref<512xi32, #tpu.memory_space<vmem>> -> memref<128xi32, #tpu.memory_space<vmem>>
    %dma_start3A_117 = arith.constant 0 : i32
    %dma_start3A_118 = arith.constant 0 : i32
    %dma_start3A_119 = tpu.memref_slice %arg5[%dma_start3A_117, %dma_start3A_118] : memref<7816x128xf32, #tpu.memory_space<hbm>> -> memref<7816x128xf32, #tpu.memory_space<hbm>>
    tpu.enqueue_indirect_dma source(%dma_start3A_119 : memref<7816x128xf32, #tpu.memory_space<hbm>>) target(%arg18 : memref<128x128xf32, #tpu.memory_space<vmem>>) offsets(%dma_start3A_116 : memref<128xi32, #tpu.memory_space<vmem>>) semaphore(%arg22 : memref<!tpu.dma_semaphore, #tpu.memory_space<semaphore_mem>>)
    %dma_start3A_120 = arith.constant 256 : i32
    %dma_start3A_121 = tpu.memref_slice %arg15[%dma_start3A_120] : memref<512xi32, #tpu.memory_space<vmem>> -> memref<128xi32, #tpu.memory_space<vmem>>
    %dma_start3A_122 = arith.constant 0 : i32
    %dma_start3A_123 = arith.constant 0 : i32
    %dma_start3A_124 = tpu.memref_slice %arg7[%dma_start3A_122, %dma_start3A_123] : memref<784x128xf32, #tpu.memory_space<hbm>> -> memref<784x128xf32, #tpu.memory_space<hbm>>
    tpu.enqueue_indirect_dma source(%dma_start3A_124 : memref<784x128xf32, #tpu.memory_space<hbm>>) target(%arg19 : memref<128x128xf32, #tpu.memory_space<vmem>>) offsets(%dma_start3A_121 : memref<128xi32, #tpu.memory_space<vmem>>) semaphore(%arg22 : memref<!tpu.dma_semaphore, #tpu.memory_space<semaphore_mem>>)
    %dma_wait3A_125 = arith.constant 256 : i32
    %dma_wait3A_126 = tpu.memref_slice %arg12[%dma_wait3A_125] : memref<512xi32, #tpu.memory_space<vmem>> -> memref<128xi32, #tpu.memory_space<vmem>>
    %dma_wait3A_127 = arith.constant 0 : i32
    %dma_wait3A_128 = arith.constant 0 : i32
    %dma_wait3A_129 = tpu.memref_slice %arg4[%dma_wait3A_127, %dma_wait3A_128] : memref<1000000x128xf32, #tpu.memory_space<hbm>> -> memref<1000000x128xf32, #tpu.memory_space<hbm>>
    tpu.wait_indirect_dma semaphore(%arg22 : memref<!tpu.dma_semaphore, #tpu.memory_space<semaphore_mem>>) src(%dma_wait3A_129 : memref<1000000x128xf32, #tpu.memory_space<hbm>>) dst(%arg16 : memref<128x128xf32, #tpu.memory_space<vmem>>)
    %dma_wait3A_130 = arith.constant 256 : i32
    %dma_wait3A_131 = tpu.memref_slice %arg13[%dma_wait3A_130] : memref<512xi32, #tpu.memory_space<vmem>> -> memref<128xi32, #tpu.memory_space<vmem>>
    %dma_wait3A_132 = arith.constant 0 : i32
    %dma_wait3A_133 = arith.constant 0 : i32
    %dma_wait3A_134 = tpu.memref_slice %arg6[%dma_wait3A_132, %dma_wait3A_133] : memref<100000x128xf32, #tpu.memory_space<hbm>> -> memref<100000x128xf32, #tpu.memory_space<hbm>>
    tpu.wait_indirect_dma semaphore(%arg22 : memref<!tpu.dma_semaphore, #tpu.memory_space<semaphore_mem>>) src(%dma_wait3A_134 : memref<100000x128xf32, #tpu.memory_space<hbm>>) dst(%arg17 : memref<128x128xf32, #tpu.memory_space<vmem>>)
    %dma_wait3A_135 = arith.constant 256 : i32
    %dma_wait3A_136 = tpu.memref_slice %arg14[%dma_wait3A_135] : memref<512xi32, #tpu.memory_space<vmem>> -> memref<128xi32, #tpu.memory_space<vmem>>
    %dma_wait3A_137 = arith.constant 0 : i32
    %dma_wait3A_138 = arith.constant 0 : i32
    %dma_wait3A_139 = tpu.memref_slice %arg5[%dma_wait3A_137, %dma_wait3A_138] : memref<7816x128xf32, #tpu.memory_space<hbm>> -> memref<7816x128xf32, #tpu.memory_space<hbm>>
    tpu.wait_indirect_dma semaphore(%arg22 : memref<!tpu.dma_semaphore, #tpu.memory_space<semaphore_mem>>) src(%dma_wait3A_139 : memref<7816x128xf32, #tpu.memory_space<hbm>>) dst(%arg18 : memref<128x128xf32, #tpu.memory_space<vmem>>)
    %dma_wait3A_140 = arith.constant 256 : i32
    %dma_wait3A_141 = tpu.memref_slice %arg15[%dma_wait3A_140] : memref<512xi32, #tpu.memory_space<vmem>> -> memref<128xi32, #tpu.memory_space<vmem>>
    %dma_wait3A_142 = arith.constant 0 : i32
    %dma_wait3A_143 = arith.constant 0 : i32
    %dma_wait3A_144 = tpu.memref_slice %arg7[%dma_wait3A_142, %dma_wait3A_143] : memref<784x128xf32, #tpu.memory_space<hbm>> -> memref<784x128xf32, #tpu.memory_space<hbm>>
    tpu.wait_indirect_dma semaphore(%arg22 : memref<!tpu.dma_semaphore, #tpu.memory_space<semaphore_mem>>) src(%dma_wait3A_144 : memref<784x128xf32, #tpu.memory_space<hbm>>) dst(%arg19 : memref<128x128xf32, #tpu.memory_space<vmem>>)
    %scan3A_145 = arith.constant 0 : i32
    %scan3A_146 = arith.constant 0 : i32
    %scan3A_147 = arith.constant 8 : i32
    %scan3A_148 = arith.addi %scan3A_146, %scan3A_147 : i32
    %scan3A_149 = arith.constant 1 : i32
    %scan3A_150 = scf.for %scan3A_199 = %scan3A_146 to %scan3A_148 step %scan3A_149 iter_args(%scan3A_200 = %scan3A_145) -> (i32)  : i32 {
      %multiple_of3A = arith.constant 256 : i32
      %multiple_of3A_201 = tpu.assume_multiple %multiple_of3A, 16 : i32
      %mul3A_202 = arith.constant 16 : i32
      %mul3A_203 = arith.muli %scan3A_199, %mul3A_202 : i32
      %add3A_204 = arith.addi %multiple_of3A_201, %mul3A_203 : i32
      %mul3A_205 = arith.constant 16 : i32
      %mul3A_206 = arith.muli %scan3A_199, %mul3A_205 : i32
      %add3A_207 = vector.broadcast %mul3A_206 : i32 to vector<16xi32>
      %add3A_208 = arith.addi %add3A_207, %iota3A : vector<16xi32>
      %get3A_209 = arith.index_cast %add3A_204 : i32 to index
      %get3A_210 = tpu.vector_load %arg10[%get3A_209] {strides = array<i32>} : memref<512xi32, #tpu.memory_space<vmem>>, vector<16xi32>,
      %get3A_211 = arith.index_cast %add3A_204 : i32 to index
      %get3A_212 = tpu.vector_load %arg11[%get3A_211] {strides = array<i32>} : memref<512xi32, #tpu.memory_space<vmem>>, vector<16xi32>,
      %broadcast_in_dim3A_213 = arith.constant 0.000000e+00 : f32
      %broadcast_in_dim3A_214 = vector.broadcast %broadcast_in_dim3A_213 : f32 to vector<16xf32>
      %broadcast_in_dim3A_215 = arith.constant 0 : i32
      %broadcast_in_dim3A_216 = vector.broadcast %broadcast_in_dim3A_215 : i32 to vector<16xi32>
      %gather3A = tpu.vector_load_idx %arg16[%add3A_208, %broadcast_in_dim3A_216] : memref<128x128xf32, #tpu.memory_space<vmem>>[vector<16xi32>, vector<16xi32>], vector<16xf32>,
      %gather3A_217 = tpu.vector_load_idx %arg17[%add3A_208, %broadcast_in_dim3A_216] : memref<128x128xf32, #tpu.memory_space<vmem>>[vector<16xi32>, vector<16xi32>], vector<16xf32>,
      %mul3A_218 = arith.mulf %gather3A, %gather3A_217 : vector<16xf32>
      %add3A_219 = arith.addf %broadcast_in_dim3A_214, %mul3A_218 : vector<16xf32>
      %broadcast_in_dim3A_220 = arith.constant 1 : i32
      %broadcast_in_dim3A_221 = vector.broadcast %broadcast_in_dim3A_220 : i32 to vector<16xi32>
      %gather3A_222 = tpu.vector_load_idx %arg16[%add3A_208, %broadcast_in_dim3A_221] : memref<128x128xf32, #tpu.memory_space<vmem>>[vector<16xi32>, vector<16xi32>], vector<16xf32>,
      %gather3A_223 = tpu.vector_load_idx %arg17[%add3A_208, %broadcast_in_dim3A_221] : memref<128x128xf32, #tpu.memory_space<vmem>>[vector<16xi32>, vector<16xi32>], vector<16xf32>,
      %mul3A_224 = arith.mulf %gather3A_222, %gather3A_223 : vector<16xf32>
      %add3A_225 = arith.addf %add3A_219, %mul3A_224 : vector<16xf32>
      %broadcast_in_dim3A_226 = arith.constant 2 : i32
      %broadcast_in_dim3A_227 = vector.broadcast %broadcast_in_dim3A_226 : i32 to vector<16xi32>
      %gather3A_228 = tpu.vector_load_idx %arg16[%add3A_208, %broadcast_in_dim3A_227] : memref<128x128xf32, #tpu.memory_space<vmem>>[vector<16xi32>, vector<16xi32>], vector<16xf32>,
      %gather3A_229 = tpu.vector_load_idx %arg17[%add3A_208, %broadcast_in_dim3A_227] : memref<128x128xf32, #tpu.memory_space<vmem>>[vector<16xi32>, vector<16xi32>], vector<16xf32>,
      %mul3A_230 = arith.mulf %gather3A_228, %gather3A_229 : vector<16xf32>
      %add3A_231 = arith.addf %add3A_225, %mul3A_230 : vector<16xf32>
      %broadcast_in_dim3A_232 = arith.constant 3 : i32
      %broadcast_in_dim3A_233 = vector.broadcast %broadcast_in_dim3A_232 : i32 to vector<16xi32>
      %gather3A_234 = tpu.vector_load_idx %arg16[%add3A_208, %broadcast_in_dim3A_233] : memref<128x128xf32, #tpu.memory_space<vmem>>[vector<16xi32>, vector<16xi32>], vector<16xf32>,
      %gather3A_235 = tpu.vector_load_idx %arg17[%add3A_208, %broadcast_in_dim3A_233] : memref<128x128xf32, #tpu.memory_space<vmem>>[vector<16xi32>, vector<16xi32>], vector<16xf32>,
      %mul3A_236 = arith.mulf %gather3A_234, %gather3A_235 : vector<16xf32>
      %add3A_237 = arith.addf %add3A_231, %mul3A_236 : vector<16xf32>
      %broadcast_in_dim3A_238 = arith.constant 4 : i32
      %broadcast_in_dim3A_239 = vector.broadcast %broadcast_in_dim3A_238 : i32 to vector<16xi32>
      %gather3A_240 = tpu.vector_load_idx %arg16[%add3A_208, %broadcast_in_dim3A_239] : memref<128x128xf32, #tpu.memory_space<vmem>>[vector<16xi32>, vector<16xi32>], vector<16xf32>,
      %gather3A_241 = tpu.vector_load_idx %arg17[%add3A_208, %broadcast_in_dim3A_239] : memref<128x128xf32, #tpu.memory_space<vmem>>[vector<16xi32>, vector<16xi32>], vector<16xf32>,
      %mul3A_242 = arith.mulf %gather3A_240, %gather3A_241 : vector<16xf32>
      %add3A_243 = arith.addf %add3A_237, %mul3A_242 : vector<16xf32>
      %broadcast_in_dim3A_244 = arith.constant 5 : i32
      %broadcast_in_dim3A_245 = vector.broadcast %broadcast_in_dim3A_244 : i32 to vector<16xi32>
      %gather3A_246 = tpu.vector_load_idx %arg16[%add3A_208, %broadcast_in_dim3A_245] : memref<128x128xf32, #tpu.memory_space<vmem>>[vector<16xi32>, vector<16xi32>], vector<16xf32>,
      %gather3A_247 = tpu.vector_load_idx %arg17[%add3A_208, %broadcast_in_dim3A_245] : memref<128x128xf32, #tpu.memory_space<vmem>>[vector<16xi32>, vector<16xi32>], vector<16xf32>,
      %mul3A_248 = arith.mulf %gather3A_246, %gather3A_247 : vector<16xf32>
      %add3A_249 = arith.addf %add3A_243, %mul3A_248 : vector<16xf32>
      %broadcast_in_dim3A_250 = arith.constant 6 : i32
      %broadcast_in_dim3A_251 = vector.broadcast %broadcast_in_dim3A_250 : i32 to vector<16xi32>
      %gather3A_252 = tpu.vector_load_idx %arg16[%add3A_208, %broadcast_in_dim3A_251] : memref<128x128xf32, #tpu.memory_space<vmem>>[vector<16xi32>, vector<16xi32>], vector<16xf32>,
      %gather3A_253 = tpu.vector_load_idx %arg17[%add3A_208, %broadcast_in_dim3A_251] : memref<128x128xf32, #tpu.memory_space<vmem>>[vector<16xi32>, vector<16xi32>], vector<16xf32>,
      %mul3A_254 = arith.mulf %gather3A_252, %gather3A_253 : vector<16xf32>
      %add3A_255 = arith.addf %add3A_249, %mul3A_254 : vector<16xf32>
      %broadcast_in_dim3A_256 = arith.constant 7 : i32
      %broadcast_in_dim3A_257 = vector.broadcast %broadcast_in_dim3A_256 : i32 to vector<16xi32>
      %gather3A_258 = tpu.vector_load_idx %arg16[%add3A_208, %broadcast_in_dim3A_257] : memref<128x128xf32, #tpu.memory_space<vmem>>[vector<16xi32>, vector<16xi32>], vector<16xf32>,
      %gather3A_259 = tpu.vector_load_idx %arg17[%add3A_208, %broadcast_in_dim3A_257] : memref<128x128xf32, #tpu.memory_space<vmem>>[vector<16xi32>, vector<16xi32>], vector<16xf32>,
      %mul3A_260 = arith.mulf %gather3A_258, %gather3A_259 : vector<16xf32>
      %add3A_261 = arith.addf %add3A_255, %mul3A_260 : vector<16xf32>
      %broadcast_in_dim3A_262 = arith.constant 8 : i32
      %broadcast_in_dim3A_263 = vector.broadcast %broadcast_in_dim3A_262 : i32 to vector<16xi32>
      %gather3A_264 = tpu.vector_load_idx %arg16[%add3A_208, %broadcast_in_dim3A_263] : memref<128x128xf32, #tpu.memory_space<vmem>>[vector<16xi32>, vector<16xi32>], vector<16xf32>,
      %gather3A_265 = tpu.vector_load_idx %arg17[%add3A_208, %broadcast_in_dim3A_263] : memref<128x128xf32, #tpu.memory_space<vmem>>[vector<16xi32>, vector<16xi32>], vector<16xf32>,
      %mul3A_266 = arith.mulf %gather3A_264, %gather3A_265 : vector<16xf32>
      %add3A_267 = arith.addf %add3A_261, %mul3A_266 : vector<16xf32>
      %broadcast_in_dim3A_268 = arith.constant 9 : i32
      %broadcast_in_dim3A_269 = vector.broadcast %broadcast_in_dim3A_268 : i32 to vector<16xi32>
      %gather3A_270 = tpu.vector_load_idx %arg16[%add3A_208, %broadcast_in_dim3A_269] : memref<128x128xf32, #tpu.memory_space<vmem>>[vector<16xi32>, vector<16xi32>], vector<16xf32>,
      %gather3A_271 = tpu.vector_load_idx %arg17[%add3A_208, %broadcast_in_dim3A_269] : memref<128x128xf32, #tpu.memory_space<vmem>>[vector<16xi32>, vector<16xi32>], vector<16xf32>,
      %mul3A_272 = arith.mulf %gather3A_270, %gather3A_271 : vector<16xf32>
      %add3A_273 = arith.addf %add3A_267, %mul3A_272 : vector<16xf32>
      %broadcast_in_dim3A_274 = arith.constant 10 : i32
      %broadcast_in_dim3A_275 = vector.broadcast %broadcast_in_dim3A_274 : i32 to vector<16xi32>
      %gather3A_276 = tpu.vector_load_idx %arg16[%add3A_208, %broadcast_in_dim3A_275] : memref<128x128xf32, #tpu.memory_space<vmem>>[vector<16xi32>, vector<16xi32>], vector<16xf32>,
      %gather3A_277 = tpu.vector_load_idx %arg17[%add3A_208, %broadcast_in_dim3A_275] : memref<128x128xf32, #tpu.memory_space<vmem>>[vector<16xi32>, vector<16xi32>], vector<16xf32>,
      %mul3A_278 = arith.mulf %gather3A_276, %gather3A_277 : vector<16xf32>
      %add3A_279 = arith.addf %add3A_273, %mul3A_278 : vector<16xf32>
      %broadcast_in_dim3A_280 = arith.constant 11 : i32
      %broadcast_in_dim3A_281 = vector.broadcast %broadcast_in_dim3A_280 : i32 to vector<16xi32>
      %gather3A_282 = tpu.vector_load_idx %arg16[%add3A_208, %broadcast_in_dim3A_281] : memref<128x128xf32, #tpu.memory_space<vmem>>[vector<16xi32>, vector<16xi32>], vector<16xf32>,
      %gather3A_283 = tpu.vector_load_idx %arg17[%add3A_208, %broadcast_in_dim3A_281] : memref<128x128xf32, #tpu.memory_space<vmem>>[vector<16xi32>, vector<16xi32>], vector<16xf32>,
      %mul3A_284 = arith.mulf %gather3A_282, %gather3A_283 : vector<16xf32>
      %add3A_285 = arith.addf %add3A_279, %mul3A_284 : vector<16xf32>
      %broadcast_in_dim3A_286 = arith.constant 12 : i32
      %broadcast_in_dim3A_287 = vector.broadcast %broadcast_in_dim3A_286 : i32 to vector<16xi32>
      %gather3A_288 = tpu.vector_load_idx %arg16[%add3A_208, %broadcast_in_dim3A_287] : memref<128x128xf32, #tpu.memory_space<vmem>>[vector<16xi32>, vector<16xi32>], vector<16xf32>,
      %gather3A_289 = tpu.vector_load_idx %arg17[%add3A_208, %broadcast_in_dim3A_287] : memref<128x128xf32, #tpu.memory_space<vmem>>[vector<16xi32>, vector<16xi32>], vector<16xf32>,
      %mul3A_290 = arith.mulf %gather3A_288, %gather3A_289 : vector<16xf32>
      %add3A_291 = arith.addf %add3A_285, %mul3A_290 : vector<16xf32>
      %broadcast_in_dim3A_292 = arith.constant 13 : i32
      %broadcast_in_dim3A_293 = vector.broadcast %broadcast_in_dim3A_292 : i32 to vector<16xi32>
      %gather3A_294 = tpu.vector_load_idx %arg16[%add3A_208, %broadcast_in_dim3A_293] : memref<128x128xf32, #tpu.memory_space<vmem>>[vector<16xi32>, vector<16xi32>], vector<16xf32>,
      %gather3A_295 = tpu.vector_load_idx %arg17[%add3A_208, %broadcast_in_dim3A_293] : memref<128x128xf32, #tpu.memory_space<vmem>>[vector<16xi32>, vector<16xi32>], vector<16xf32>,
      %mul3A_296 = arith.mulf %gather3A_294, %gather3A_295 : vector<16xf32>
      %add3A_297 = arith.addf %add3A_291, %mul3A_296 : vector<16xf32>
      %broadcast_in_dim3A_298 = arith.constant 14 : i32
      %broadcast_in_dim3A_299 = vector.broadcast %broadcast_in_dim3A_298 : i32 to vector<16xi32>
      %gather3A_300 = tpu.vector_load_idx %arg16[%add3A_208, %broadcast_in_dim3A_299] : memref<128x128xf32, #tpu.memory_space<vmem>>[vector<16xi32>, vector<16xi32>], vector<16xf32>,
      %gather3A_301 = tpu.vector_load_idx %arg17[%add3A_208, %broadcast_in_dim3A_299] : memref<128x128xf32, #tpu.memory_space<vmem>>[vector<16xi32>, vector<16xi32>], vector<16xf32>,
      %mul3A_302 = arith.mulf %gather3A_300, %gather3A_301 : vector<16xf32>
      %add3A_303 = arith.addf %add3A_297, %mul3A_302 : vector<16xf32>
      %broadcast_in_dim3A_304 = arith.constant 15 : i32
      %broadcast_in_dim3A_305 = vector.broadcast %broadcast_in_dim3A_304 : i32 to vector<16xi32>
      %gather3A_306 = tpu.vector_load_idx %arg16[%add3A_208, %broadcast_in_dim3A_305] : memref<128x128xf32, #tpu.memory_space<vmem>>[vector<16xi32>, vector<16xi32>], vector<16xf32>,
      %gather3A_307 = tpu.vector_load_idx %arg17[%add3A_208, %broadcast_in_dim3A_305] : memref<128x128xf32, #tpu.memory_space<vmem>>[vector<16xi32>, vector<16xi32>], vector<16xf32>,
      %mul3A_308 = arith.mulf %gather3A_306, %gather3A_307 : vector<16xf32>
      %add3A_309 = arith.addf %add3A_303, %mul3A_308 : vector<16xf32>
      %broadcast_in_dim3A_310 = arith.constant 16 : i32
      %broadcast_in_dim3A_311 = vector.broadcast %broadcast_in_dim3A_310 : i32 to vector<16xi32>
      %gather3A_312 = tpu.vector_load_idx %arg16[%add3A_208, %broadcast_in_dim3A_311] : memref<128x128xf32, #tpu.memory_space<vmem>>[vector<16xi32>, vector<16xi32>], vector<16xf32>,
      %gather3A_313 = tpu.vector_load_idx %arg17[%add3A_208, %broadcast_in_dim3A_311] : memref<128x128xf32, #tpu.memory_space<vmem>>[vector<16xi32>, vector<16xi32>], vector<16xf32>,
      %mul3A_314 = arith.mulf %gather3A_312, %gather3A_313 : vector<16xf32>
      %add3A_315 = arith.addf %add3A_309, %mul3A_314 : vector<16xf32>
      %broadcast_in_dim3A_316 = arith.constant 17 : i32
      %broadcast_in_dim3A_317 = vector.broadcast %broadcast_in_dim3A_316 : i32 to vector<16xi32>
      %gather3A_318 = tpu.vector_load_idx %arg16[%add3A_208, %broadcast_in_dim3A_317] : memref<128x128xf32, #tpu.memory_space<vmem>>[vector<16xi32>, vector<16xi32>], vector<16xf32>,
      %gather3A_319 = tpu.vector_load_idx %arg17[%add3A_208, %broadcast_in_dim3A_317] : memref<128x128xf32, #tpu.memory_space<vmem>>[vector<16xi32>, vector<16xi32>], vector<16xf32>,
      %mul3A_320 = arith.mulf %gather3A_318, %gather3A_319 : vector<16xf32>
      %add3A_321 = arith.addf %add3A_315, %mul3A_320 : vector<16xf32>
      %broadcast_in_dim3A_322 = arith.constant 18 : i32
      %broadcast_in_dim3A_323 = vector.broadcast %broadcast_in_dim3A_322 : i32 to vector<16xi32>
      %gather3A_324 = tpu.vector_load_idx %arg16[%add3A_208, %broadcast_in_dim3A_323] : memref<128x128xf32, #tpu.memory_space<vmem>>[vector<16xi32>, vector<16xi32>], vector<16xf32>,
      %gather3A_325 = tpu.vector_load_idx %arg17[%add3A_208, %broadcast_in_dim3A_323] : memref<128x128xf32, #tpu.memory_space<vmem>>[vector<16xi32>, vector<16xi32>], vector<16xf32>,
      %mul3A_326 = arith.mulf %gather3A_324, %gather3A_325 : vector<16xf32>
      %add3A_327 = arith.addf %add3A_321, %mul3A_326 : vector<16xf32>
      %broadcast_in_dim3A_328 = arith.constant 19 : i32
      %broadcast_in_dim3A_329 = vector.broadcast %broadcast_in_dim3A_328 : i32 to vector<16xi32>
      %gather3A_330 = tpu.vector_load_idx %arg16[%add3A_208, %broadcast_in_dim3A_329] : memref<128x128xf32, #tpu.memory_space<vmem>>[vector<16xi32>, vector<16xi32>], vector<16xf32>,
      %gather3A_331 = tpu.vector_load_idx %arg17[%add3A_208, %broadcast_in_dim3A_329] : memref<128x128xf32, #tpu.memory_space<vmem>>[vector<16xi32>, vector<16xi32>], vector<16xf32>,
      %mul3A_332 = arith.mulf %gather3A_330, %gather3A_331 : vector<16xf32>
      %add3A_333 = arith.addf %add3A_327, %mul3A_332 : vector<16xf32>
      %broadcast_in_dim3A_334 = arith.constant 20 : i32
      %broadcast_in_dim3A_335 = vector.broadcast %broadcast_in_dim3A_334 : i32 to vector<16xi32>
      %gather3A_336 = tpu.vector_load_idx %arg16[%add3A_208, %broadcast_in_dim3A_335] : memref<128x128xf32, #tpu.memory_space<vmem>>[vector<16xi32>, vector<16xi32>], vector<16xf32>,
      %gather3A_337 = tpu.vector_load_idx %arg17[%add3A_208, %broadcast_in_dim3A_335] : memref<128x128xf32, #tpu.memory_space<vmem>>[vector<16xi32>, vector<16xi32>], vector<16xf32>,
      %mul3A_338 = arith.mulf %gather3A_336, %gather3A_337 : vector<16xf32>
      %add3A_339 = arith.addf %add3A_333, %mul3A_338 : vector<16xf32>
      %broadcast_in_dim3A_340 = arith.constant 21 : i32
      %broadcast_in_dim3A_341 = vector.broadcast %broadcast_in_dim3A_340 : i32 to vector<16xi32>
      %gather3A_342 = tpu.vector_load_idx %arg16[%add3A_208, %broadcast_in_dim3A_341] : memref<128x128xf32, #tpu.memory_space<vmem>>[vector<16xi32>, vector<16xi32>], vector<16xf32>,
      %gather3A_343 = tpu.vector_load_idx %arg17[%add3A_208, %broadcast_in_dim3A_341] : memref<128x128xf32, #tpu.memory_space<vmem>>[vector<16xi32>, vector<16xi32>], vector<16xf32>,
      %mul3A_344 = arith.mulf %gather3A_342, %gather3A_343 : vector<16xf32>
      %add3A_345 = arith.addf %add3A_339, %mul3A_344 : vector<16xf32>
      %broadcast_in_dim3A_346 = arith.constant 22 : i32
      %broadcast_in_dim3A_347 = vector.broadcast %broadcast_in_dim3A_346 : i32 to vector<16xi32>
      %gather3A_348 = tpu.vector_load_idx %arg16[%add3A_208, %broadcast_in_dim3A_347] : memref<128x128xf32, #tpu.memory_space<vmem>>[vector<16xi32>, vector<16xi32>], vector<16xf32>,
      %gather3A_349 = tpu.vector_load_idx %arg17[%add3A_208, %broadcast_in_dim3A_347] : memref<128x128xf32, #tpu.memory_space<vmem>>[vector<16xi32>, vector<16xi32>], vector<16xf32>,
      %mul3A_350 = arith.mulf %gather3A_348, %gather3A_349 : vector<16xf32>
      %add3A_351 = arith.addf %add3A_345, %mul3A_350 : vector<16xf32>
      %broadcast_in_dim3A_352 = arith.constant 23 : i32
      %broadcast_in_dim3A_353 = vector.broadcast %broadcast_in_dim3A_352 : i32 to vector<16xi32>
      %gather3A_354 = tpu.vector_load_idx %arg16[%add3A_208, %broadcast_in_dim3A_353] : memref<128x128xf32, #tpu.memory_space<vmem>>[vector<16xi32>, vector<16xi32>], vector<16xf32>,
      %gather3A_355 = tpu.vector_load_idx %arg17[%add3A_208, %broadcast_in_dim3A_353] : memref<128x128xf32, #tpu.memory_space<vmem>>[vector<16xi32>, vector<16xi32>], vector<16xf32>,
      %mul3A_356 = arith.mulf %gather3A_354, %gather3A_355 : vector<16xf32>
      %add3A_357 = arith.addf %add3A_351, %mul3A_356 : vector<16xf32>
      %broadcast_in_dim3A_358 = arith.constant 24 : i32
      %broadcast_in_dim3A_359 = vector.broadcast %broadcast_in_dim3A_358 : i32 to vector<16xi32>
      %gather3A_360 = tpu.vector_load_idx %arg16[%add3A_208, %broadcast_in_dim3A_359] : memref<128x128xf32, #tpu.memory_space<vmem>>[vector<16xi32>, vector<16xi32>], vector<16xf32>,
      %gather3A_361 = tpu.vector_load_idx %arg17[%add3A_208, %broadcast_in_dim3A_359] : memref<128x128xf32, #tpu.memory_space<vmem>>[vector<16xi32>, vector<16xi32>], vector<16xf32>,
      %mul3A_362 = arith.mulf %gather3A_360, %gather3A_361 : vector<16xf32>
      %add3A_363 = arith.addf %add3A_357, %mul3A_362 : vector<16xf32>
      %broadcast_in_dim3A_364 = arith.constant 25 : i32
      %broadcast_in_dim3A_365 = vector.broadcast %broadcast_in_dim3A_364 : i32 to vector<16xi32>
      %gather3A_366 = tpu.vector_load_idx %arg16[%add3A_208, %broadcast_in_dim3A_365] : memref<128x128xf32, #tpu.memory_space<vmem>>[vector<16xi32>, vector<16xi32>], vector<16xf32>,
      %gather3A_367 = tpu.vector_load_idx %arg17[%add3A_208, %broadcast_in_dim3A_365] : memref<128x128xf32, #tpu.memory_space<vmem>>[vector<16xi32>, vector<16xi32>], vector<16xf32>,
      %mul3A_368 = arith.mulf %gather3A_366, %gather3A_367 : vector<16xf32>
      %add3A_369 = arith.addf %add3A_363, %mul3A_368 : vector<16xf32>
      %broadcast_in_dim3A_370 = arith.constant 26 : i32
      %broadcast_in_dim3A_371 = vector.broadcast %broadcast_in_dim3A_370 : i32 to vector<16xi32>
      %gather3A_372 = tpu.vector_load_idx %arg16[%add3A_208, %broadcast_in_dim3A_371] : memref<128x128xf32, #tpu.memory_space<vmem>>[vector<16xi32>, vector<16xi32>], vector<16xf32>,
      %gather3A_373 = tpu.vector_load_idx %arg17[%add3A_208, %broadcast_in_dim3A_371] : memref<128x128xf32, #tpu.memory_space<vmem>>[vector<16xi32>, vector<16xi32>], vector<16xf32>,
      %mul3A_374 = arith.mulf %gather3A_372, %gather3A_373 : vector<16xf32>
      %add3A_375 = arith.addf %add3A_369, %mul3A_374 : vector<16xf32>
      %broadcast_in_dim3A_376 = arith.constant 27 : i32
      %broadcast_in_dim3A_377 = vector.broadcast %broadcast_in_dim3A_376 : i32 to vector<16xi32>
      %gather3A_378 = tpu.vector_load_idx %arg16[%add3A_208, %broadcast_in_dim3A_377] : memref<128x128xf32, #tpu.memory_space<vmem>>[vector<16xi32>, vector<16xi32>], vector<16xf32>,
      %gather3A_379 = tpu.vector_load_idx %arg17[%add3A_208, %broadcast_in_dim3A_377] : memref<128x128xf32, #tpu.memory_space<vmem>>[vector<16xi32>, vector<16xi32>], vector<16xf32>,
      %mul3A_380 = arith.mulf %gather3A_378, %gather3A_379 : vector<16xf32>
      %add3A_381 = arith.addf %add3A_375, %mul3A_380 : vector<16xf32>
      %broadcast_in_dim3A_382 = arith.constant 28 : i32
      %broadcast_in_dim3A_383 = vector.broadcast %broadcast_in_dim3A_382 : i32 to vector<16xi32>
      %gather3A_384 = tpu.vector_load_idx %arg16[%add3A_208, %broadcast_in_dim3A_383] : memref<128x128xf32, #tpu.memory_space<vmem>>[vector<16xi32>, vector<16xi32>], vector<16xf32>,
      %gather3A_385 = tpu.vector_load_idx %arg17[%add3A_208, %broadcast_in_dim3A_383] : memref<128x128xf32, #tpu.memory_space<vmem>>[vector<16xi32>, vector<16xi32>], vector<16xf32>,
      %mul3A_386 = arith.mulf %gather3A_384, %gather3A_385 : vector<16xf32>
      %add3A_387 = arith.addf %add3A_381, %mul3A_386 : vector<16xf32>
      %broadcast_in_dim3A_388 = arith.constant 29 : i32
      %broadcast_in_dim3A_389 = vector.broadcast %broadcast_in_dim3A_388 : i32 to vector<16xi32>
      %gather3A_390 = tpu.vector_load_idx %arg16[%add3A_208, %broadcast_in_dim3A_389] : memref<128x128xf32, #tpu.memory_space<vmem>>[vector<16xi32>, vector<16xi32>], vector<16xf32>,
      %gather3A_391 = tpu.vector_load_idx %arg17[%add3A_208, %broadcast_in_dim3A_389] : memref<128x128xf32, #tpu.memory_space<vmem>>[vector<16xi32>, vector<16xi32>], vector<16xf32>,
      %mul3A_392 = arith.mulf %gather3A_390, %gather3A_391 : vector<16xf32>
      %add3A_393 = arith.addf %add3A_387, %mul3A_392 : vector<16xf32>
      %broadcast_in_dim3A_394 = arith.constant 30 : i32
      %broadcast_in_dim3A_395 = vector.broadcast %broadcast_in_dim3A_394 : i32 to vector<16xi32>
      %gather3A_396 = tpu.vector_load_idx %arg16[%add3A_208, %broadcast_in_dim3A_395] : memref<128x128xf32, #tpu.memory_space<vmem>>[vector<16xi32>, vector<16xi32>], vector<16xf32>,
      %gather3A_397 = tpu.vector_load_idx %arg17[%add3A_208, %broadcast_in_dim3A_395] : memref<128x128xf32, #tpu.memory_space<vmem>>[vector<16xi32>, vector<16xi32>], vector<16xf32>,
      %mul3A_398 = arith.mulf %gather3A_396, %gather3A_397 : vector<16xf32>
      %add3A_399 = arith.addf %add3A_393, %mul3A_398 : vector<16xf32>
      %broadcast_in_dim3A_400 = arith.constant 31 : i32
      %broadcast_in_dim3A_401 = vector.broadcast %broadcast_in_dim3A_400 : i32 to vector<16xi32>
      %gather3A_402 = tpu.vector_load_idx %arg16[%add3A_208, %broadcast_in_dim3A_401] : memref<128x128xf32, #tpu.memory_space<vmem>>[vector<16xi32>, vector<16xi32>], vector<16xf32>,
      %gather3A_403 = tpu.vector_load_idx %arg17[%add3A_208, %broadcast_in_dim3A_401] : memref<128x128xf32, #tpu.memory_space<vmem>>[vector<16xi32>, vector<16xi32>], vector<16xf32>,
      %mul3A_404 = arith.mulf %gather3A_402, %gather3A_403 : vector<16xf32>
      %add3A_405 = arith.addf %add3A_399, %mul3A_404 : vector<16xf32>
      %and3A = arith.andi %get3A_210, %broadcast_in_dim3A_12 : vector<16xi32>
      %gather3A_406 = tpu.vector_load_idx %arg18[%add3A_208, %and3A] : memref<128x128xf32, #tpu.memory_space<vmem>>[vector<16xi32>, vector<16xi32>], vector<16xf32>,
      %and3A_407 = arith.andi %get3A_212, %broadcast_in_dim3A_12 : vector<16xi32>
      %gather3A_408 = tpu.vector_load_idx %arg19[%add3A_208, %and3A_407] : memref<128x128xf32, #tpu.memory_space<vmem>>[vector<16xi32>, vector<16xi32>], vector<16xf32>,
      %add3A_409 = arith.addf %add3A_405, %gather3A_406 : vector<16xf32>
      %add3A_410 = arith.addf %add3A_409, %gather3A_408 : vector<16xf32>
      %add3A_411 = arith.addf %add3A_410, %get3A_9 : vector<16xf32>
      %swap3A = arith.index_cast %add3A_204 : i32 to index
      %swap3A_412 = tpu.vector_load %arg21[%swap3A] {strides = array<i32>} : memref<512xf32, #tpu.memory_space<vmem>>, vector<16xf32>,
      tpu.vector_store %arg21[%swap3A], %add3A_411 {strides = array<i32>} : memref<512xf32, #tpu.memory_space<vmem>>, vector<16xf32>,
      %scan3A_413 = arith.constant 0 : i32
      scf.yield %scan3A_413 : i32
    }
    %scan3A_151 = arith.constant 8 : i32
    %dma_start3A_152 = arith.constant 384 : i32
    %dma_start3A_153 = tpu.memref_slice %arg12[%dma_start3A_152] : memref<512xi32, #tpu.memory_space<vmem>> -> memref<128xi32, #tpu.memory_space<vmem>>
    %dma_start3A_154 = arith.constant 0 : i32
    %dma_start3A_155 = arith.constant 0 : i32
    %dma_start3A_156 = tpu.memref_slice %arg4[%dma_start3A_154, %dma_start3A_155] : memref<1000000x128xf32, #tpu.memory_space<hbm>> -> memref<1000000x128xf32, #tpu.memory_space<hbm>>
    tpu.enqueue_indirect_dma source(%dma_start3A_156 : memref<1000000x128xf32, #tpu.memory_space<hbm>>) target(%arg16 : memref<128x128xf32, #tpu.memory_space<vmem>>) offsets(%dma_start3A_153 : memref<128xi32, #tpu.memory_space<vmem>>) semaphore(%arg22 : memref<!tpu.dma_semaphore, #tpu.memory_space<semaphore_mem>>)
    %dma_start3A_157 = arith.constant 384 : i32
    %dma_start3A_158 = tpu.memref_slice %arg13[%dma_start3A_157] : memref<512xi32, #tpu.memory_space<vmem>> -> memref<128xi32, #tpu.memory_space<vmem>>
    %dma_start3A_159 = arith.constant 0 : i32
    %dma_start3A_160 = arith.constant 0 : i32
    %dma_start3A_161 = tpu.memref_slice %arg6[%dma_start3A_159, %dma_start3A_160] : memref<100000x128xf32, #tpu.memory_space<hbm>> -> memref<100000x128xf32, #tpu.memory_space<hbm>>
    tpu.enqueue_indirect_dma source(%dma_start3A_161 : memref<100000x128xf32, #tpu.memory_space<hbm>>) target(%arg17 : memref<128x128xf32, #tpu.memory_space<vmem>>) offsets(%dma_start3A_158 : memref<128xi32, #tpu.memory_space<vmem>>) semaphore(%arg22 : memref<!tpu.dma_semaphore, #tpu.memory_space<semaphore_mem>>)
    %dma_start3A_162 = arith.constant 384 : i32
    %dma_start3A_163 = tpu.memref_slice %arg14[%dma_start3A_162] : memref<512xi32, #tpu.memory_space<vmem>> -> memref<128xi32, #tpu.memory_space<vmem>>
    %dma_start3A_164 = arith.constant 0 : i32
    %dma_start3A_165 = arith.constant 0 : i32
    %dma_start3A_166 = tpu.memref_slice %arg5[%dma_start3A_164, %dma_start3A_165] : memref<7816x128xf32, #tpu.memory_space<hbm>> -> memref<7816x128xf32, #tpu.memory_space<hbm>>
    tpu.enqueue_indirect_dma source(%dma_start3A_166 : memref<7816x128xf32, #tpu.memory_space<hbm>>) target(%arg18 : memref<128x128xf32, #tpu.memory_space<vmem>>) offsets(%dma_start3A_163 : memref<128xi32, #tpu.memory_space<vmem>>) semaphore(%arg22 : memref<!tpu.dma_semaphore, #tpu.memory_space<semaphore_mem>>)
    %dma_start3A_167 = arith.constant 384 : i32
    %dma_start3A_168 = tpu.memref_slice %arg15[%dma_start3A_167] : memref<512xi32, #tpu.memory_space<vmem>> -> memref<128xi32, #tpu.memory_space<vmem>>
    %dma_start3A_169 = arith.constant 0 : i32
    %dma_start3A_170 = arith.constant 0 : i32
    %dma_start3A_171 = tpu.memref_slice %arg7[%dma_start3A_169, %dma_start3A_170] : memref<784x128xf32, #tpu.memory_space<hbm>> -> memref<784x128xf32, #tpu.memory_space<hbm>>
    tpu.enqueue_indirect_dma source(%dma_start3A_171 : memref<784x128xf32, #tpu.memory_space<hbm>>) target(%arg19 : memref<128x128xf32, #tpu.memory_space<vmem>>) offsets(%dma_start3A_168 : memref<128xi32, #tpu.memory_space<vmem>>) semaphore(%arg22 : memref<!tpu.dma_semaphore, #tpu.memory_space<semaphore_mem>>)
    %dma_wait3A_172 = arith.constant 384 : i32
    %dma_wait3A_173 = tpu.memref_slice %arg12[%dma_wait3A_172] : memref<512xi32, #tpu.memory_space<vmem>> -> memref<128xi32, #tpu.memory_space<vmem>>
    %dma_wait3A_174 = arith.constant 0 : i32
    %dma_wait3A_175 = arith.constant 0 : i32
    %dma_wait3A_176 = tpu.memref_slice %arg4[%dma_wait3A_174, %dma_wait3A_175] : memref<1000000x128xf32, #tpu.memory_space<hbm>> -> memref<1000000x128xf32, #tpu.memory_space<hbm>>
    tpu.wait_indirect_dma semaphore(%arg22 : memref<!tpu.dma_semaphore, #tpu.memory_space<semaphore_mem>>) src(%dma_wait3A_176 : memref<1000000x128xf32, #tpu.memory_space<hbm>>) dst(%arg16 : memref<128x128xf32, #tpu.memory_space<vmem>>)
    %dma_wait3A_177 = arith.constant 384 : i32
    %dma_wait3A_178 = tpu.memref_slice %arg13[%dma_wait3A_177] : memref<512xi32, #tpu.memory_space<vmem>> -> memref<128xi32, #tpu.memory_space<vmem>>
    %dma_wait3A_179 = arith.constant 0 : i32
    %dma_wait3A_180 = arith.constant 0 : i32
    %dma_wait3A_181 = tpu.memref_slice %arg6[%dma_wait3A_179, %dma_wait3A_180] : memref<100000x128xf32, #tpu.memory_space<hbm>> -> memref<100000x128xf32, #tpu.memory_space<hbm>>
    tpu.wait_indirect_dma semaphore(%arg22 : memref<!tpu.dma_semaphore, #tpu.memory_space<semaphore_mem>>) src(%dma_wait3A_181 : memref<100000x128xf32, #tpu.memory_space<hbm>>) dst(%arg17 : memref<128x128xf32, #tpu.memory_space<vmem>>)
    %dma_wait3A_182 = arith.constant 384 : i32
    %dma_wait3A_183 = tpu.memref_slice %arg14[%dma_wait3A_182] : memref<512xi32, #tpu.memory_space<vmem>> -> memref<128xi32, #tpu.memory_space<vmem>>
    %dma_wait3A_184 = arith.constant 0 : i32
    %dma_wait3A_185 = arith.constant 0 : i32
    %dma_wait3A_186 = tpu.memref_slice %arg5[%dma_wait3A_184, %dma_wait3A_185] : memref<7816x128xf32, #tpu.memory_space<hbm>> -> memref<7816x128xf32, #tpu.memory_space<hbm>>
    tpu.wait_indirect_dma semaphore(%arg22 : memref<!tpu.dma_semaphore, #tpu.memory_space<semaphore_mem>>) src(%dma_wait3A_186 : memref<7816x128xf32, #tpu.memory_space<hbm>>) dst(%arg18 : memref<128x128xf32, #tpu.memory_space<vmem>>)
    %dma_wait3A_187 = arith.constant 384 : i32
    %dma_wait3A_188 = tpu.memref_slice %arg15[%dma_wait3A_187] : memref<512xi32, #tpu.memory_space<vmem>> -> memref<128xi32, #tpu.memory_space<vmem>>
    %dma_wait3A_189 = arith.constant 0 : i32
    %dma_wait3A_190 = arith.constant 0 : i32
    %dma_wait3A_191 = tpu.memref_slice %arg7[%dma_wait3A_189, %dma_wait3A_190] : memref<784x128xf32, #tpu.memory_space<hbm>> -> memref<784x128xf32, #tpu.memory_space<hbm>>
    tpu.wait_indirect_dma semaphore(%arg22 : memref<!tpu.dma_semaphore, #tpu.memory_space<semaphore_mem>>) src(%dma_wait3A_191 : memref<784x128xf32, #tpu.memory_space<hbm>>) dst(%arg19 : memref<128x128xf32, #tpu.memory_space<vmem>>)
    %scan3A_192 = arith.constant 0 : i32
    %scan3A_193 = arith.constant 0 : i32
    %scan3A_194 = arith.constant 8 : i32
    %scan3A_195 = arith.addi %scan3A_193, %scan3A_194 : i32
    %scan3A_196 = arith.constant 1 : i32
    %scan3A_197 = scf.for %scan3A_199 = %scan3A_193 to %scan3A_195 step %scan3A_196 iter_args(%scan3A_200 = %scan3A_192) -> (i32)  : i32 {
      %multiple_of3A = arith.constant 384 : i32
      %multiple_of3A_201 = tpu.assume_multiple %multiple_of3A, 16 : i32
      %mul3A_202 = arith.constant 16 : i32
      %mul3A_203 = arith.muli %scan3A_199, %mul3A_202 : i32
      %add3A_204 = arith.addi %multiple_of3A_201, %mul3A_203 : i32
      %mul3A_205 = arith.constant 16 : i32
      %mul3A_206 = arith.muli %scan3A_199, %mul3A_205 : i32
      %add3A_207 = vector.broadcast %mul3A_206 : i32 to vector<16xi32>
      %add3A_208 = arith.addi %add3A_207, %iota3A : vector<16xi32>
      %get3A_209 = arith.index_cast %add3A_204 : i32 to index
      %get3A_210 = tpu.vector_load %arg10[%get3A_209] {strides = array<i32>} : memref<512xi32, #tpu.memory_space<vmem>>, vector<16xi32>,
      %get3A_211 = arith.index_cast %add3A_204 : i32 to index
      %get3A_212 = tpu.vector_load %arg11[%get3A_211] {strides = array<i32>} : memref<512xi32, #tpu.memory_space<vmem>>, vector<16xi32>,
      %broadcast_in_dim3A_213 = arith.constant 0.000000e+00 : f32
      %broadcast_in_dim3A_214 = vector.broadcast %broadcast_in_dim3A_213 : f32 to vector<16xf32>
      %broadcast_in_dim3A_215 = arith.constant 0 : i32
      %broadcast_in_dim3A_216 = vector.broadcast %broadcast_in_dim3A_215 : i32 to vector<16xi32>
      %gather3A = tpu.vector_load_idx %arg16[%add3A_208, %broadcast_in_dim3A_216] : memref<128x128xf32, #tpu.memory_space<vmem>>[vector<16xi32>, vector<16xi32>], vector<16xf32>,
      %gather3A_217 = tpu.vector_load_idx %arg17[%add3A_208, %broadcast_in_dim3A_216] : memref<128x128xf32, #tpu.memory_space<vmem>>[vector<16xi32>, vector<16xi32>], vector<16xf32>,
      %mul3A_218 = arith.mulf %gather3A, %gather3A_217 : vector<16xf32>
      %add3A_219 = arith.addf %broadcast_in_dim3A_214, %mul3A_218 : vector<16xf32>
      %broadcast_in_dim3A_220 = arith.constant 1 : i32
      %broadcast_in_dim3A_221 = vector.broadcast %broadcast_in_dim3A_220 : i32 to vector<16xi32>
      %gather3A_222 = tpu.vector_load_idx %arg16[%add3A_208, %broadcast_in_dim3A_221] : memref<128x128xf32, #tpu.memory_space<vmem>>[vector<16xi32>, vector<16xi32>], vector<16xf32>,
      %gather3A_223 = tpu.vector_load_idx %arg17[%add3A_208, %broadcast_in_dim3A_221] : memref<128x128xf32, #tpu.memory_space<vmem>>[vector<16xi32>, vector<16xi32>], vector<16xf32>,
      %mul3A_224 = arith.mulf %gather3A_222, %gather3A_223 : vector<16xf32>
      %add3A_225 = arith.addf %add3A_219, %mul3A_224 : vector<16xf32>
      %broadcast_in_dim3A_226 = arith.constant 2 : i32
      %broadcast_in_dim3A_227 = vector.broadcast %broadcast_in_dim3A_226 : i32 to vector<16xi32>
      %gather3A_228 = tpu.vector_load_idx %arg16[%add3A_208, %broadcast_in_dim3A_227] : memref<128x128xf32, #tpu.memory_space<vmem>>[vector<16xi32>, vector<16xi32>], vector<16xf32>,
      %gather3A_229 = tpu.vector_load_idx %arg17[%add3A_208, %broadcast_in_dim3A_227] : memref<128x128xf32, #tpu.memory_space<vmem>>[vector<16xi32>, vector<16xi32>], vector<16xf32>,
      %mul3A_230 = arith.mulf %gather3A_228, %gather3A_229 : vector<16xf32>
      %add3A_231 = arith.addf %add3A_225, %mul3A_230 : vector<16xf32>
      %broadcast_in_dim3A_232 = arith.constant 3 : i32
      %broadcast_in_dim3A_233 = vector.broadcast %broadcast_in_dim3A_232 : i32 to vector<16xi32>
      %gather3A_234 = tpu.vector_load_idx %arg16[%add3A_208, %broadcast_in_dim3A_233] : memref<128x128xf32, #tpu.memory_space<vmem>>[vector<16xi32>, vector<16xi32>], vector<16xf32>,
      %gather3A_235 = tpu.vector_load_idx %arg17[%add3A_208, %broadcast_in_dim3A_233] : memref<128x128xf32, #tpu.memory_space<vmem>>[vector<16xi32>, vector<16xi32>], vector<16xf32>,
      %mul3A_236 = arith.mulf %gather3A_234, %gather3A_235 : vector<16xf32>
      %add3A_237 = arith.addf %add3A_231, %mul3A_236 : vector<16xf32>
      %broadcast_in_dim3A_238 = arith.constant 4 : i32
      %broadcast_in_dim3A_239 = vector.broadcast %broadcast_in_dim3A_238 : i32 to vector<16xi32>
      %gather3A_240 = tpu.vector_load_idx %arg16[%add3A_208, %broadcast_in_dim3A_239] : memref<128x128xf32, #tpu.memory_space<vmem>>[vector<16xi32>, vector<16xi32>], vector<16xf32>,
      %gather3A_241 = tpu.vector_load_idx %arg17[%add3A_208, %broadcast_in_dim3A_239] : memref<128x128xf32, #tpu.memory_space<vmem>>[vector<16xi32>, vector<16xi32>], vector<16xf32>,
      %mul3A_242 = arith.mulf %gather3A_240, %gather3A_241 : vector<16xf32>
      %add3A_243 = arith.addf %add3A_237, %mul3A_242 : vector<16xf32>
      %broadcast_in_dim3A_244 = arith.constant 5 : i32
      %broadcast_in_dim3A_245 = vector.broadcast %broadcast_in_dim3A_244 : i32 to vector<16xi32>
      %gather3A_246 = tpu.vector_load_idx %arg16[%add3A_208, %broadcast_in_dim3A_245] : memref<128x128xf32, #tpu.memory_space<vmem>>[vector<16xi32>, vector<16xi32>], vector<16xf32>,
      %gather3A_247 = tpu.vector_load_idx %arg17[%add3A_208, %broadcast_in_dim3A_245] : memref<128x128xf32, #tpu.memory_space<vmem>>[vector<16xi32>, vector<16xi32>], vector<16xf32>,
      %mul3A_248 = arith.mulf %gather3A_246, %gather3A_247 : vector<16xf32>
      %add3A_249 = arith.addf %add3A_243, %mul3A_248 : vector<16xf32>
      %broadcast_in_dim3A_250 = arith.constant 6 : i32
      %broadcast_in_dim3A_251 = vector.broadcast %broadcast_in_dim3A_250 : i32 to vector<16xi32>
      %gather3A_252 = tpu.vector_load_idx %arg16[%add3A_208, %broadcast_in_dim3A_251] : memref<128x128xf32, #tpu.memory_space<vmem>>[vector<16xi32>, vector<16xi32>], vector<16xf32>,
      %gather3A_253 = tpu.vector_load_idx %arg17[%add3A_208, %broadcast_in_dim3A_251] : memref<128x128xf32, #tpu.memory_space<vmem>>[vector<16xi32>, vector<16xi32>], vector<16xf32>,
      %mul3A_254 = arith.mulf %gather3A_252, %gather3A_253 : vector<16xf32>
      %add3A_255 = arith.addf %add3A_249, %mul3A_254 : vector<16xf32>
      %broadcast_in_dim3A_256 = arith.constant 7 : i32
      %broadcast_in_dim3A_257 = vector.broadcast %broadcast_in_dim3A_256 : i32 to vector<16xi32>
      %gather3A_258 = tpu.vector_load_idx %arg16[%add3A_208, %broadcast_in_dim3A_257] : memref<128x128xf32, #tpu.memory_space<vmem>>[vector<16xi32>, vector<16xi32>], vector<16xf32>,
      %gather3A_259 = tpu.vector_load_idx %arg17[%add3A_208, %broadcast_in_dim3A_257] : memref<128x128xf32, #tpu.memory_space<vmem>>[vector<16xi32>, vector<16xi32>], vector<16xf32>,
      %mul3A_260 = arith.mulf %gather3A_258, %gather3A_259 : vector<16xf32>
      %add3A_261 = arith.addf %add3A_255, %mul3A_260 : vector<16xf32>
      %broadcast_in_dim3A_262 = arith.constant 8 : i32
      %broadcast_in_dim3A_263 = vector.broadcast %broadcast_in_dim3A_262 : i32 to vector<16xi32>
      %gather3A_264 = tpu.vector_load_idx %arg16[%add3A_208, %broadcast_in_dim3A_263] : memref<128x128xf32, #tpu.memory_space<vmem>>[vector<16xi32>, vector<16xi32>], vector<16xf32>,
      %gather3A_265 = tpu.vector_load_idx %arg17[%add3A_208, %broadcast_in_dim3A_263] : memref<128x128xf32, #tpu.memory_space<vmem>>[vector<16xi32>, vector<16xi32>], vector<16xf32>,
      %mul3A_266 = arith.mulf %gather3A_264, %gather3A_265 : vector<16xf32>
      %add3A_267 = arith.addf %add3A_261, %mul3A_266 : vector<16xf32>
      %broadcast_in_dim3A_268 = arith.constant 9 : i32
      %broadcast_in_dim3A_269 = vector.broadcast %broadcast_in_dim3A_268 : i32 to vector<16xi32>
      %gather3A_270 = tpu.vector_load_idx %arg16[%add3A_208, %broadcast_in_dim3A_269] : memref<128x128xf32, #tpu.memory_space<vmem>>[vector<16xi32>, vector<16xi32>], vector<16xf32>,
      %gather3A_271 = tpu.vector_load_idx %arg17[%add3A_208, %broadcast_in_dim3A_269] : memref<128x128xf32, #tpu.memory_space<vmem>>[vector<16xi32>, vector<16xi32>], vector<16xf32>,
      %mul3A_272 = arith.mulf %gather3A_270, %gather3A_271 : vector<16xf32>
      %add3A_273 = arith.addf %add3A_267, %mul3A_272 : vector<16xf32>
      %broadcast_in_dim3A_274 = arith.constant 10 : i32
      %broadcast_in_dim3A_275 = vector.broadcast %broadcast_in_dim3A_274 : i32 to vector<16xi32>
      %gather3A_276 = tpu.vector_load_idx %arg16[%add3A_208, %broadcast_in_dim3A_275] : memref<128x128xf32, #tpu.memory_space<vmem>>[vector<16xi32>, vector<16xi32>], vector<16xf32>,
      %gather3A_277 = tpu.vector_load_idx %arg17[%add3A_208, %broadcast_in_dim3A_275] : memref<128x128xf32, #tpu.memory_space<vmem>>[vector<16xi32>, vector<16xi32>], vector<16xf32>,
      %mul3A_278 = arith.mulf %gather3A_276, %gather3A_277 : vector<16xf32>
      %add3A_279 = arith.addf %add3A_273, %mul3A_278 : vector<16xf32>
      %broadcast_in_dim3A_280 = arith.constant 11 : i32
      %broadcast_in_dim3A_281 = vector.broadcast %broadcast_in_dim3A_280 : i32 to vector<16xi32>
      %gather3A_282 = tpu.vector_load_idx %arg16[%add3A_208, %broadcast_in_dim3A_281] : memref<128x128xf32, #tpu.memory_space<vmem>>[vector<16xi32>, vector<16xi32>], vector<16xf32>,
      %gather3A_283 = tpu.vector_load_idx %arg17[%add3A_208, %broadcast_in_dim3A_281] : memref<128x128xf32, #tpu.memory_space<vmem>>[vector<16xi32>, vector<16xi32>], vector<16xf32>,
      %mul3A_284 = arith.mulf %gather3A_282, %gather3A_283 : vector<16xf32>
      %add3A_285 = arith.addf %add3A_279, %mul3A_284 : vector<16xf32>
      %broadcast_in_dim3A_286 = arith.constant 12 : i32
      %broadcast_in_dim3A_287 = vector.broadcast %broadcast_in_dim3A_286 : i32 to vector<16xi32>
      %gather3A_288 = tpu.vector_load_idx %arg16[%add3A_208, %broadcast_in_dim3A_287] : memref<128x128xf32, #tpu.memory_space<vmem>>[vector<16xi32>, vector<16xi32>], vector<16xf32>,
      %gather3A_289 = tpu.vector_load_idx %arg17[%add3A_208, %broadcast_in_dim3A_287] : memref<128x128xf32, #tpu.memory_space<vmem>>[vector<16xi32>, vector<16xi32>], vector<16xf32>,
      %mul3A_290 = arith.mulf %gather3A_288, %gather3A_289 : vector<16xf32>
      %add3A_291 = arith.addf %add3A_285, %mul3A_290 : vector<16xf32>
      %broadcast_in_dim3A_292 = arith.constant 13 : i32
      %broadcast_in_dim3A_293 = vector.broadcast %broadcast_in_dim3A_292 : i32 to vector<16xi32>
      %gather3A_294 = tpu.vector_load_idx %arg16[%add3A_208, %broadcast_in_dim3A_293] : memref<128x128xf32, #tpu.memory_space<vmem>>[vector<16xi32>, vector<16xi32>], vector<16xf32>,
      %gather3A_295 = tpu.vector_load_idx %arg17[%add3A_208, %broadcast_in_dim3A_293] : memref<128x128xf32, #tpu.memory_space<vmem>>[vector<16xi32>, vector<16xi32>], vector<16xf32>,
      %mul3A_296 = arith.mulf %gather3A_294, %gather3A_295 : vector<16xf32>
      %add3A_297 = arith.addf %add3A_291, %mul3A_296 : vector<16xf32>
      %broadcast_in_dim3A_298 = arith.constant 14 : i32
      %broadcast_in_dim3A_299 = vector.broadcast %broadcast_in_dim3A_298 : i32 to vector<16xi32>
      %gather3A_300 = tpu.vector_load_idx %arg16[%add3A_208, %broadcast_in_dim3A_299] : memref<128x128xf32, #tpu.memory_space<vmem>>[vector<16xi32>, vector<16xi32>], vector<16xf32>,
      %gather3A_301 = tpu.vector_load_idx %arg17[%add3A_208, %broadcast_in_dim3A_299] : memref<128x128xf32, #tpu.memory_space<vmem>>[vector<16xi32>, vector<16xi32>], vector<16xf32>,
      %mul3A_302 = arith.mulf %gather3A_300, %gather3A_301 : vector<16xf32>
      %add3A_303 = arith.addf %add3A_297, %mul3A_302 : vector<16xf32>
      %broadcast_in_dim3A_304 = arith.constant 15 : i32
      %broadcast_in_dim3A_305 = vector.broadcast %broadcast_in_dim3A_304 : i32 to vector<16xi32>
      %gather3A_306 = tpu.vector_load_idx %arg16[%add3A_208, %broadcast_in_dim3A_305] : memref<128x128xf32, #tpu.memory_space<vmem>>[vector<16xi32>, vector<16xi32>], vector<16xf32>,
      %gather3A_307 = tpu.vector_load_idx %arg17[%add3A_208, %broadcast_in_dim3A_305] : memref<128x128xf32, #tpu.memory_space<vmem>>[vector<16xi32>, vector<16xi32>], vector<16xf32>,
      %mul3A_308 = arith.mulf %gather3A_306, %gather3A_307 : vector<16xf32>
      %add3A_309 = arith.addf %add3A_303, %mul3A_308 : vector<16xf32>
      %broadcast_in_dim3A_310 = arith.constant 16 : i32
      %broadcast_in_dim3A_311 = vector.broadcast %broadcast_in_dim3A_310 : i32 to vector<16xi32>
      %gather3A_312 = tpu.vector_load_idx %arg16[%add3A_208, %broadcast_in_dim3A_311] : memref<128x128xf32, #tpu.memory_space<vmem>>[vector<16xi32>, vector<16xi32>], vector<16xf32>,
      %gather3A_313 = tpu.vector_load_idx %arg17[%add3A_208, %broadcast_in_dim3A_311] : memref<128x128xf32, #tpu.memory_space<vmem>>[vector<16xi32>, vector<16xi32>], vector<16xf32>,
      %mul3A_314 = arith.mulf %gather3A_312, %gather3A_313 : vector<16xf32>
      %add3A_315 = arith.addf %add3A_309, %mul3A_314 : vector<16xf32>
      %broadcast_in_dim3A_316 = arith.constant 17 : i32
      %broadcast_in_dim3A_317 = vector.broadcast %broadcast_in_dim3A_316 : i32 to vector<16xi32>
      %gather3A_318 = tpu.vector_load_idx %arg16[%add3A_208, %broadcast_in_dim3A_317] : memref<128x128xf32, #tpu.memory_space<vmem>>[vector<16xi32>, vector<16xi32>], vector<16xf32>,
      %gather3A_319 = tpu.vector_load_idx %arg17[%add3A_208, %broadcast_in_dim3A_317] : memref<128x128xf32, #tpu.memory_space<vmem>>[vector<16xi32>, vector<16xi32>], vector<16xf32>,
      %mul3A_320 = arith.mulf %gather3A_318, %gather3A_319 : vector<16xf32>
      %add3A_321 = arith.addf %add3A_315, %mul3A_320 : vector<16xf32>
      %broadcast_in_dim3A_322 = arith.constant 18 : i32
      %broadcast_in_dim3A_323 = vector.broadcast %broadcast_in_dim3A_322 : i32 to vector<16xi32>
      %gather3A_324 = tpu.vector_load_idx %arg16[%add3A_208, %broadcast_in_dim3A_323] : memref<128x128xf32, #tpu.memory_space<vmem>>[vector<16xi32>, vector<16xi32>], vector<16xf32>,
      %gather3A_325 = tpu.vector_load_idx %arg17[%add3A_208, %broadcast_in_dim3A_323] : memref<128x128xf32, #tpu.memory_space<vmem>>[vector<16xi32>, vector<16xi32>], vector<16xf32>,
      %mul3A_326 = arith.mulf %gather3A_324, %gather3A_325 : vector<16xf32>
      %add3A_327 = arith.addf %add3A_321, %mul3A_326 : vector<16xf32>
      %broadcast_in_dim3A_328 = arith.constant 19 : i32
      %broadcast_in_dim3A_329 = vector.broadcast %broadcast_in_dim3A_328 : i32 to vector<16xi32>
      %gather3A_330 = tpu.vector_load_idx %arg16[%add3A_208, %broadcast_in_dim3A_329] : memref<128x128xf32, #tpu.memory_space<vmem>>[vector<16xi32>, vector<16xi32>], vector<16xf32>,
      %gather3A_331 = tpu.vector_load_idx %arg17[%add3A_208, %broadcast_in_dim3A_329] : memref<128x128xf32, #tpu.memory_space<vmem>>[vector<16xi32>, vector<16xi32>], vector<16xf32>,
      %mul3A_332 = arith.mulf %gather3A_330, %gather3A_331 : vector<16xf32>
      %add3A_333 = arith.addf %add3A_327, %mul3A_332 : vector<16xf32>
      %broadcast_in_dim3A_334 = arith.constant 20 : i32
      %broadcast_in_dim3A_335 = vector.broadcast %broadcast_in_dim3A_334 : i32 to vector<16xi32>
      %gather3A_336 = tpu.vector_load_idx %arg16[%add3A_208, %broadcast_in_dim3A_335] : memref<128x128xf32, #tpu.memory_space<vmem>>[vector<16xi32>, vector<16xi32>], vector<16xf32>,
      %gather3A_337 = tpu.vector_load_idx %arg17[%add3A_208, %broadcast_in_dim3A_335] : memref<128x128xf32, #tpu.memory_space<vmem>>[vector<16xi32>, vector<16xi32>], vector<16xf32>,
      %mul3A_338 = arith.mulf %gather3A_336, %gather3A_337 : vector<16xf32>
      %add3A_339 = arith.addf %add3A_333, %mul3A_338 : vector<16xf32>
      %broadcast_in_dim3A_340 = arith.constant 21 : i32
      %broadcast_in_dim3A_341 = vector.broadcast %broadcast_in_dim3A_340 : i32 to vector<16xi32>
      %gather3A_342 = tpu.vector_load_idx %arg16[%add3A_208, %broadcast_in_dim3A_341] : memref<128x128xf32, #tpu.memory_space<vmem>>[vector<16xi32>, vector<16xi32>], vector<16xf32>,
      %gather3A_343 = tpu.vector_load_idx %arg17[%add3A_208, %broadcast_in_dim3A_341] : memref<128x128xf32, #tpu.memory_space<vmem>>[vector<16xi32>, vector<16xi32>], vector<16xf32>,
      %mul3A_344 = arith.mulf %gather3A_342, %gather3A_343 : vector<16xf32>
      %add3A_345 = arith.addf %add3A_339, %mul3A_344 : vector<16xf32>
      %broadcast_in_dim3A_346 = arith.constant 22 : i32
      %broadcast_in_dim3A_347 = vector.broadcast %broadcast_in_dim3A_346 : i32 to vector<16xi32>
      %gather3A_348 = tpu.vector_load_idx %arg16[%add3A_208, %broadcast_in_dim3A_347] : memref<128x128xf32, #tpu.memory_space<vmem>>[vector<16xi32>, vector<16xi32>], vector<16xf32>,
      %gather3A_349 = tpu.vector_load_idx %arg17[%add3A_208, %broadcast_in_dim3A_347] : memref<128x128xf32, #tpu.memory_space<vmem>>[vector<16xi32>, vector<16xi32>], vector<16xf32>,
      %mul3A_350 = arith.mulf %gather3A_348, %gather3A_349 : vector<16xf32>
      %add3A_351 = arith.addf %add3A_345, %mul3A_350 : vector<16xf32>
      %broadcast_in_dim3A_352 = arith.constant 23 : i32
      %broadcast_in_dim3A_353 = vector.broadcast %broadcast_in_dim3A_352 : i32 to vector<16xi32>
      %gather3A_354 = tpu.vector_load_idx %arg16[%add3A_208, %broadcast_in_dim3A_353] : memref<128x128xf32, #tpu.memory_space<vmem>>[vector<16xi32>, vector<16xi32>], vector<16xf32>,
      %gather3A_355 = tpu.vector_load_idx %arg17[%add3A_208, %broadcast_in_dim3A_353] : memref<128x128xf32, #tpu.memory_space<vmem>>[vector<16xi32>, vector<16xi32>], vector<16xf32>,
      %mul3A_356 = arith.mulf %gather3A_354, %gather3A_355 : vector<16xf32>
      %add3A_357 = arith.addf %add3A_351, %mul3A_356 : vector<16xf32>
      %broadcast_in_dim3A_358 = arith.constant 24 : i32
      %broadcast_in_dim3A_359 = vector.broadcast %broadcast_in_dim3A_358 : i32 to vector<16xi32>
      %gather3A_360 = tpu.vector_load_idx %arg16[%add3A_208, %broadcast_in_dim3A_359] : memref<128x128xf32, #tpu.memory_space<vmem>>[vector<16xi32>, vector<16xi32>], vector<16xf32>,
      %gather3A_361 = tpu.vector_load_idx %arg17[%add3A_208, %broadcast_in_dim3A_359] : memref<128x128xf32, #tpu.memory_space<vmem>>[vector<16xi32>, vector<16xi32>], vector<16xf32>,
      %mul3A_362 = arith.mulf %gather3A_360, %gather3A_361 : vector<16xf32>
      %add3A_363 = arith.addf %add3A_357, %mul3A_362 : vector<16xf32>
      %broadcast_in_dim3A_364 = arith.constant 25 : i32
      %broadcast_in_dim3A_365 = vector.broadcast %broadcast_in_dim3A_364 : i32 to vector<16xi32>
      %gather3A_366 = tpu.vector_load_idx %arg16[%add3A_208, %broadcast_in_dim3A_365] : memref<128x128xf32, #tpu.memory_space<vmem>>[vector<16xi32>, vector<16xi32>], vector<16xf32>,
      %gather3A_367 = tpu.vector_load_idx %arg17[%add3A_208, %broadcast_in_dim3A_365] : memref<128x128xf32, #tpu.memory_space<vmem>>[vector<16xi32>, vector<16xi32>], vector<16xf32>,
      %mul3A_368 = arith.mulf %gather3A_366, %gather3A_367 : vector<16xf32>
      %add3A_369 = arith.addf %add3A_363, %mul3A_368 : vector<16xf32>
      %broadcast_in_dim3A_370 = arith.constant 26 : i32
      %broadcast_in_dim3A_371 = vector.broadcast %broadcast_in_dim3A_370 : i32 to vector<16xi32>
      %gather3A_372 = tpu.vector_load_idx %arg16[%add3A_208, %broadcast_in_dim3A_371] : memref<128x128xf32, #tpu.memory_space<vmem>>[vector<16xi32>, vector<16xi32>], vector<16xf32>,
      %gather3A_373 = tpu.vector_load_idx %arg17[%add3A_208, %broadcast_in_dim3A_371] : memref<128x128xf32, #tpu.memory_space<vmem>>[vector<16xi32>, vector<16xi32>], vector<16xf32>,
      %mul3A_374 = arith.mulf %gather3A_372, %gather3A_373 : vector<16xf32>
      %add3A_375 = arith.addf %add3A_369, %mul3A_374 : vector<16xf32>
      %broadcast_in_dim3A_376 = arith.constant 27 : i32
      %broadcast_in_dim3A_377 = vector.broadcast %broadcast_in_dim3A_376 : i32 to vector<16xi32>
      %gather3A_378 = tpu.vector_load_idx %arg16[%add3A_208, %broadcast_in_dim3A_377] : memref<128x128xf32, #tpu.memory_space<vmem>>[vector<16xi32>, vector<16xi32>], vector<16xf32>,
      %gather3A_379 = tpu.vector_load_idx %arg17[%add3A_208, %broadcast_in_dim3A_377] : memref<128x128xf32, #tpu.memory_space<vmem>>[vector<16xi32>, vector<16xi32>], vector<16xf32>,
      %mul3A_380 = arith.mulf %gather3A_378, %gather3A_379 : vector<16xf32>
      %add3A_381 = arith.addf %add3A_375, %mul3A_380 : vector<16xf32>
      %broadcast_in_dim3A_382 = arith.constant 28 : i32
      %broadcast_in_dim3A_383 = vector.broadcast %broadcast_in_dim3A_382 : i32 to vector<16xi32>
      %gather3A_384 = tpu.vector_load_idx %arg16[%add3A_208, %broadcast_in_dim3A_383] : memref<128x128xf32, #tpu.memory_space<vmem>>[vector<16xi32>, vector<16xi32>], vector<16xf32>,
      %gather3A_385 = tpu.vector_load_idx %arg17[%add3A_208, %broadcast_in_dim3A_383] : memref<128x128xf32, #tpu.memory_space<vmem>>[vector<16xi32>, vector<16xi32>], vector<16xf32>,
      %mul3A_386 = arith.mulf %gather3A_384, %gather3A_385 : vector<16xf32>
      %add3A_387 = arith.addf %add3A_381, %mul3A_386 : vector<16xf32>
      %broadcast_in_dim3A_388 = arith.constant 29 : i32
      %broadcast_in_dim3A_389 = vector.broadcast %broadcast_in_dim3A_388 : i32 to vector<16xi32>
      %gather3A_390 = tpu.vector_load_idx %arg16[%add3A_208, %broadcast_in_dim3A_389] : memref<128x128xf32, #tpu.memory_space<vmem>>[vector<16xi32>, vector<16xi32>], vector<16xf32>,
      %gather3A_391 = tpu.vector_load_idx %arg17[%add3A_208, %broadcast_in_dim3A_389] : memref<128x128xf32, #tpu.memory_space<vmem>>[vector<16xi32>, vector<16xi32>], vector<16xf32>,
      %mul3A_392 = arith.mulf %gather3A_390, %gather3A_391 : vector<16xf32>
      %add3A_393 = arith.addf %add3A_387, %mul3A_392 : vector<16xf32>
      %broadcast_in_dim3A_394 = arith.constant 30 : i32
      %broadcast_in_dim3A_395 = vector.broadcast %broadcast_in_dim3A_394 : i32 to vector<16xi32>
      %gather3A_396 = tpu.vector_load_idx %arg16[%add3A_208, %broadcast_in_dim3A_395] : memref<128x128xf32, #tpu.memory_space<vmem>>[vector<16xi32>, vector<16xi32>], vector<16xf32>,
      %gather3A_397 = tpu.vector_load_idx %arg17[%add3A_208, %broadcast_in_dim3A_395] : memref<128x128xf32, #tpu.memory_space<vmem>>[vector<16xi32>, vector<16xi32>], vector<16xf32>,
      %mul3A_398 = arith.mulf %gather3A_396, %gather3A_397 : vector<16xf32>
      %add3A_399 = arith.addf %add3A_393, %mul3A_398 : vector<16xf32>
      %broadcast_in_dim3A_400 = arith.constant 31 : i32
      %broadcast_in_dim3A_401 = vector.broadcast %broadcast_in_dim3A_400 : i32 to vector<16xi32>
      %gather3A_402 = tpu.vector_load_idx %arg16[%add3A_208, %broadcast_in_dim3A_401] : memref<128x128xf32, #tpu.memory_space<vmem>>[vector<16xi32>, vector<16xi32>], vector<16xf32>,
      %gather3A_403 = tpu.vector_load_idx %arg17[%add3A_208, %broadcast_in_dim3A_401] : memref<128x128xf32, #tpu.memory_space<vmem>>[vector<16xi32>, vector<16xi32>], vector<16xf32>,
      %mul3A_404 = arith.mulf %gather3A_402, %gather3A_403 : vector<16xf32>
      %add3A_405 = arith.addf %add3A_399, %mul3A_404 : vector<16xf32>
      %and3A = arith.andi %get3A_210, %broadcast_in_dim3A_12 : vector<16xi32>
      %gather3A_406 = tpu.vector_load_idx %arg18[%add3A_208, %and3A] : memref<128x128xf32, #tpu.memory_space<vmem>>[vector<16xi32>, vector<16xi32>], vector<16xf32>,
      %and3A_407 = arith.andi %get3A_212, %broadcast_in_dim3A_12 : vector<16xi32>
      %gather3A_408 = tpu.vector_load_idx %arg19[%add3A_208, %and3A_407] : memref<128x128xf32, #tpu.memory_space<vmem>>[vector<16xi32>, vector<16xi32>], vector<16xf32>,
      %add3A_409 = arith.addf %add3A_405, %gather3A_406 : vector<16xf32>
      %add3A_410 = arith.addf %add3A_409, %gather3A_408 : vector<16xf32>
      %add3A_411 = arith.addf %add3A_410, %get3A_9 : vector<16xf32>
      %swap3A = arith.index_cast %add3A_204 : i32 to index
      %swap3A_412 = tpu.vector_load %arg21[%swap3A] {strides = array<i32>} : memref<512xf32, #tpu.memory_space<vmem>>, vector<16xf32>,
      tpu.vector_store %arg21[%swap3A], %add3A_411 {strides = array<i32>} : memref<512xf32, #tpu.memory_space<vmem>>, vector<16xf32>,
      %scan3A_413 = arith.constant 0 : i32
      scf.yield %scan3A_413 : i32
    }
    %scan3A_198 = arith.constant 8 : i32
    "tpu.region"() ({
      %run_scoped3A = tpu.sem_alloc : memref<!tpu.dma_semaphore, #tpu.memory_space<semaphore_mem>>
      %dma_start3A_199 = tpu.memref_slice %arg9[%mul3A_2] : memref<16384xf32, #tpu.memory_space<hbm>> -> memref<512xf32, #tpu.memory_space<hbm>>
      %dma_start3A_200 = tpu.memref_slice %arg9[%mul3A_2] : memref<16384xf32, #tpu.memory_space<hbm>> -> memref<512xf32, #tpu.memory_space<hbm>>
      tpu.enqueue_dma source(%arg21 : memref<512xf32, #tpu.memory_space<vmem>>) target(%dma_start3A_200 : memref<512xf32, #tpu.memory_space<hbm>>) target_semaphore(%run_scoped3A : memref<!tpu.dma_semaphore, #tpu.memory_space<semaphore_mem>>)
      %dma_wait3A_201 = tpu.memref_slice %arg9[%mul3A_2] : memref<16384xf32, #tpu.memory_space<hbm>> -> memref<512xf32, #tpu.memory_space<hbm>>
      %dma_wait3A_202 = tpu.memref_slice %arg9[%mul3A_2] : memref<16384xf32, #tpu.memory_space<hbm>> -> memref<512xf32, #tpu.memory_space<hbm>>
      tpu.wait_dma2 semaphore(%run_scoped3A : memref<!tpu.dma_semaphore, #tpu.memory_space<semaphore_mem>>) src(%arg21 : memref<512xf32, #tpu.memory_space<vmem>>) dst(%dma_wait3A_202 : memref<512xf32, #tpu.memory_space<hbm>>)
      tpu.yield
    }) : () -> ()
    return
  }
}

</mosaic_0001>

<sc_bundles>
// kernel: kernel.3.cloned.1.call-start
scs
__scs_entry_jumppad:
0x0: {  	(pc) =	sbr.rel $0x88, $3  }
0x1: {  	(tag) =	ssettag $0x0;
	lr =	simm.s32 $0x1  }
0x2: {  	[smem:$0x3F9A] =	sst lr;
	_ =	strace $0xD0000000  }
0x3: {  	_ = 	snop  }
0x4: {  	_ = 	snop  }
0x5: {  	_ = 	snop  }
0x6: {  	_ = 	snop  }
0x7: {  	_ = 	snop  }
__scs_overlays_trampoline_lowered:
0x8: {  	[smem:$0x3FA9] =	sst s0  }
0x9: {  	[smem:$0x3FAA] =	sst s1  }
0xa: {  	[smem:$0x3FAB] =	sst s2  }
0xb: {  	[smem:$0x3FAC] =	sst s3  }
0xc: {  	[smem:$0x3FAD] =	sst s4  }
0xd: {  	[smem:$0x3FAE] =	sst s5  }
0xe: {  	[smem:$0x3FAF] =	sst s6  }
0xf: {  	[smem:$0x3FB0] =	sst s7  }
0x10: {  	[smem:$0x3FB1] =	sst s8  }
0x11: {  	[smem:$0x3FB2] =	sst s9;
	s0 =	simm.s32 @!p0 $0x0  }
0x12: {  	s1 =	sld [smem:$0x3F98];
	s0 =	simm.s32 @p0 $0x1  }
0x13: {  	[smem:$0x3FB3] =	sst s0;
	s0 =	simm.s32 @!p1 $0x0  }
0x14: {  	s2 =	sld [smem:$0x3F97];
	s0 =	simm.s32 @p1 $0x1  }
0x15: {  	[smem:$0x3FB4] =	sst s0;
	s0 =	simm.s32 @!p2 $0x0  }
0x16: {  	s3 =	sld [smem:$0x3FDB];
	s0 =	simm.s32 @p2 $0x1  }
0x17: {  	s4 =	simm.s32 $0x1BF5;
	[smem:$0x3FB6] =	sst s0  }
0x18: {  	s0 =	sld [smem:$0x3F99];
	_ =	swait.ge [sflag:s4], $0x0  }
0x19: {  	s7 =	sld [smem:$0x3F9A]  }
0x1a: {  	s8 =	sadd.s32 $0xFFFFE003, lr  }
0x1b: {  	s9 =	sadd.s32 $0xFFFFFEF7, lr;
	s5 =	simm.s32 $0xFFFFFFFF;
	p2 =	slt.u32 s8, $0xFFFFF086  }
0x1c: {  	p1 =	slt.u32 s9, $0xF7A;
	s5 =	simm.s32 @!p2 $0x0  }
0x1d: {  	s5 =	simm.s32 @p1 $0x1;
	p0 =	seq.s32 s7, s2  }
0x1e: {  	s7 =	smul.u32 @!p0 $0xF7A, s2;
	p2 =	seq.s32 @!p0 s5, $0x0  }
0x1f: {  	s9 =	smul.u32 $0xF7A, s1;
	s8 =	simm.s32 @!p0 $0x1BF5;
	p2 =	por !p2, p0  }
0x20: {  	[sflag:s8] =	ssyncset.s32 @!p0 $0xFFFFF086;
	s6 =	sadd.s32 @!p0 s3, s7;
	s7 =	simm.s32 @!p0 $0x108  }
0x21: {  	s3 =	sadd.s32 s3, s9;
	s6 =	sadd.s32 @!p0 $0x88, s6;
	s7 =	simm.s32 @p2 $0x1082  }
0x22: {  	[simem:s7], [sflag:s8] =	dma.local @!p0 [hbm:s6], $0xF7A  }
0x23: {  	s9 =	sor.u32 $0xD0000000, s2;
	s6 =	simm.s32 $0x108;
	_ =	swait.ge @!p0 [sflag:s8], $0x0  }
0x24: {  	s3 =	sadd.s32 $0x88, s3;
	s6 =	simm.s32 @!p1 $0x1082;
	[sflag:s4] =	ssyncset.s32 $0xFFFFF086  }
0x25: {  	[simem:s6], [sflag:s4] =	dma.local [hbm:s3], $0xF7A  }
0x26: {  	[smem:$0x3F9A] =	sst s1;
	(tag) =	ssettag s2;
	_ =	strace s9  }
0x27: {  	s1 =	sld [smem:$0x3FAA]  }
0x28: {  	s2 =	sld [smem:$0x3FAB]  }
0x29: {  	s4 =	sld [smem:$0x3FAD]  }
0x2a: {  	p0 =	seq.s32 s5, $0x0;
	s5 =	sld [smem:$0x3FAE]  }
0x2b: {  	s6 =	sld [smem:$0x3FAF]  }
0x2c: {  	s7 =	sld [smem:$0x3FB0]  }
0x2d: {  	s3 =	simm.s32 $0x108;
	s8 =	sld [smem:$0x3FB1]  }
0x2e: {  	s3 =	simm.s32 @!p0 $0x1082;
	s9 =	sld [smem:$0x3FB2]  }
0x2f: {  	lr =	sadd.s32 s0, s3;
	s0 =	sld [smem:$0x3FA9]  }
0x30: {  	s3 =	sld [smem:$0x3FAC]  }
0x31: {  	[smem:$0x3FB5] =	sst s10  }
0x32: {  	s10 =	sld [smem:$0x3FB3];
	_ =	sdelay $0x3  }
0x33: {  	p0 =	seq.s32 s10, $0x1;
	s10 =	sld [smem:$0x3FB5];
	_ =	sdelay $0x3  }
0x34: {  	[smem:$0x3FB5] =	sst s10  }
0x35: {  	s10 =	sld [smem:$0x3FB4];
	_ =	sdelay $0x3  }
0x36: {  	p1 =	seq.s32 s10, $0x1;
	s10 =	sld [smem:$0x3FB5];
	_ =	sdelay $0x3  }
0x37: {  	[smem:$0x3FB5] =	sst s10  }
0x38: {  	s10 =	sld [smem:$0x3FB6]  }
0x39: {  	_ = 	snop;
	(pc) =	sbr.ind lr, $3  }
0x3a: {  	_ = 	snop  }
0x3b: {  	_ = 	snop  }
0x3c: {  	p2 =	seq.s32 s10, $0x1;
	s10 =	sld [smem:$0x3FB5]  }
0x3d: {  	_ =	shalt  }
0x3e: {  	_ =	shalt  }
0x3f: {  	_ =	shalt  }
0x40: {  	_ =	shalt  }
0x41: {  	_ =	shalt  }
0x42: {  	_ =	shalt  }
0x43: {  	_ =	shalt  }
0x44: {  	_ =	shalt  }
0x45: {  	_ =	shalt  }
0x46: {  	_ =	shalt  }
0x47: {  	_ =	shalt  }
0x48: {  	_ =	shalt  }
0x49: {  	_ =	shalt  }
0x4a: {  	_ =	shalt  }
0x4b: {  	_ =	shalt  }
0x4c: {  	_ =	shalt  }
0x4d: {  	_ =	shalt  }
0x4e: {  	_ =	shalt  }
0x4f: {  	_ =	shalt  }
0x50: {  	_ =	shalt  }
0x51: {  	_ =	shalt  }
0x52: {  	_ =	shalt  }
0x53: {  	_ =	shalt  }
0x54: {  	_ =	shalt  }
0x55: {  	_ =	shalt  }
0x56: {  	_ =	shalt  }
0x57: {  	_ =	shalt  }
0x58: {  	_ =	shalt  }
0x59: {  	_ =	shalt  }
0x5a: {  	_ =	shalt  }
0x5b: {  	_ =	shalt  }
0x5c: {  	_ =	shalt  }
0x5d: {  	_ =	shalt  }
0x5e: {  	_ =	shalt  }
0x5f: {  	_ =	shalt  }
0x60: {  	_ =	shalt  }
0x61: {  	_ =	shalt  }
0x62: {  	_ =	shalt  }
0x63: {  	_ =	shalt  }
0x64: {  	_ =	shalt  }
0x65: {  	_ =	shalt  }
0x66: {  	_ =	shalt  }
0x67: {  	_ =	shalt  }
0x68: {  	_ =	shalt  }
0x69: {  	_ =	shalt  }
0x6a: {  	_ =	shalt  }
0x6b: {  	_ =	shalt  }
0x6c: {  	_ =	shalt  }
0x6d: {  	_ =	shalt  }
0x6e: {  	_ =	shalt  }
0x6f: {  	_ =	shalt  }
0x70: {  	_ =	shalt  }
0x71: {  	_ =	shalt  }
0x72: {  	_ =	shalt  }
0x73: {  	_ =	shalt  }
0x74: {  	_ =	shalt  }
0x75: {  	_ =	shalt  }
0x76: {  	_ =	shalt  }
0x77: {  	_ =	shalt  }
0x78: {  	_ =	shalt  }
0x79: {  	_ =	shalt  }
0x7a: {  	_ =	shalt  }
0x7b: {  	_ =	shalt  }
0x7c: {  	_ =	shalt  }
0x7d: {  	_ =	shalt  }
0x7e: {  	_ =	shalt  }
0x7f: {  	_ =	shalt  }
0x80: {  	_ =	shalt  }
0x81: {  	_ =	shalt  }
0x82: {  	_ =	shalt  }
0x83: {  	_ =	shalt  }
0x84: {  	_ =	shalt  }
0x85: {  	_ =	shalt  }
0x86: {  	_ =	shalt  }
0x87: {  	_ =	shalt  }
.Lfunc_end0:
.L_simem_size_0:
called_computation_lowered:
.L_overlay_start_0:
0x88: {  	s2 =	sld [smem:$0x3FD9]  }
0x89: {  	s3 =	sld [smem:$0x3FFE];
	_ =	sdelay $0x1  }
0x8a: {  	s1 =	srdreg.scid  }
0x8b: {  	s0 =	sand.u32 $0x1, s1  }
0x8c: {  	s17 =	sshll.u32 s0, $0xA;
	s2 =	sadd.s32 s3, s2  }
0x8d: {  	s2 =	sadd.s32 s2, s17  }
0x8e: {  	[smem:$0x3FC1] =	sst s2  }
0x8f: {  	_ = 	snop  }
0x90: {  	s2 =	sld [smem:$0x3FC9]  }
0x91: {  	s18 =	sld [smem:$0x3FC8]  }
0x92: {  	s4 =	sld [smem:$0x3FD0];
	(tm) =	ssettm $0x1  }
0x93: {  	s5 =	sld [smem:$0x3FFB];
	_ =	sdelay $0x3  }
0x94: {  	_ =	strace s5  }
0x95: {  	s5 =	sld [smem:$0x3FFC];
	_ =	sdelay $0x3  }
0x96: {  	_ =	strace s5  }
0x97: {  	s5 =	sld [smem:$0x3FFD];
	_ =	sdelay $0x3  }
0x98: {  	_ =	strace s5  }
0x99: {  	_ =	strace $0x8FFFFFFF  }
0x9a: {  	s19 =	sld [smem:$0x3FDB];
	_ =	sdelay $0x1  }
0x9b: {  	s6 =	simm.s32 $_scs_section_size  }
0x9c: {  	s7 =	simm.s32 $_size__tile_overlayer_lowered;
	s8 =	simm.s32 $_tile_overlayer_lowered  }
0x9d: {  	s22 =	simm.s32 $0x1BFF;
	s21 =	sshll.u32 s8, $0x1;
	s5 =	sadd.s32 s6, s19  }
0x9e: {  	s9 =	simm.s32 $0x0;
	s20 =	sshll.u32 s7, $0x1;
	s7 =	sadd.s32 s21, s5  }
0x9f: {  	[timem:s9], [sflag:s22] =	dma.local [hbm:s7], s20  }
0xa0: {  	_ =	swait.ge [sflag:s22], s20  }
0xa1: {  	s6 =	ssub.s32 $0x0, s20;
	[sflag:s22] =	ssyncset.done $0x0  }
0xa2: {  	[sflag:s22] =	ssyncadd.s32 s6;
	_ =	sdelay $0x1  }
0xa3: {  	s23 =	simm.s32 $0x1B8B  }
0xa4: {  	_ =	swait.ge [sflag:s23], $0x1  }
0xa5: {  	[sflag:s23] =	ssyncset.done $0x0  }
0xa6: {  	s25 =	simm.s32 $0x1B8E;
	s24 =	sld [smem:$0x3FFE];
	[sflag:s23] =	ssyncadd.s32 $0xFFFFFFFF  }
0xa7: {  	s26 =	simm.s32 $execute0_lowered;
	[smem:$0x3FD2] =	sst s25  }
0xa8: {  	s7 =	sshll.u32 s26, $0x1;
	_ =	strace $0x80000046;
	[dreg:$0x1] =	wrdreg $0xFFFFFFFF  }
0xa9: {  	s28 =	simm.s32 $_size_execute0_lowered;
	s5 =	sadd.s32 s5, s7;
	[dreg:$0x0] =	wrdreg $0x0  }
0xaa: {  	s7 =	sshll.u32 s28, $0x1;
	[dreg:$0x2] =	wrdreg s5  }
0xab: {  	[dreg:$0x3] =	wrdreg s7  }
0xac: {  	[dreg:$0x4] =	wrdreg $0xC0  }
0xad: {  	_ =	task [dreg:s9], $0x5FFFF  }
0xae: {  	[dreg:$0x1] =	wrdreg $0xFFFFFFFF  }
0xaf: {  	[dreg:$0x0] =	wrdreg $0x60  }
0xb0: {  	[dreg:$0x2] =	wrdreg s2  }
0xb1: {  	[dreg:$0x3] =	wrdreg s18  }
0xb2: {  	[dreg:$0x4] =	wrdreg s24  }
0xb3: {  	[dreg:$0x5] =	wrdreg s4  }
0xb4: {  	[dreg:$0x6] =	wrdreg $0x9  }
0xb5: {  	_ =	task.clear_ibuf [dreg:s9], $0x7FFFF;
	_ =	strace $0x90000046  }
0xb6: {  	s29 =	simm.s32 $0x9;
	_ =	strace $0x80000048  }
0xb7: {  	_ =	swait.ge [sflag:s29], $0x1  }
0xb8: {  	[sflag:s29] =	ssyncadd.s32 $0xFFFFFFFF  }
0xb9: {  	_ =	strace $0x90000048  }
0xba: {  	_ =	sfence  }
0xbb: {  	s30 =	sld [smem:$0x0];
	_ =	sdelay $0x2  }
0xbc: {  	s31 =	sshll.u32 s1, $0xD;
	s1 =	sshrl.u32 s1, $0x2  }
0xbd: {  	s3 =	sand.u32 $0x4000, s31;
	s1 =	sadd.s32 s1, s30  }
0xbe: {  	s0 =	sor.u32 s3, s0;
	s1 =	sshll.u32 s1, $0x11  }
0xbf: {  	s0 =	sor.u32 s1, s0  }
0xc0: {  	s0 =	sadd.s32 $0x8F2B, s0  }
0xc1: {  	[sflag:s0] =	ssyncadd.remote.s32 $0x1  }
0xc2: {  	_ =	sfence.sel $0xFFFF  }
0xc3: {  	[dreg:$0x0] =	wrdreg $0xFFFFFFFF;
	(pc) =	sbr.abs _section_cstart, $3  }
0xc4: {  	[dreg:$0x1] =	wrdreg $0xFFFFFFFF  }
0xc5: {  	_ =	task.clear_ibuf [dreg:s9], $0x2FFFF;
	_ =	strace $0x9FFFFFFF  }
0xc6: {  	(tm) =	ssettm $0x7FFFFFFF  }
0xc7: {  	_ =	shalt  }
tec
execute0_lowered:
.L_overlay_start_1:
0x0: {  	(tag) =	ssettag $0x1  }
0x1: {  	s0 =	rddreg [dreg:$0x0]  }
0x2: {  	s3 =	rddreg [dreg:$0x1]  }
0x3: {  	s1 =	rddreg [dreg:$0x2]  }
0x4: {  	s10 =	rddreg [dreg:$0x3];
	s2 =	simm.s32 $0x0  }
0x5: {  	s6 =	srdreg.scid;
	s7 =	stileid.u32;
	s15 =	simm.s32 $0x80  }
0x6: {  	s17 =	simm.s32 $0xC00;
	s19 =	simm.s32 $0x4C00;
	s21 =	simm.s32 $0x8C00  }
0x7: {  	s23 =	simm.s32 $0xCC00;
	s24 =	simm.s32 $0x1;
	s30 =	simm.s32 $0x500  }
0x8: {  	s31 =	simm.s32 $0x700;
	s13 =	simm.s32 $0x580;
	s14 =	simm.s32 $0x780  }
0x9: {  	s16 =	simm.s32 $0x980;
	s18 =	simm.s32 $0xB80;
	s20 =	simm.s32 $0x10C10  }
0xa: {  	s22 =	simm.s32 $0x0;
	[smem:$0x7FF] =	sst s2;
	s4 =	sadd.s32 $0xF42400, s1  }
0xb: {  	s5 =	sadd.s32 $0x1A5400, s1;
	s6 =	sand.u32 $0x1, s6;
	s7 =	sshll.u32 s7, $0x7  }
0xc: {  	_ =	strace $0x80000047;
	s8 =	ssub.s32 $0x2, s6;
	s9 =	sshll.u32 s6, $0x6  }
0xd: {  	s6 =	sadd.s32 $0x1EA00, s1;
	s11 =	sshrl.u32 s8, $0x1;
	s12 =	sor.u32 s9, s7  }
0xe: {  	v0 =	vlaneseq.u32;
	s7 =	sadd.s32 $0x21C00, s1;
	s11 =	ssub.s32 s8, s11;
	s8 =	sadd.s32 s0, s12  }
0xf: {  	v0 =	vmul.u32 $0x80, v0;
	s9 =	sadd.s32 s3, s12;
	s10 =	sadd.s32 s10, s12;
	s12 =	simm.s32 $0x2  }
0x10: {  	s0 =	simm.s32 $0x900;
	s3 =	simm.s32 $0xB00;
	s11 =	smax.u32 s11, $0x1  }
.LBB2_1:
0x11: {  	[tilespmem:s2], [sflag:$0x2] =	stream.linear.gather [hbm4b:s8+s2], $0x200, $0x38;
	[tilespmem:$0x10E10] =	vst v63  }
0x12: {  	_ =	swait.ge [sflag:s12], $0x200  }
0x13: {  	[sflag:s12] =	ssyncset.done $0x0  }
0x14: {  	s25 =	simm.s32 $0x200;
	[sflag:s12] =	ssyncadd.s32 $0xFFFFFE00  }
0x15: {  	[tilespmem:s25], [sflag:$0x2] =	stream.linear.gather [hbm4b:s9+s2], $0x200, $0x38;
	[tilespmem:$0x10E10] =	vst v63  }
0x16: {  	_ =	swait.ge [sflag:s12], $0x200  }
0x17: {  	[sflag:s12] =	ssyncset.done $0x0  }
0x18: {  	s29 =	simm.s32 $0x10C00;
	[sflag:s12] =	ssyncadd.s32 $0xFFFFFE00  }
0x19: {  	[tilespmem:s29], [sflag:$0x2] =	stream.linear.gather [hbm4b:s7+s2], $0x10, $0x38;
	[tilespmem:$0x10E10] =	vst v63  }
0x1a: {  	_ =	swait.ge [sflag:s12], $0x10  }
0x1b: {  	[sflag:s12] =	ssyncset.done $0x0  }
0x1c: {  	s25 =	simm.s32 $0x0;
	[sflag:s12] =	ssyncadd.s32 $0xFFFFFFF0  }
0x1d: {  	v2 =	vld [tilespmem:s25+$0x200]  }
0x1e: {  	v1 =	vld [tilespmem:s25+$0x0]  }
0x1f: {  	s26 =	simm.s32 $0x40  }
.LBB2_2:
0x20: {  	p0 =	sne.s32 s26, $0x7C0  }
.Ltmp0:
0x21: {  	_ = 	snop;
	(pc) =	sbr.rel @p0 .LBB2_2-.Ltmp0, $4  }
0x22: {  	s28 =	sshra.s32 s26, $0x2;
	[tilespmem:s25+$0x600] =	vst v2;
	v5 =	vshrl.u32 v2, $0x7  }
0x23: {  	v2 =	vld [tilespmem:s28+$0x200];
	v4 =	vshrl.u32 v1, $0x7;
	[tilespmem:s25+$0xA00] =	vst v5  }
0x24: {  	v3 =	vmov v1;
	v1 =	vld [tilespmem:s28+$0x0];
	[tilespmem:s25+$0x800] =	vst v4  }
0x25: {  	s26 =	sadd.s32 $0x40, s26;
	[tilespmem:s25+$0x400] =	vst v3;
	s25 =	smov.u32 s28  }
0x26: {  	_ =	sdelay $0x1  }
0x27: {  	[tilespmem:s25+$0x600] =	vst v2;
	v2 =	vshrl.u32 v2, $0x7  }
0x28: {  	[tilespmem:s25+$0xA00] =	vst v2  }
0x29: {  	v3 =	vshrl.u32 v1, $0x7;
	[tilespmem:s25+$0x400] =	vst v1  }
0x2a: {  	s26 =	simm.s32 $0x400;
	[tilespmem:s25+$0x800] =	vst v3  }
0x2b: {  	v1 =	vld [tilespmem:$0x10C00];
	[tilespmem:s17], [sflag:$0x1] =	stream.indirect.gather [hbm4b:s4+s15], $0x80, s26, s15, $0xb8  }
0x2c: {  	s26 =	simm.s32 $0x600  }
0x2d: {  	[tilespmem:s19], [sflag:$0x1] =	stream.indirect.gather [hbm4b:s5+s15], $0x80, s26, s15, $0xb8;
	[tilespmem:$0x10E10] =	vst v63  }
0x2e: {  	s26 =	simm.s32 $0x800  }
0x2f: {  	[tilespmem:s21], [sflag:$0x1] =	stream.indirect.gather [hbm4b:s1+s15], $0x80, s26, s15, $0xb8;
	[tilespmem:$0x10E10] =	vst v63  }
0x30: {  	s26 =	simm.s32 $0xA00  }
0x31: {  	[tilespmem:s23], [sflag:$0x1] =	stream.indirect.gather [hbm4b:s6+s15], $0x80, s26, s15, $0xb8;
	[tilespmem:$0x10E10] =	vst v63  }
0x32: {  	_ =	swait.ge [sflag:s24], $0x4000  }
0x33: {  	[sflag:s24] =	ssyncset.done $0x0  }
0x34: {  	[sflag:s24] =	ssyncadd.s32 $0xFFFFC000  }
0x35: {  	_ =	swait.ge [sflag:s24], $0x4000  }
0x36: {  	[sflag:s24] =	ssyncset.done $0x0  }
0x37: {  	[sflag:s24] =	ssyncadd.s32 $0xFFFFC000  }
0x38: {  	s25 =	simm.s32 $0x0;
	_ =	swait.ge [sflag:s24], $0x4000  }
0x39: {  	v2 =	vmov s25;
	[sflag:s24] =	ssyncset.done $0x0  }
0x3a: {  	v2 =	vshll.u32 v2, $0x7;
	[sflag:s24] =	ssyncadd.s32 $0xFFFFC000  }
0x3b: {  	v2 =	vor.u32 v0, v2;
	_ =	swait.ge [sflag:s24], $0x4000  }
0x3c: {  	[sflag:s24] =	ssyncset.done $0x0  }
0x3d: {  	v5 =	vor.u32 $0x1, v2;
	s26 =	simm.s32 $0x200;
	[sflag:s24] =	ssyncadd.s32 $0xFFFFC000  }
0x3e: {  	v3 =	vld [tilespmem:s26+$0x0]  }
0x3f: {  	v6 =	vor.u32 $0x2, v2;
	v4 =	vld [tilespmem:s25+$0x0]  }
0x40: {  	v7 =	vld.idx.msk [tilespmem:v2+s17+$0x0], $0xffff  }
0x41: {  	v9 =	vor.u32 $0x3, v2;
	v8 =	vld.idx.msk [tilespmem:v2+s19+$0x0], $0xffff  }
0x42: {  	v10 =	vld.idx.msk [tilespmem:v5+s17+$0x0], $0xffff  }
0x43: {  	v11 =	vor.u32 $0x4, v2;
	v5 =	vld.idx.msk [tilespmem:v5+s19+$0x0], $0xffff  }
0x44: {  	v12 =	vld.idx.msk [tilespmem:v6+s17+$0x0], $0xffff  }
0x45: {  	v13 =	vor.u32 $0x5, v2;
	v6 =	vld.idx.msk [tilespmem:v6+s19+$0x0], $0xffff  }
0x46: {  	v14 =	vld.idx.msk [tilespmem:v9+s17+$0x0], $0xffff;
	v7 =	vmul.f32 v8, v7  }
0x47: {  	v61 =	vor.u32 $0x6, v2;
	v60 =	vld.idx.msk [tilespmem:v9+s19+$0x0], $0xffff  }
0x48: {  	v15 =	vld.idx.msk [tilespmem:v11+s17+$0x0], $0xffff;
	v5 =	vmul.f32 v5, v10;
	v7 =	vadd.f32 $0.0e+00, v7  }
0x49: {  	v63 =	vor.u32 $0x7, v2;
	v62 =	vld.idx.msk [tilespmem:v11+s19+$0x0], $0xffff  }
0x4a: {  	v16 =	vld.idx.msk [tilespmem:v13+s17+$0x0], $0xffff;
	v6 =	vmul.f32 v6, v12;
	v5 =	vadd.f32 v5, v7  }
0x4b: {  	v20 =	vor.u32 $0x8, v2;
	v19 =	vld.idx.msk [tilespmem:v13+s19+$0x0], $0xffff  }
0x4c: {  	v21 =	vld.idx.msk [tilespmem:v61+s17+$0x0], $0xffff;
	v22 =	vmul.f32 v60, v14;
	v5 =	vadd.f32 v6, v5  }
0x4d: {  	v24 =	vor.u32 $0x9, v2;
	v23 =	vld.idx.msk [tilespmem:v61+s19+$0x0], $0xffff  }
0x4e: {  	v25 =	vld.idx.msk [tilespmem:v63+s17+$0x0], $0xffff;
	v26 =	vmul.f32 v62, v15;
	v5 =	vadd.f32 v22, v5  }
0x4f: {  	v28 =	vor.u32 $0xA, v2;
	v27 =	vld.idx.msk [tilespmem:v63+s19+$0x0], $0xffff  }
0x50: {  	v29 =	vld.idx.msk [tilespmem:v20+s17+$0x0], $0xffff;
	v30 =	vmul.f32 v19, v16;
	v5 =	vadd.f32 v26, v5  }
0x51: {  	v32 =	vor.u32 $0xB, v2;
	v31 =	vld.idx.msk [tilespmem:v20+s19+$0x0], $0xffff  }
0x52: {  	v33 =	vld.idx.msk [tilespmem:v24+s17+$0x0], $0xffff;
	v34 =	vmul.f32 v23, v21;
	v5 =	vadd.f32 v30, v5  }
0x53: {  	v36 =	vor.u32 $0xC, v2;
	v35 =	vld.idx.msk [tilespmem:v24+s19+$0x0], $0xffff  }
0x54: {  	v37 =	vld.idx.msk [tilespmem:v28+s17+$0x0], $0xffff;
	v38 =	vmul.f32 v27, v25;
	v5 =	vadd.f32 v34, v5  }
0x55: {  	v40 =	vor.u32 $0xD, v2;
	v39 =	vld.idx.msk [tilespmem:v28+s19+$0x0], $0xffff  }
0x56: {  	v41 =	vld.idx.msk [tilespmem:v32+s17+$0x0], $0xffff;
	v42 =	vmul.f32 v31, v29;
	v5 =	vadd.f32 v38, v5  }
0x57: {  	v44 =	vor.u32 $0xE, v2;
	v43 =	vld.idx.msk [tilespmem:v32+s19+$0x0], $0xffff  }
0x58: {  	v45 =	vld.idx.msk [tilespmem:v36+s17+$0x0], $0xffff;
	v46 =	vmul.f32 v35, v33;
	v5 =	vadd.f32 v42, v5  }
0x59: {  	v48 =	vor.u32 $0xF, v2;
	v47 =	vld.idx.msk [tilespmem:v36+s19+$0x0], $0xffff  }
0x5a: {  	v49 =	vld.idx.msk [tilespmem:v40+s17+$0x0], $0xffff;
	v50 =	vmul.f32 v39, v37;
	v5 =	vadd.f32 v46, v5  }
0x5b: {  	v52 =	vor.u32 $0x10, v2;
	v51 =	vld.idx.msk [tilespmem:v40+s19+$0x0], $0xffff  }
0x5c: {  	v53 =	vld.idx.msk [tilespmem:v44+s17+$0x0], $0xffff;
	v54 =	vmul.f32 v43, v41;
	v5 =	vadd.f32 v50, v5  }
0x5d: {  	v56 =	vor.u32 $0x11, v2;
	v55 =	vld.idx.msk [tilespmem:v44+s19+$0x0], $0xffff  }
0x5e: {  	v57 =	vld.idx.msk [tilespmem:v48+s17+$0x0], $0xffff;
	v58 =	vmul.f32 v47, v45;
	v5 =	vadd.f32 v54, v5  }
0x5f: {  	v59 =	vld.idx.msk [tilespmem:v48+s19+$0x0], $0xffff;
	v60 =	vor.u32 $0x12, v2  }
0x60: {  	v61 =	vld.idx.msk [tilespmem:v52+s17+$0x0], $0xffff;
	v62 =	vmul.f32 v51, v49;
	v5 =	vadd.f32 v58, v5  }
0x61: {  	v63 =	vld.idx.msk [tilespmem:v52+s19+$0x0], $0xffff;
	v20 =	vor.u32 $0x13, v2  }
0x62: {  	v21 =	vld.idx.msk [tilespmem:v56+s17+$0x0], $0xffff;
	v22 =	vmul.f32 v55, v53;
	v5 =	vadd.f32 v62, v5  }
0x63: {  	v24 =	vor.u32 $0x14, v2;
	v23 =	vld.idx.msk [tilespmem:v56+s19+$0x0], $0xffff  }
0x64: {  	v25 =	vld.idx.msk [tilespmem:v60+s17+$0x0], $0xffff;
	v26 =	vmul.f32 v59, v57;
	v5 =	vadd.f32 v22, v5  }
0x65: {  	v28 =	vor.u32 $0x15, v2;
	v27 =	vld.idx.msk [tilespmem:v60+s19+$0x0], $0xffff  }
0x66: {  	v29 =	vld.idx.msk [tilespmem:v20+s17+$0x0], $0xffff;
	v30 =	vmul.f32 v63, v61;
	v5 =	vadd.f32 v26, v5  }
0x67: {  	v32 =	vor.u32 $0x16, v2;
	v31 =	vld.idx.msk [tilespmem:v20+s19+$0x0], $0xffff  }
0x68: {  	v33 =	vld.idx.msk [tilespmem:v24+s17+$0x0], $0xffff;
	v34 =	vmul.f32 v23, v21;
	v5 =	vadd.f32 v30, v5  }
0x69: {  	v36 =	vor.u32 $0x17, v2;
	v35 =	vld.idx.msk [tilespmem:v24+s19+$0x0], $0xffff  }
0x6a: {  	v37 =	vld.idx.msk [tilespmem:v28+s17+$0x0], $0xffff;
	v38 =	vmul.f32 v27, v25;
	v5 =	vadd.f32 v34, v5  }
0x6b: {  	v40 =	vor.u32 $0x18, v2;
	v39 =	vld.idx.msk [tilespmem:v28+s19+$0x0], $0xffff  }
0x6c: {  	v41 =	vld.idx.msk [tilespmem:v32+s17+$0x0], $0xffff;
	v42 =	vmul.f32 v31, v29;
	v5 =	vadd.f32 v38, v5  }
0x6d: {  	v44 =	vor.u32 $0x19, v2;
	v43 =	vld.idx.msk [tilespmem:v32+s19+$0x0], $0xffff  }
0x6e: {  	v45 =	vld.idx.msk [tilespmem:v36+s17+$0x0], $0xffff;
	v46 =	vmul.f32 v35, v33;
	v5 =	vadd.f32 v42, v5  }
0x6f: {  	v48 =	vor.u32 $0x1A, v2;
	v47 =	vld.idx.msk [tilespmem:v36+s19+$0x0], $0xffff  }
0x70: {  	v49 =	vld.idx.msk [tilespmem:v40+s17+$0x0], $0xffff;
	v50 =	vmul.f32 v39, v37;
	v5 =	vadd.f32 v46, v5  }
0x71: {  	v52 =	vor.u32 $0x1B, v2;
	v51 =	vld.idx.msk [tilespmem:v40+s19+$0x0], $0xffff  }
0x72: {  	v53 =	vld.idx.msk [tilespmem:v44+s17+$0x0], $0xffff;
	v54 =	vmul.f32 v43, v41;
	v5 =	vadd.f32 v50, v5  }
0x73: {  	v56 =	vor.u32 $0x1C, v2;
	v55 =	vld.idx.msk [tilespmem:v44+s19+$0x0], $0xffff  }
0x74: {  	v57 =	vld.idx.msk [tilespmem:v48+s17+$0x0], $0xffff;
	v58 =	vmul.f32 v47, v45;
	v5 =	vadd.f32 v54, v5  }
0x75: {  	v60 =	vor.u32 $0x1D, v2;
	v59 =	vld.idx.msk [tilespmem:v48+s19+$0x0], $0xffff  }
0x76: {  	v61 =	vld.idx.msk [tilespmem:v52+s17+$0x0], $0xffff;
	v62 =	vmul.f32 v51, v49;
	v5 =	vadd.f32 v58, v5  }
0x77: {  	v20 =	vor.u32 $0x1E, v2;
	v63 =	vld.idx.msk [tilespmem:v52+s19+$0x0], $0xffff  }
0x78: {  	v21 =	vld.idx.msk [tilespmem:v56+s17+$0x0], $0xffff;
	v22 =	vmul.f32 v55, v53;
	v5 =	vadd.f32 v62, v5  }
0x79: {  	v24 =	vor.u32 $0x1F, v2;
	v23 =	vld.idx.msk [tilespmem:v56+s19+$0x0], $0xffff  }
0x7a: {  	v25 =	vld.idx.msk [tilespmem:v60+s17+$0x0], $0xffff;
	v26 =	vmul.f32 v59, v57;
	v5 =	vadd.f32 v22, v5  }
0x7b: {  	v27 =	vld.idx.msk [tilespmem:v60+s19+$0x0], $0xffff  }
0x7c: {  	v28 =	vld.idx.msk [tilespmem:v20+s17+$0x0], $0xffff;
	v29 =	vmul.f32 v63, v61;
	v5 =	vadd.f32 v26, v5  }
0x7d: {  	v4 =	vand.u32 $0x7F, v4;
	v30 =	vld.idx.msk [tilespmem:v20+s19+$0x0], $0xffff  }
0x7e: {  	v4 =	vor.u32 v2, v4;
	v31 =	vld.idx.msk [tilespmem:v24+s17+$0x0], $0xffff;
	v32 =	vmul.f32 v23, v21;
	v5 =	vadd.f32 v29, v5  }
0x7f: {  	v3 =	vand.u32 $0x7F, v3;
	v33 =	vld.idx.msk [tilespmem:v24+s19+$0x0], $0xffff  }
0x80: {  	v2 =	vor.u32 v2, v3;
	v3 =	vadd.f32 v32, v5;
	v5 =	vmul.f32 v27, v25;
	_ =	sdelay $0x1  }
0x81: {  	v3 =	vadd.f32 v5, v3;
	v5 =	vmul.f32 v30, v28  }
0x82: {  	v4 =	vld.idx.msk [tilespmem:v4+s21+$0x0], $0xffff  }
0x83: {  	v3 =	vadd.f32 v5, v3;
	v5 =	vmul.f32 v33, v31  }
0x84: {  	v2 =	vld.idx.msk [tilespmem:v2+s23+$0x0], $0xffff  }
0x85: {  	v3 =	vadd.f32 v5, v3;
	_ =	sdelay $0x1  }
0x86: {  	v3 =	vadd.f32 v3, v4  }
0x87: {  	s25 =	simm.s32 $0x10  }
0x88: {  	v4 =	vmov s25;
	v3 =	vadd.f32 v3, v2  }
0x89: {  	v2 =	vshll.u32 v4, $0x7  }
0x8a: {  	v2 =	vor.u32 v0, v2;
	v3 =	vadd.f32 v3, v1  }
0x8b: {  	s26 =	simm.s32 $0x10C10  }
0x8c: {  	s28 =	simm.s32 $0x210;
	v5 =	vor.u32 $0x1, v2;
	[tilespmem:s26+$0x0] =	vst v3  }
0x8d: {  	v3 =	vld [tilespmem:s28+$0x0]  }
0x8e: {  	v34 =	vor.u32 $0x2, v2;
	v4 =	vld [tilespmem:s25+$0x0]  }
0x8f: {  	v35 =	vld.idx.msk [tilespmem:v2+s17+$0x0], $0xffff  }
0x90: {  	v37 =	vor.u32 $0x3, v2;
	v36 =	vld.idx.msk [tilespmem:v2+s19+$0x0], $0xffff  }
0x91: {  	v38 =	vld.idx.msk [tilespmem:v5+s17+$0x0], $0xffff  }
0x92: {  	v39 =	vor.u32 $0x4, v2;
	v5 =	vld.idx.msk [tilespmem:v5+s19+$0x0], $0xffff  }
0x93: {  	v40 =	vld.idx.msk [tilespmem:v34+s17+$0x0], $0xffff  }
0x94: {  	v41 =	vor.u32 $0x5, v2;
	v6 =	vld.idx.msk [tilespmem:v34+s19+$0x0], $0xffff  }
0x95: {  	v42 =	vld.idx.msk [tilespmem:v37+s17+$0x0], $0xffff;
	v7 =	vmul.f32 v36, v35  }
0x96: {  	v44 =	vor.u32 $0x6, v2;
	v43 =	vld.idx.msk [tilespmem:v37+s19+$0x0], $0xffff  }
0x97: {  	v45 =	vld.idx.msk [tilespmem:v39+s17+$0x0], $0xffff;
	v5 =	vmul.f32 v5, v38;
	v7 =	vadd.f32 $0.0e+00, v7  }
0x98: {  	v47 =	vor.u32 $0x7, v2;
	v46 =	vld.idx.msk [tilespmem:v39+s19+$0x0], $0xffff  }
0x99: {  	v48 =	vld.idx.msk [tilespmem:v41+s17+$0x0], $0xffff;
	v6 =	vmul.f32 v6, v40;
	v5 =	vadd.f32 v5, v7  }
0x9a: {  	v50 =	vor.u32 $0x8, v2;
	v49 =	vld.idx.msk [tilespmem:v41+s19+$0x0], $0xffff  }
0x9b: {  	v51 =	vld.idx.msk [tilespmem:v44+s17+$0x0], $0xffff;
	v52 =	vmul.f32 v43, v42;
	v5 =	vadd.f32 v6, v5  }
0x9c: {  	v54 =	vor.u32 $0x9, v2;
	v53 =	vld.idx.msk [tilespmem:v44+s19+$0x0], $0xffff  }
0x9d: {  	v55 =	vld.idx.msk [tilespmem:v47+s17+$0x0], $0xffff;
	v56 =	vmul.f32 v46, v45;
	v5 =	vadd.f32 v52, v5  }
0x9e: {  	v58 =	vor.u32 $0xA, v2;
	v57 =	vld.idx.msk [tilespmem:v47+s19+$0x0], $0xffff  }
0x9f: {  	v59 =	vld.idx.msk [tilespmem:v50+s17+$0x0], $0xffff;
	v60 =	vmul.f32 v49, v48;
	v5 =	vadd.f32 v56, v5  }
0xa0: {  	v62 =	vor.u32 $0xB, v2;
	v61 =	vld.idx.msk [tilespmem:v50+s19+$0x0], $0xffff  }
0xa1: {  	v63 =	vld.idx.msk [tilespmem:v54+s17+$0x0], $0xffff;
	v20 =	vmul.f32 v53, v51;
	v5 =	vadd.f32 v60, v5  }
0xa2: {  	v22 =	vor.u32 $0xC, v2;
	v21 =	vld.idx.msk [tilespmem:v54+s19+$0x0], $0xffff  }
0xa3: {  	v23 =	vld.idx.msk [tilespmem:v58+s17+$0x0], $0xffff;
	v24 =	vmul.f32 v57, v55;
	v5 =	vadd.f32 v20, v5  }
0xa4: {  	v26 =	vor.u32 $0xD, v2;
	v25 =	vld.idx.msk [tilespmem:v58+s19+$0x0], $0xffff  }
0xa5: {  	v27 =	vld.idx.msk [tilespmem:v62+s17+$0x0], $0xffff;
	v28 =	vmul.f32 v61, v59;
	v5 =	vadd.f32 v24, v5  }
0xa6: {  	v30 =	vor.u32 $0xE, v2;
	v29 =	vld.idx.msk [tilespmem:v62+s19+$0x0], $0xffff  }
0xa7: {  	v31 =	vld.idx.msk [tilespmem:v22+s17+$0x0], $0xffff;
	v32 =	vmul.f32 v21, v63;
	v5 =	vadd.f32 v28, v5  }
0xa8: {  	v33 =	vld.idx.msk [tilespmem:v22+s19+$0x0], $0xffff;
	v34 =	vor.u32 $0xF, v2  }
0xa9: {  	v37 =	vld.idx.msk [tilespmem:v26+s19+$0x0], $0xffff;
	v36 =	vmul.f32 v25, v23;
	v5 =	vadd.f32 v32, v5  }
0xaa: {  	v35 =	vld.idx.msk [tilespmem:v26+s17+$0x0], $0xffff;
	v38 =	vor.u32 $0x10, v2  }
0xab: {  	v39 =	vld.idx.msk [tilespmem:v30+s17+$0x0], $0xffff;
	v40 =	vmul.f32 v29, v27;
	v5 =	vadd.f32 v36, v5  }
0xac: {  	v41 =	vld.idx.msk [tilespmem:v30+s19+$0x0], $0xffff;
	v42 =	vor.u32 $0x11, v2  }
0xad: {  	v43 =	vld.idx.msk [tilespmem:v34+s17+$0x0], $0xffff;
	v44 =	vmul.f32 v33, v31;
	v5 =	vadd.f32 v40, v5  }
0xae: {  	v45 =	vld.idx.msk [tilespmem:v34+s19+$0x0], $0xffff;
	v46 =	vor.u32 $0x12, v2  }
0xaf: {  	v48 =	vmul.f32 v37, v35;
	v47 =	vld.idx.msk [tilespmem:v38+s17+$0x0], $0xffff;
	v5 =	vadd.f32 v44, v5  }
0xb0: {  	v50 =	vor.u32 $0x13, v2;
	v49 =	vld.idx.msk [tilespmem:v38+s19+$0x0], $0xffff  }
0xb1: {  	v51 =	vld.idx.msk [tilespmem:v42+s17+$0x0], $0xffff;
	v52 =	vmul.f32 v41, v39;
	v5 =	vadd.f32 v48, v5  }
0xb2: {  	v54 =	vor.u32 $0x14, v2;
	v53 =	vld.idx.msk [tilespmem:v42+s19+$0x0], $0xffff  }
0xb3: {  	v55 =	vld.idx.msk [tilespmem:v46+s17+$0x0], $0xffff;
	v56 =	vmul.f32 v45, v43;
	v5 =	vadd.f32 v52, v5  }
0xb4: {  	v58 =	vor.u32 $0x15, v2;
	v57 =	vld.idx.msk [tilespmem:v46+s19+$0x0], $0xffff  }
0xb5: {  	v59 =	vld.idx.msk [tilespmem:v50+s17+$0x0], $0xffff;
	v60 =	vmul.f32 v49, v47;
	v5 =	vadd.f32 v56, v5  }
0xb6: {  	v62 =	vor.u32 $0x16, v2;
	v61 =	vld.idx.msk [tilespmem:v50+s19+$0x0], $0xffff  }
0xb7: {  	v63 =	vld.idx.msk [tilespmem:v54+s17+$0x0], $0xffff;
	v20 =	vmul.f32 v53, v51;
	v5 =	vadd.f32 v60, v5  }
0xb8: {  	v22 =	vor.u32 $0x17, v2;
	v21 =	vld.idx.msk [tilespmem:v54+s19+$0x0], $0xffff  }
0xb9: {  	v23 =	vld.idx.msk [tilespmem:v58+s17+$0x0], $0xffff;
	v24 =	vmul.f32 v57, v55;
	v5 =	vadd.f32 v20, v5  }
0xba: {  	v26 =	vor.u32 $0x18, v2;
	v25 =	vld.idx.msk [tilespmem:v58+s19+$0x0], $0xffff  }
0xbb: {  	v27 =	vld.idx.msk [tilespmem:v62+s17+$0x0], $0xffff;
	v28 =	vmul.f32 v61, v59;
	v5 =	vadd.f32 v24, v5  }
0xbc: {  	v30 =	vor.u32 $0x19, v2;
	v29 =	vld.idx.msk [tilespmem:v62+s19+$0x0], $0xffff  }
0xbd: {  	v31 =	vld.idx.msk [tilespmem:v22+s17+$0x0], $0xffff;
	v32 =	vmul.f32 v21, v63;
	v5 =	vadd.f32 v28, v5  }
0xbe: {  	v33 =	vld.idx.msk [tilespmem:v22+s19+$0x0], $0xffff;
	v34 =	vor.u32 $0x1A, v2  }
0xbf: {  	v35 =	vld.idx.msk [tilespmem:v26+s17+$0x0], $0xffff;
	v36 =	vmul.f32 v25, v23;
	v5 =	vadd.f32 v32, v5  }
0xc0: {  	v37 =	vld.idx.msk [tilespmem:v26+s19+$0x0], $0xffff;
	v38 =	vor.u32 $0x1B, v2  }
0xc1: {  	v39 =	vld.idx.msk [tilespmem:v30+s17+$0x0], $0xffff;
	v40 =	vmul.f32 v29, v27;
	v5 =	vadd.f32 v36, v5  }
0xc2: {  	v42 =	vor.u32 $0x1C, v2;
	v41 =	vld.idx.msk [tilespmem:v30+s19+$0x0], $0xffff  }
0xc3: {  	v43 =	vld.idx.msk [tilespmem:v34+s17+$0x0], $0xffff;
	v44 =	vmul.f32 v33, v31;
	v5 =	vadd.f32 v40, v5  }
0xc4: {  	v46 =	vor.u32 $0x1D, v2;
	v45 =	vld.idx.msk [tilespmem:v34+s19+$0x0], $0xffff  }
0xc5: {  	v47 =	vld.idx.msk [tilespmem:v38+s17+$0x0], $0xffff;
	v48 =	vmul.f32 v37, v35;
	v5 =	vadd.f32 v44, v5  }
0xc6: {  	v50 =	vor.u32 $0x1E, v2;
	v49 =	vld.idx.msk [tilespmem:v38+s19+$0x0], $0xffff  }
0xc7: {  	v51 =	vld.idx.msk [tilespmem:v42+s17+$0x0], $0xffff;
	v52 =	vmul.f32 v41, v39;
	v5 =	vadd.f32 v48, v5  }
0xc8: {  	v54 =	vor.u32 $0x1F, v2;
	v53 =	vld.idx.msk [tilespmem:v42+s19+$0x0], $0xffff  }
0xc9: {  	v55 =	vld.idx.msk [tilespmem:v46+s17+$0x0], $0xffff;
	v56 =	vmul.f32 v45, v43;
	v5 =	vadd.f32 v52, v5  }
0xca: {  	v57 =	vld.idx.msk [tilespmem:v46+s19+$0x0], $0xffff  }
0xcb: {  	v58 =	vld.idx.msk [tilespmem:v50+s17+$0x0], $0xffff;
	v59 =	vmul.f32 v49, v47;
	v5 =	vadd.f32 v56, v5  }
0xcc: {  	v4 =	vand.u32 $0x7F, v4;
	v60 =	vld.idx.msk [tilespmem:v50+s19+$0x0], $0xffff  }
0xcd: {  	v4 =	vor.u32 v2, v4;
	v61 =	vld.idx.msk [tilespmem:v54+s17+$0x0], $0xffff;
	v62 =	vmul.f32 v53, v51;
	v5 =	vadd.f32 v59, v5  }
0xce: {  	v3 =	vand.u32 $0x7F, v3;
	v63 =	vld.idx.msk [tilespmem:v54+s19+$0x0], $0xffff  }
0xcf: {  	v2 =	vor.u32 v2, v3;
	v3 =	vadd.f32 v62, v5;
	v5 =	vmul.f32 v57, v55;
	_ =	sdelay $0x1  }
0xd0: {  	v3 =	vadd.f32 v5, v3;
	v5 =	vmul.f32 v60, v58  }
0xd1: {  	v4 =	vld.idx.msk [tilespmem:v4+s21+$0x0], $0xffff  }
0xd2: {  	v3 =	vadd.f32 v5, v3;
	v5 =	vmul.f32 v63, v61  }
0xd3: {  	v2 =	vld.idx.msk [tilespmem:v2+s23+$0x0], $0xffff  }
0xd4: {  	v3 =	vadd.f32 v5, v3;
	_ =	sdelay $0x1  }
0xd5: {  	v3 =	vadd.f32 v3, v4  }
0xd6: {  	s29 =	simm.s32 $0x20  }
0xd7: {  	v4 =	vmov s29;
	v3 =	vadd.f32 v3, v2  }
0xd8: {  	s29 =	simm.s32 $0x30;
	v2 =	vshll.u32 v4, $0x7  }
.LBB2_4:
0xd9: {  	p0 =	sne.s32 s29, $0x70;
	v2 =	vor.u32 v0, v2;
	v3 =	vadd.f32 v3, v1  }
0xda: {  	s26 =	sadd.s32 $0x10, s26  }
0xdb: {  	s28 =	sadd.s32 $0x10, s28;
	v5 =	vor.u32 $0x1, v2;
	[tilespmem:s26+$0x0] =	vst v3  }
0xdc: {  	s25 =	sadd.s32 $0x10, s25;
	v3 =	vld [tilespmem:s28+$0x0]  }
0xdd: {  	v6 =	vor.u32 $0x2, v2;
	v4 =	vld [tilespmem:s25+$0x0]  }
0xde: {  	v7 =	vld.idx.msk [tilespmem:v2+s17+$0x0], $0xffff  }
0xdf: {  	v9 =	vor.u32 $0x3, v2;
	v8 =	vld.idx.msk [tilespmem:v2+s19+$0x0], $0xffff  }
0xe0: {  	v10 =	vld.idx.msk [tilespmem:v5+s17+$0x0], $0xffff  }
0xe1: {  	v11 =	vor.u32 $0x4, v2;
	v5 =	vld.idx.msk [tilespmem:v5+s19+$0x0], $0xffff  }
0xe2: {  	v12 =	vld.idx.msk [tilespmem:v6+s17+$0x0], $0xffff  }
0xe3: {  	v13 =	vor.u32 $0x5, v2;
	v6 =	vld.idx.msk [tilespmem:v6+s19+$0x0], $0xffff  }
0xe4: {  	v14 =	vld.idx.msk [tilespmem:v9+s17+$0x0], $0xffff  }
0xe5: {  	v7 =	vmul.f32 v8, v7;
	v8 =	vld.idx.msk [tilespmem:v9+s19+$0x0], $0xffff;
	v9 =	vor.u32 $0x6, v2  }
0xe6: {  	v15 =	vld.idx.msk [tilespmem:v11+s17+$0x0], $0xffff  }
0xe7: {  	v7 =	vadd.f32 $0.0e+00, v7;
	v5 =	vmul.f32 v5, v10;
	v10 =	vld.idx.msk [tilespmem:v11+s19+$0x0], $0xffff;
	v11 =	vor.u32 $0x7, v2  }
0xe8: {  	v16 =	vld.idx.msk [tilespmem:v13+s17+$0x0], $0xffff  }
0xe9: {  	v5 =	vadd.f32 v5, v7;
	v6 =	vmul.f32 v6, v12;
	v12 =	vor.u32 $0x8, v2;
	v7 =	vld.idx.msk [tilespmem:v13+s19+$0x0], $0xffff  }
0xea: {  	v13 =	vld.idx.msk [tilespmem:v9+s17+$0x0], $0xffff  }
0xeb: {  	v5 =	vadd.f32 v6, v5;
	v6 =	vmul.f32 v8, v14;
	v8 =	vld.idx.msk [tilespmem:v9+s19+$0x0], $0xffff;
	v9 =	vor.u32 $0x9, v2  }
0xec: {  	v14 =	vld.idx.msk [tilespmem:v11+s17+$0x0], $0xffff  }
0xed: {  	v5 =	vadd.f32 v6, v5;
	v6 =	vmul.f32 v10, v15;
	v10 =	vld.idx.msk [tilespmem:v11+s19+$0x0], $0xffff;
	v11 =	vor.u32 $0xA, v2  }
0xee: {  	v15 =	vld.idx.msk [tilespmem:v12+s17+$0x0], $0xffff  }
0xef: {  	v5 =	vadd.f32 v6, v5;
	v6 =	vmul.f32 v7, v16;
	v7 =	vld.idx.msk [tilespmem:v12+s19+$0x0], $0xffff;
	v12 =	vor.u32 $0xB, v2  }
0xf0: {  	v16 =	vld.idx.msk [tilespmem:v9+s17+$0x0], $0xffff  }
0xf1: {  	v5 =	vadd.f32 v6, v5;
	v6 =	vmul.f32 v8, v13;
	v8 =	vld.idx.msk [tilespmem:v9+s19+$0x0], $0xffff;
	v9 =	vor.u32 $0xC, v2  }
0xf2: {  	v13 =	vld.idx.msk [tilespmem:v11+s17+$0x0], $0xffff  }
0xf3: {  	v5 =	vadd.f32 v6, v5;
	v6 =	vmul.f32 v10, v14;
	v10 =	vld.idx.msk [tilespmem:v11+s19+$0x0], $0xffff;
	v11 =	vor.u32 $0xD, v2  }
0xf4: {  	v14 =	vld.idx.msk [tilespmem:v12+s17+$0x0], $0xffff  }
0xf5: {  	v5 =	vadd.f32 v6, v5;
	v6 =	vmul.f32 v7, v15;
	v7 =	vld.idx.msk [tilespmem:v12+s19+$0x0], $0xffff;
	v12 =	vor.u32 $0xE, v2  }
0xf6: {  	v15 =	vld.idx.msk [tilespmem:v9+s17+$0x0], $0xffff  }
0xf7: {  	v5 =	vadd.f32 v6, v5;
	v6 =	vmul.f32 v8, v16;
	v8 =	vld.idx.msk [tilespmem:v9+s19+$0x0], $0xffff;
	v9 =	vor.u32 $0xF, v2  }
0xf8: {  	v16 =	vld.idx.msk [tilespmem:v11+s17+$0x0], $0xffff  }
0xf9: {  	v5 =	vadd.f32 v6, v5;
	v6 =	vmul.f32 v10, v13;
	v10 =	vld.idx.msk [tilespmem:v11+s19+$0x0], $0xffff;
	v11 =	vor.u32 $0x10, v2  }
0xfa: {  	v13 =	vld.idx.msk [tilespmem:v12+s17+$0x0], $0xffff  }
0xfb: {  	v5 =	vadd.f32 v6, v5;
	v6 =	vmul.f32 v7, v14;
	v7 =	vld.idx.msk [tilespmem:v12+s19+$0x0], $0xffff;
	v12 =	vor.u32 $0x11, v2  }
0xfc: {  	v14 =	vld.idx.msk [tilespmem:v9+s17+$0x0], $0xffff  }
0xfd: {  	v5 =	vadd.f32 v6, v5;
	v6 =	vmul.f32 v8, v15;
	v8 =	vld.idx.msk [tilespmem:v9+s19+$0x0], $0xffff;
	v9 =	vor.u32 $0x12, v2  }
0xfe: {  	v15 =	vld.idx.msk [tilespmem:v11+s17+$0x0], $0xffff  }
0xff: {  	v5 =	vadd.f32 v6, v5;
	v6 =	vmul.f32 v10, v16;
	v10 =	vld.idx.msk [tilespmem:v11+s19+$0x0], $0xffff;
	v11 =	vor.u32 $0x13, v2  }
0x100: {  	v16 =	vld.idx.msk [tilespmem:v12+s17+$0x0], $0xffff  }
0x101: {  	v5 =	vadd.f32 v6, v5;
	v6 =	vmul.f32 v7, v13;
	v7 =	vld.idx.msk [tilespmem:v12+s19+$0x0], $0xffff;
	v12 =	vor.u32 $0x14, v2  }
0x102: {  	v13 =	vld.idx.msk [tilespmem:v9+s17+$0x0], $0xffff  }
0x103: {  	v5 =	vadd.f32 v6, v5;
	v6 =	vmul.f32 v8, v14;
	v8 =	vld.idx.msk [tilespmem:v9+s19+$0x0], $0xffff;
	v9 =	vor.u32 $0x15, v2  }
0x104: {  	v14 =	vld.idx.msk [tilespmem:v11+s17+$0x0], $0xffff  }
0x105: {  	v5 =	vadd.f32 v6, v5;
	v6 =	vmul.f32 v10, v15;
	v10 =	vld.idx.msk [tilespmem:v11+s19+$0x0], $0xffff;
	v11 =	vor.u32 $0x16, v2  }
0x106: {  	v15 =	vld.idx.msk [tilespmem:v12+s17+$0x0], $0xffff  }
0x107: {  	v5 =	vadd.f32 v6, v5;
	v6 =	vmul.f32 v7, v16;
	v7 =	vld.idx.msk [tilespmem:v12+s19+$0x0], $0xffff;
	v12 =	vor.u32 $0x17, v2  }
0x108: {  	v16 =	vld.idx.msk [tilespmem:v9+s17+$0x0], $0xffff  }
0x109: {  	v5 =	vadd.f32 v6, v5;
	v6 =	vmul.f32 v8, v13;
	v8 =	vld.idx.msk [tilespmem:v9+s19+$0x0], $0xffff;
	v9 =	vor.u32 $0x18, v2  }
0x10a: {  	v13 =	vld.idx.msk [tilespmem:v11+s17+$0x0], $0xffff  }
0x10b: {  	v5 =	vadd.f32 v6, v5;
	v6 =	vmul.f32 v10, v14;
	v10 =	vld.idx.msk [tilespmem:v11+s19+$0x0], $0xffff;
	v11 =	vor.u32 $0x19, v2  }
0x10c: {  	v14 =	vld.idx.msk [tilespmem:v12+s17+$0x0], $0xffff  }
0x10d: {  	v5 =	vadd.f32 v6, v5;
	v6 =	vmul.f32 v7, v15;
	v7 =	vld.idx.msk [tilespmem:v12+s19+$0x0], $0xffff;
	v12 =	vor.u32 $0x1A, v2  }
0x10e: {  	v15 =	vld.idx.msk [tilespmem:v9+s17+$0x0], $0xffff  }
0x10f: {  	v5 =	vadd.f32 v6, v5;
	v6 =	vmul.f32 v8, v16;
	v8 =	vld.idx.msk [tilespmem:v9+s19+$0x0], $0xffff;
	v9 =	vor.u32 $0x1B, v2  }
0x110: {  	v16 =	vld.idx.msk [tilespmem:v11+s17+$0x0], $0xffff  }
0x111: {  	v5 =	vadd.f32 v6, v5;
	v6 =	vmul.f32 v10, v13;
	v10 =	vld.idx.msk [tilespmem:v11+s19+$0x0], $0xffff;
	v11 =	vor.u32 $0x1C, v2  }
0x112: {  	v13 =	vld.idx.msk [tilespmem:v12+s17+$0x0], $0xffff  }
0x113: {  	v5 =	vadd.f32 v6, v5;
	v6 =	vmul.f32 v7, v14;
	v7 =	vld.idx.msk [tilespmem:v12+s19+$0x0], $0xffff;
	v12 =	vor.u32 $0x1D, v2  }
0x114: {  	v14 =	vld.idx.msk [tilespmem:v9+s17+$0x0], $0xffff  }
0x115: {  	v5 =	vadd.f32 v6, v5;
	v6 =	vmul.f32 v8, v15;
	v8 =	vld.idx.msk [tilespmem:v9+s19+$0x0], $0xffff;
	v9 =	vor.u32 $0x1E, v2  }
0x116: {  	v15 =	vld.idx.msk [tilespmem:v11+s17+$0x0], $0xffff  }
0x117: {  	v5 =	vadd.f32 v6, v5;
	v6 =	vmul.f32 v10, v16;
	v10 =	vld.idx.msk [tilespmem:v11+s19+$0x0], $0xffff;
	v11 =	vor.u32 $0x1F, v2  }
0x118: {  	v16 =	vld.idx.msk [tilespmem:v12+s17+$0x0], $0xffff  }
0x119: {  	v5 =	vadd.f32 v6, v5;
	v6 =	vmul.f32 v7, v13;
	v7 =	vld.idx.msk [tilespmem:v12+s19+$0x0], $0xffff  }
0x11a: {  	v12 =	vld.idx.msk [tilespmem:v9+s17+$0x0], $0xffff  }
0x11b: {  	v4 =	vand.u32 $0x7F, v4;
	v5 =	vadd.f32 v6, v5;
	v6 =	vmul.f32 v8, v14;
	v8 =	vld.idx.msk [tilespmem:v9+s19+$0x0], $0xffff  }
0x11c: {  	v4 =	vor.u32 v2, v4;
	v9 =	vld.idx.msk [tilespmem:v11+s17+$0x0], $0xffff  }
0x11d: {  	v3 =	vand.u32 $0x7F, v3;
	v5 =	vadd.f32 v6, v5;
	v6 =	vmul.f32 v10, v15;
	v10 =	vld.idx.msk [tilespmem:v11+s19+$0x0], $0xffff  }
0x11e: {  	v2 =	vor.u32 v2, v3  }
0x11f: {  	v3 =	vadd.f32 v6, v5;
	v5 =	vmul.f32 v7, v16;
	_ =	sdelay $0x1  }
0x120: {  	v3 =	vadd.f32 v5, v3;
	v5 =	vmul.f32 v8, v12;
	v4 =	vld.idx.msk [tilespmem:v4+s21+$0x0], $0xffff;
	_ =	sdelay $0x1  }
0x121: {  	v3 =	vadd.f32 v5, v3;
	v5 =	vmul.f32 v10, v9;
	v2 =	vld.idx.msk [tilespmem:v2+s23+$0x0], $0xffff;
	_ =	sdelay $0x1  }
0x122: {  	v3 =	vadd.f32 v5, v3  }
.Ltmp1:
0x123: {  	(pc) =	sbr.rel @p0 .LBB2_4-.Ltmp1, $3  }
0x124: {  	v3 =	vadd.f32 v3, v4;
	_ =	sdelay $0x1  }
0x125: {  	v4 =	vmov s29;
	v3 =	vadd.f32 v3, v2  }
0x126: {  	s29 =	sadd.s32 $0x10, s29;
	v2 =	vshll.u32 v4, $0x7  }
0x127: {  	v2 =	vor.u32 v0, v2;
	v3 =	vadd.f32 v3, v1  }
0x128: {  	s26 =	sadd.s32 $0x10, s26  }
0x129: {  	s28 =	sadd.s32 $0x10, s28;
	v5 =	vor.u32 $0x1, v2;
	[tilespmem:s26+$0x0] =	vst v3  }
0x12a: {  	s25 =	sadd.s32 $0x10, s25;
	v3 =	vld [tilespmem:s28+$0x0]  }
0x12b: {  	v6 =	vor.u32 $0x2, v2;
	v4 =	vld [tilespmem:s25+$0x0]  }
0x12c: {  	v7 =	vld.idx.msk [tilespmem:v2+s17+$0x0], $0xffff  }
0x12d: {  	v9 =	vor.u32 $0x3, v2;
	v8 =	vld.idx.msk [tilespmem:v2+s19+$0x0], $0xffff  }
0x12e: {  	v10 =	vld.idx.msk [tilespmem:v5+s17+$0x0], $0xffff  }
0x12f: {  	v11 =	vor.u32 $0x4, v2;
	v5 =	vld.idx.msk [tilespmem:v5+s19+$0x0], $0xffff  }
0x130: {  	v12 =	vld.idx.msk [tilespmem:v6+s17+$0x0], $0xffff  }
0x131: {  	v13 =	vor.u32 $0x5, v2;
	v6 =	vld.idx.msk [tilespmem:v6+s19+$0x0], $0xffff  }
0x132: {  	v14 =	vld.idx.msk [tilespmem:v9+s17+$0x0], $0xffff;
	v7 =	vmul.f32 v8, v7  }
0x133: {  	v31 =	vor.u32 $0x6, v2;
	v30 =	vld.idx.msk [tilespmem:v9+s19+$0x0], $0xffff  }
0x134: {  	v15 =	vld.idx.msk [tilespmem:v11+s17+$0x0], $0xffff;
	v5 =	vmul.f32 v5, v10;
	v7 =	vadd.f32 $0.0e+00, v7  }
0x135: {  	v33 =	vor.u32 $0x7, v2;
	v32 =	vld.idx.msk [tilespmem:v11+s19+$0x0], $0xffff  }
0x136: {  	v16 =	vld.idx.msk [tilespmem:v13+s17+$0x0], $0xffff;
	v6 =	vmul.f32 v6, v12;
	v5 =	vadd.f32 v5, v7  }
0x137: {  	v35 =	vor.u32 $0x8, v2;
	v34 =	vld.idx.msk [tilespmem:v13+s19+$0x0], $0xffff  }
0x138: {  	v36 =	vld.idx.msk [tilespmem:v31+s17+$0x0], $0xffff;
	v37 =	vmul.f32 v30, v14;
	v5 =	vadd.f32 v6, v5  }
0x139: {  	v39 =	vor.u32 $0x9, v2;
	v38 =	vld.idx.msk [tilespmem:v31+s19+$0x0], $0xffff  }
0x13a: {  	v40 =	vld.idx.msk [tilespmem:v33+s17+$0x0], $0xffff;
	v41 =	vmul.f32 v32, v15;
	v5 =	vadd.f32 v37, v5  }
0x13b: {  	v43 =	vor.u32 $0xA, v2;
	v42 =	vld.idx.msk [tilespmem:v33+s19+$0x0], $0xffff  }
0x13c: {  	v44 =	vld.idx.msk [tilespmem:v35+s17+$0x0], $0xffff;
	v45 =	vmul.f32 v34, v16;
	v5 =	vadd.f32 v41, v5  }
0x13d: {  	v47 =	vor.u32 $0xB, v2;
	v46 =	vld.idx.msk [tilespmem:v35+s19+$0x0], $0xffff  }
0x13e: {  	v48 =	vld.idx.msk [tilespmem:v39+s17+$0x0], $0xffff;
	v49 =	vmul.f32 v38, v36;
	v5 =	vadd.f32 v45, v5  }
0x13f: {  	v51 =	vor.u32 $0xC, v2;
	v50 =	vld.idx.msk [tilespmem:v39+s19+$0x0], $0xffff  }
0x140: {  	v52 =	vld.idx.msk [tilespmem:v43+s17+$0x0], $0xffff;
	v53 =	vmul.f32 v42, v40;
	v5 =	vadd.f32 v49, v5  }
0x141: {  	v55 =	vor.u32 $0xD, v2;
	v54 =	vld.idx.msk [tilespmem:v43+s19+$0x0], $0xffff  }
0x142: {  	v56 =	vld.idx.msk [tilespmem:v47+s17+$0x0], $0xffff;
	v57 =	vmul.f32 v46, v44;
	v5 =	vadd.f32 v53, v5  }
0x143: {  	v59 =	vor.u32 $0xE, v2;
	v58 =	vld.idx.msk [tilespmem:v47+s19+$0x0], $0xffff  }
0x144: {  	v60 =	vld.idx.msk [tilespmem:v51+s17+$0x0], $0xffff;
	v61 =	vmul.f32 v50, v48;
	v5 =	vadd.f32 v57, v5  }
0x145: {  	v63 =	vor.u32 $0xF, v2;
	v62 =	vld.idx.msk [tilespmem:v51+s19+$0x0], $0xffff  }
0x146: {  	v20 =	vld.idx.msk [tilespmem:v55+s17+$0x0], $0xffff;
	v21 =	vmul.f32 v54, v52;
	v5 =	vadd.f32 v61, v5  }
0x147: {  	v23 =	vor.u32 $0x10, v2;
	v22 =	vld.idx.msk [tilespmem:v55+s19+$0x0], $0xffff  }
0x148: {  	v24 =	vld.idx.msk [tilespmem:v59+s17+$0x0], $0xffff;
	v25 =	vmul.f32 v58, v56;
	v5 =	vadd.f32 v21, v5  }
0x149: {  	v27 =	vor.u32 $0x11, v2;
	v26 =	vld.idx.msk [tilespmem:v59+s19+$0x0], $0xffff  }
0x14a: {  	v28 =	vld.idx.msk [tilespmem:v63+s17+$0x0], $0xffff;
	v29 =	vmul.f32 v62, v60;
	v5 =	vadd.f32 v25, v5  }
0x14b: {  	v31 =	vor.u32 $0x12, v2;
	v30 =	vld.idx.msk [tilespmem:v63+s19+$0x0], $0xffff  }
0x14c: {  	v32 =	vld.idx.msk [tilespmem:v23+s17+$0x0], $0xffff;
	v33 =	vmul.f32 v22, v20;
	v5 =	vadd.f32 v29, v5  }
0x14d: {  	v35 =	vor.u32 $0x13, v2;
	v34 =	vld.idx.msk [tilespmem:v23+s19+$0x0], $0xffff  }
0x14e: {  	v36 =	vld.idx.msk [tilespmem:v27+s17+$0x0], $0xffff;
	v37 =	vmul.f32 v26, v24;
	v5 =	vadd.f32 v33, v5  }
0x14f: {  	v39 =	vor.u32 $0x14, v2;
	v38 =	vld.idx.msk [tilespmem:v27+s19+$0x0], $0xffff  }
0x150: {  	v40 =	vld.idx.msk [tilespmem:v31+s17+$0x0], $0xffff;
	v41 =	vmul.f32 v30, v28;
	v5 =	vadd.f32 v37, v5  }
0x151: {  	v43 =	vor.u32 $0x15, v2;
	v42 =	vld.idx.msk [tilespmem:v31+s19+$0x0], $0xffff  }
0x152: {  	v44 =	vld.idx.msk [tilespmem:v35+s17+$0x0], $0xffff;
	v45 =	vmul.f32 v34, v32;
	v5 =	vadd.f32 v41, v5  }
0x153: {  	v47 =	vor.u32 $0x16, v2;
	v46 =	vld.idx.msk [tilespmem:v35+s19+$0x0], $0xffff  }
0x154: {  	v48 =	vld.idx.msk [tilespmem:v39+s17+$0x0], $0xffff;
	v49 =	vmul.f32 v38, v36;
	v5 =	vadd.f32 v45, v5  }
0x155: {  	v51 =	vor.u32 $0x17, v2;
	v50 =	vld.idx.msk [tilespmem:v39+s19+$0x0], $0xffff  }
0x156: {  	v52 =	vld.idx.msk [tilespmem:v43+s17+$0x0], $0xffff;
	v53 =	vmul.f32 v42, v40;
	v5 =	vadd.f32 v49, v5  }
0x157: {  	v55 =	vor.u32 $0x18, v2;
	v54 =	vld.idx.msk [tilespmem:v43+s19+$0x0], $0xffff  }
0x158: {  	v56 =	vld.idx.msk [tilespmem:v47+s17+$0x0], $0xffff;
	v57 =	vmul.f32 v46, v44;
	v5 =	vadd.f32 v53, v5  }
0x159: {  	v59 =	vor.u32 $0x19, v2;
	v58 =	vld.idx.msk [tilespmem:v47+s19+$0x0], $0xffff  }
0x15a: {  	v60 =	vld.idx.msk [tilespmem:v51+s17+$0x0], $0xffff;
	v61 =	vmul.f32 v50, v48;
	v5 =	vadd.f32 v57, v5  }
0x15b: {  	v62 =	vld.idx.msk [tilespmem:v51+s19+$0x0], $0xffff;
	v63 =	vor.u32 $0x1A, v2  }
0x15c: {  	v20 =	vld.idx.msk [tilespmem:v55+s17+$0x0], $0xffff;
	v21 =	vmul.f32 v54, v52;
	v5 =	vadd.f32 v61, v5  }
0x15d: {  	v22 =	vld.idx.msk [tilespmem:v55+s19+$0x0], $0xffff;
	v23 =	vor.u32 $0x1B, v2  }
0x15e: {  	v24 =	vld.idx.msk [tilespmem:v59+s17+$0x0], $0xffff;
	v25 =	vmul.f32 v58, v56;
	v5 =	vadd.f32 v21, v5  }
0x15f: {  	v27 =	vor.u32 $0x1C, v2;
	v26 =	vld.idx.msk [tilespmem:v59+s19+$0x0], $0xffff  }
0x160: {  	v28 =	vld.idx.msk [tilespmem:v63+s17+$0x0], $0xffff;
	v29 =	vmul.f32 v62, v60;
	v5 =	vadd.f32 v25, v5  }
0x161: {  	v31 =	vor.u32 $0x1D, v2;
	v30 =	vld.idx.msk [tilespmem:v63+s19+$0x0], $0xffff  }
0x162: {  	v32 =	vld.idx.msk [tilespmem:v23+s17+$0x0], $0xffff;
	v33 =	vmul.f32 v22, v20;
	v5 =	vadd.f32 v29, v5  }
0x163: {  	v35 =	vor.u32 $0x1E, v2;
	v34 =	vld.idx.msk [tilespmem:v23+s19+$0x0], $0xffff  }
0x164: {  	v36 =	vld.idx.msk [tilespmem:v27+s17+$0x0], $0xffff;
	v37 =	vmul.f32 v26, v24;
	v5 =	vadd.f32 v33, v5  }
0x165: {  	v39 =	vor.u32 $0x1F, v2;
	v38 =	vld.idx.msk [tilespmem:v27+s19+$0x0], $0xffff  }
0x166: {  	v40 =	vld.idx.msk [tilespmem:v31+s17+$0x0], $0xffff;
	v41 =	vmul.f32 v30, v28;
	v5 =	vadd.f32 v37, v5  }
0x167: {  	v42 =	vld.idx.msk [tilespmem:v31+s19+$0x0], $0xffff  }
0x168: {  	v43 =	vld.idx.msk [tilespmem:v35+s17+$0x0], $0xffff;
	v44 =	vmul.f32 v34, v32;
	v5 =	vadd.f32 v41, v5  }
0x169: {  	v4 =	vand.u32 $0x7F, v4;
	v45 =	vld.idx.msk [tilespmem:v35+s19+$0x0], $0xffff  }
0x16a: {  	v4 =	vor.u32 v2, v4;
	v46 =	vld.idx.msk [tilespmem:v39+s17+$0x0], $0xffff;
	v47 =	vmul.f32 v38, v36;
	v5 =	vadd.f32 v44, v5  }
0x16b: {  	v3 =	vand.u32 $0x7F, v3;
	v48 =	vld.idx.msk [tilespmem:v39+s19+$0x0], $0xffff  }
0x16c: {  	v2 =	vor.u32 v2, v3;
	v3 =	vadd.f32 v47, v5;
	v5 =	vmul.f32 v42, v40;
	_ =	sdelay $0x1  }
0x16d: {  	v3 =	vadd.f32 v5, v3;
	v5 =	vmul.f32 v45, v43  }
0x16e: {  	v4 =	vld.idx.msk [tilespmem:v4+s21+$0x0], $0xffff  }
0x16f: {  	v3 =	vadd.f32 v5, v3;
	v5 =	vmul.f32 v48, v46  }
0x170: {  	v2 =	vld.idx.msk [tilespmem:v2+s23+$0x0], $0xffff  }
0x171: {  	v3 =	vadd.f32 v5, v3;
	_ =	sdelay $0x1  }
0x172: {  	v3 =	vadd.f32 v3, v4;
	_ =	sdelay $0x1  }
0x173: {  	v2 =	vadd.f32 v3, v2;
	_ =	sdelay $0x1  }
0x174: {  	v2 =	vadd.f32 v2, v1  }
0x175: {  	s26 =	sadd.s32 $0x10, s26  }
0x176: {  	s25 =	simm.s32 $0x80;
	[tilespmem:s26+$0x0] =	vst v2;
	s26 =	simm.s32 $0x480  }
0x177: {  	[tilespmem:s17], [sflag:$0x1] =	stream.indirect.gather [hbm4b:s4+s25], $0x80, s26, s25, $0xb8;
	[tilespmem:$0x10E10] =	vst v63  }
0x178: {  	s26 =	simm.s32 $0x680  }
0x179: {  	[tilespmem:s19], [sflag:$0x1] =	stream.indirect.gather [hbm4b:s5+s25], $0x80, s26, s25, $0xb8;
	[tilespmem:$0x10E10] =	vst v63  }
0x17a: {  	s26 =	simm.s32 $0x880  }
0x17b: {  	[tilespmem:s21], [sflag:$0x1] =	stream.indirect.gather [hbm4b:s1+s25], $0x80, s26, s25, $0xb8;
	[tilespmem:$0x10E10] =	vst v63  }
0x17c: {  	s26 =	simm.s32 $0xA80  }
0x17d: {  	[tilespmem:s23], [sflag:$0x1] =	stream.indirect.gather [hbm4b:s6+s25], $0x80, s26, s25, $0xb8;
	[tilespmem:$0x10E10] =	vst v63  }
0x17e: {  	_ =	swait.ge [sflag:s24], $0x4000  }
0x17f: {  	[sflag:s24] =	ssyncset.done $0x0  }
0x180: {  	[sflag:s24] =	ssyncadd.s32 $0xFFFFC000  }
0x181: {  	_ =	swait.ge [sflag:s24], $0x4000  }
0x182: {  	[sflag:s24] =	ssyncset.done $0x0  }
0x183: {  	[sflag:s24] =	ssyncadd.s32 $0xFFFFC000  }
0x184: {  	s26 =	simm.s32 $0x0;
	_ =	swait.ge [sflag:s24], $0x4000  }
0x185: {  	v2 =	vmov s26;
	[sflag:s24] =	ssyncset.done $0x0  }
0x186: {  	v2 =	vshll.u32 v2, $0x7;
	[sflag:s24] =	ssyncadd.s32 $0xFFFFC000  }
0x187: {  	v2 =	vor.u32 v0, v2;
	_ =	swait.ge [sflag:s24], $0x4000  }
0x188: {  	[sflag:s24] =	ssyncset.done $0x0  }
0x189: {  	s26 =	simm.s32 $0x280;
	v5 =	vor.u32 $0x1, v2;
	[sflag:s24] =	ssyncadd.s32 $0xFFFFC000  }
0x18a: {  	v3 =	vld [tilespmem:s26+$0x0]  }
0x18b: {  	v49 =	vor.u32 $0x2, v2;
	v4 =	vld [tilespmem:s25+$0x0]  }
0x18c: {  	v50 =	vld.idx.msk [tilespmem:v2+s17+$0x0], $0xffff  }
0x18d: {  	v52 =	vor.u32 $0x3, v2;
	v51 =	vld.idx.msk [tilespmem:v2+s19+$0x0], $0xffff  }
0x18e: {  	v53 =	vld.idx.msk [tilespmem:v5+s17+$0x0], $0xffff  }
0x18f: {  	v54 =	vor.u32 $0x4, v2;
	v5 =	vld.idx.msk [tilespmem:v5+s19+$0x0], $0xffff  }
0x190: {  	v55 =	vld.idx.msk [tilespmem:v49+s17+$0x0], $0xffff  }
0x191: {  	v56 =	vor.u32 $0x5, v2;
	v6 =	vld.idx.msk [tilespmem:v49+s19+$0x0], $0xffff  }
0x192: {  	v57 =	vld.idx.msk [tilespmem:v52+s17+$0x0], $0xffff;
	v7 =	vmul.f32 v51, v50  }
0x193: {  	v59 =	vor.u32 $0x6, v2;
	v58 =	vld.idx.msk [tilespmem:v52+s19+$0x0], $0xffff  }
0x194: {  	v60 =	vld.idx.msk [tilespmem:v54+s17+$0x0], $0xffff;
	v5 =	vmul.f32 v5, v53;
	v7 =	vadd.f32 $0.0e+00, v7  }
0x195: {  	v62 =	vor.u32 $0x7, v2;
	v61 =	vld.idx.msk [tilespmem:v54+s19+$0x0], $0xffff  }
0x196: {  	v63 =	vld.idx.msk [tilespmem:v56+s17+$0x0], $0xffff;
	v6 =	vmul.f32 v6, v55;
	v5 =	vadd.f32 v5, v7  }
0x197: {  	v20 =	vor.u32 $0x8, v2;
	v19 =	vld.idx.msk [tilespmem:v56+s19+$0x0], $0xffff  }
0x198: {  	v21 =	vld.idx.msk [tilespmem:v59+s17+$0x0], $0xffff;
	v22 =	vmul.f32 v58, v57;
	v5 =	vadd.f32 v6, v5  }
0x199: {  	v24 =	vor.u32 $0x9, v2;
	v23 =	vld.idx.msk [tilespmem:v59+s19+$0x0], $0xffff  }
0x19a: {  	v25 =	vld.idx.msk [tilespmem:v62+s17+$0x0], $0xffff;
	v26 =	vmul.f32 v61, v60;
	v5 =	vadd.f32 v22, v5  }
0x19b: {  	v28 =	vor.u32 $0xA, v2;
	v27 =	vld.idx.msk [tilespmem:v62+s19+$0x0], $0xffff  }
0x19c: {  	v29 =	vld.idx.msk [tilespmem:v20+s17+$0x0], $0xffff;
	v30 =	vmul.f32 v19, v63;
	v5 =	vadd.f32 v26, v5  }
0x19d: {  	v32 =	vor.u32 $0xB, v2;
	v31 =	vld.idx.msk [tilespmem:v20+s19+$0x0], $0xffff  }
0x19e: {  	v33 =	vld.idx.msk [tilespmem:v24+s17+$0x0], $0xffff;
	v34 =	vmul.f32 v23, v21;
	v5 =	vadd.f32 v30, v5  }
0x19f: {  	v36 =	vor.u32 $0xC, v2;
	v35 =	vld.idx.msk [tilespmem:v24+s19+$0x0], $0xffff  }
0x1a0: {  	v37 =	vld.idx.msk [tilespmem:v28+s17+$0x0], $0xffff;
	v38 =	vmul.f32 v27, v25;
	v5 =	vadd.f32 v34, v5  }
0x1a1: {  	v40 =	vor.u32 $0xD, v2;
	v39 =	vld.idx.msk [tilespmem:v28+s19+$0x0], $0xffff  }
0x1a2: {  	v41 =	vld.idx.msk [tilespmem:v32+s17+$0x0], $0xffff;
	v42 =	vmul.f32 v31, v29;
	v5 =	vadd.f32 v38, v5  }
0x1a3: {  	v44 =	vor.u32 $0xE, v2;
	v43 =	vld.idx.msk [tilespmem:v32+s19+$0x0], $0xffff  }
0x1a4: {  	v45 =	vld.idx.msk [tilespmem:v36+s17+$0x0], $0xffff;
	v46 =	vmul.f32 v35, v33;
	v5 =	vadd.f32 v42, v5  }
0x1a5: {  	v48 =	vor.u32 $0xF, v2;
	v47 =	vld.idx.msk [tilespmem:v36+s19+$0x0], $0xffff  }
0x1a6: {  	v49 =	vld.idx.msk [tilespmem:v40+s17+$0x0], $0xffff;
	v50 =	vmul.f32 v39, v37;
	v5 =	vadd.f32 v46, v5  }
0x1a7: {  	v52 =	vor.u32 $0x10, v2;
	v51 =	vld.idx.msk [tilespmem:v40+s19+$0x0], $0xffff  }
0x1a8: {  	v53 =	vld.idx.msk [tilespmem:v44+s17+$0x0], $0xffff;
	v54 =	vmul.f32 v43, v41;
	v5 =	vadd.f32 v50, v5  }
0x1a9: {  	v56 =	vor.u32 $0x11, v2;
	v55 =	vld.idx.msk [tilespmem:v44+s19+$0x0], $0xffff  }
0x1aa: {  	v59 =	vld.idx.msk [tilespmem:v48+s19+$0x0], $0xffff;
	v58 =	vmul.f32 v47, v45;
	v5 =	vadd.f32 v54, v5  }
0x1ab: {  	v57 =	vld.idx.msk [tilespmem:v48+s17+$0x0], $0xffff;
	v60 =	vor.u32 $0x12, v2  }
0x1ac: {  	v61 =	vld.idx.msk [tilespmem:v52+s17+$0x0], $0xffff;
	v62 =	vmul.f32 v51, v49;
	v5 =	vadd.f32 v58, v5  }
0x1ad: {  	v20 =	vor.u32 $0x13, v2;
	v63 =	vld.idx.msk [tilespmem:v52+s19+$0x0], $0xffff  }
0x1ae: {  	v21 =	vld.idx.msk [tilespmem:v56+s17+$0x0], $0xffff;
	v22 =	vmul.f32 v55, v53;
	v5 =	vadd.f32 v62, v5  }
0x1af: {  	v24 =	vor.u32 $0x14, v2;
	v23 =	vld.idx.msk [tilespmem:v56+s19+$0x0], $0xffff  }
0x1b0: {  	v25 =	vld.idx.msk [tilespmem:v60+s17+$0x0], $0xffff;
	v26 =	vmul.f32 v59, v57;
	v5 =	vadd.f32 v22, v5  }
0x1b1: {  	v28 =	vor.u32 $0x15, v2;
	v27 =	vld.idx.msk [tilespmem:v60+s19+$0x0], $0xffff  }
0x1b2: {  	v29 =	vld.idx.msk [tilespmem:v20+s17+$0x0], $0xffff;
	v30 =	vmul.f32 v63, v61;
	v5 =	vadd.f32 v26, v5  }
0x1b3: {  	v32 =	vor.u32 $0x16, v2;
	v31 =	vld.idx.msk [tilespmem:v20+s19+$0x0], $0xffff  }
0x1b4: {  	v33 =	vld.idx.msk [tilespmem:v24+s17+$0x0], $0xffff;
	v34 =	vmul.f32 v23, v21;
	v5 =	vadd.f32 v30, v5  }
0x1b5: {  	v36 =	vor.u32 $0x17, v2;
	v35 =	vld.idx.msk [tilespmem:v24+s19+$0x0], $0xffff  }
0x1b6: {  	v37 =	vld.idx.msk [tilespmem:v28+s17+$0x0], $0xffff;
	v38 =	vmul.f32 v27, v25;
	v5 =	vadd.f32 v34, v5  }
0x1b7: {  	v39 =	vld.idx.msk [tilespmem:v28+s19+$0x0], $0xffff;
	v40 =	vor.u32 $0x18, v2  }
0x1b8: {  	v41 =	vld.idx.msk [tilespmem:v32+s17+$0x0], $0xffff;
	v42 =	vmul.f32 v31, v29;
	v5 =	vadd.f32 v38, v5  }
0x1b9: {  	v43 =	vld.idx.msk [tilespmem:v32+s19+$0x0], $0xffff;
	v44 =	vor.u32 $0x19, v2  }
0x1ba: {  	v45 =	vld.idx.msk [tilespmem:v36+s17+$0x0], $0xffff;
	v46 =	vmul.f32 v35, v33;
	v5 =	vadd.f32 v42, v5  }
0x1bb: {  	v47 =	vld.idx.msk [tilespmem:v36+s19+$0x0], $0xffff;
	v48 =	vor.u32 $0x1A, v2  }
0x1bc: {  	v49 =	vld.idx.msk [tilespmem:v40+s17+$0x0], $0xffff;
	v50 =	vmul.f32 v39, v37;
	v5 =	vadd.f32 v46, v5  }
0x1bd: {  	v52 =	vor.u32 $0x1B, v2;
	v51 =	vld.idx.msk [tilespmem:v40+s19+$0x0], $0xffff  }
0x1be: {  	v53 =	vld.idx.msk [tilespmem:v44+s17+$0x0], $0xffff;
	v54 =	vmul.f32 v43, v41;
	v5 =	vadd.f32 v50, v5  }
0x1bf: {  	v56 =	vor.u32 $0x1C, v2;
	v55 =	vld.idx.msk [tilespmem:v44+s19+$0x0], $0xffff  }
0x1c0: {  	v57 =	vld.idx.msk [tilespmem:v48+s17+$0x0], $0xffff;
	v58 =	vmul.f32 v47, v45;
	v5 =	vadd.f32 v54, v5  }
0x1c1: {  	v60 =	vor.u32 $0x1D, v2;
	v59 =	vld.idx.msk [tilespmem:v48+s19+$0x0], $0xffff  }
0x1c2: {  	v61 =	vld.idx.msk [tilespmem:v52+s17+$0x0], $0xffff;
	v62 =	vmul.f32 v51, v49;
	v5 =	vadd.f32 v58, v5  }
0x1c3: {  	v20 =	vor.u32 $0x1E, v2;
	v63 =	vld.idx.msk [tilespmem:v52+s19+$0x0], $0xffff  }
0x1c4: {  	v21 =	vld.idx.msk [tilespmem:v56+s17+$0x0], $0xffff;
	v22 =	vmul.f32 v55, v53;
	v5 =	vadd.f32 v62, v5  }
0x1c5: {  	v24 =	vor.u32 $0x1F, v2;
	v23 =	vld.idx.msk [tilespmem:v56+s19+$0x0], $0xffff  }
0x1c6: {  	v25 =	vld.idx.msk [tilespmem:v60+s17+$0x0], $0xffff;
	v26 =	vmul.f32 v59, v57;
	v5 =	vadd.f32 v22, v5  }
0x1c7: {  	v27 =	vld.idx.msk [tilespmem:v60+s19+$0x0], $0xffff  }
0x1c8: {  	v28 =	vld.idx.msk [tilespmem:v20+s17+$0x0], $0xffff;
	v29 =	vmul.f32 v63, v61;
	v5 =	vadd.f32 v26, v5  }
0x1c9: {  	v4 =	vand.u32 $0x7F, v4;
	v30 =	vld.idx.msk [tilespmem:v20+s19+$0x0], $0xffff  }
0x1ca: {  	v4 =	vor.u32 v2, v4;
	v31 =	vld.idx.msk [tilespmem:v24+s17+$0x0], $0xffff;
	v32 =	vmul.f32 v23, v21;
	v5 =	vadd.f32 v29, v5  }
0x1cb: {  	v3 =	vand.u32 $0x7F, v3;
	v33 =	vld.idx.msk [tilespmem:v24+s19+$0x0], $0xffff  }
0x1cc: {  	v2 =	vor.u32 v2, v3;
	v3 =	vadd.f32 v32, v5;
	v5 =	vmul.f32 v27, v25;
	_ =	sdelay $0x1  }
0x1cd: {  	v3 =	vadd.f32 v5, v3;
	v5 =	vmul.f32 v30, v28  }
0x1ce: {  	v4 =	vld.idx.msk [tilespmem:v4+s21+$0x0], $0xffff  }
0x1cf: {  	v3 =	vadd.f32 v5, v3;
	v5 =	vmul.f32 v33, v31  }
0x1d0: {  	v2 =	vld.idx.msk [tilespmem:v2+s23+$0x0], $0xffff  }
0x1d1: {  	v3 =	vadd.f32 v5, v3;
	_ =	sdelay $0x1  }
0x1d2: {  	v3 =	vadd.f32 v3, v4  }
0x1d3: {  	s26 =	simm.s32 $0x10  }
0x1d4: {  	v4 =	vmov s26;
	v3 =	vadd.f32 v3, v2  }
0x1d5: {  	v2 =	vshll.u32 v4, $0x7  }
0x1d6: {  	v2 =	vor.u32 v0, v2;
	v3 =	vadd.f32 v3, v1  }
0x1d7: {  	s25 =	simm.s32 $0x10C90  }
0x1d8: {  	s26 =	simm.s32 $0x290;
	v5 =	vor.u32 $0x1, v2;
	[tilespmem:s25+$0x0] =	vst v3  }
0x1d9: {  	s28 =	simm.s32 $0x90;
	v3 =	vld [tilespmem:s26+$0x0]  }
0x1da: {  	v34 =	vor.u32 $0x2, v2;
	v4 =	vld [tilespmem:s28+$0x0]  }
0x1db: {  	v35 =	vld.idx.msk [tilespmem:v2+s17+$0x0], $0xffff  }
0x1dc: {  	v37 =	vor.u32 $0x3, v2;
	v36 =	vld.idx.msk [tilespmem:v2+s19+$0x0], $0xffff  }
0x1dd: {  	v38 =	vld.idx.msk [tilespmem:v5+s17+$0x0], $0xffff  }
0x1de: {  	v39 =	vor.u32 $0x4, v2;
	v5 =	vld.idx.msk [tilespmem:v5+s19+$0x0], $0xffff  }
0x1df: {  	v40 =	vld.idx.msk [tilespmem:v34+s17+$0x0], $0xffff  }
0x1e0: {  	v41 =	vor.u32 $0x5, v2;
	v6 =	vld.idx.msk [tilespmem:v34+s19+$0x0], $0xffff  }
0x1e1: {  	v42 =	vld.idx.msk [tilespmem:v37+s17+$0x0], $0xffff;
	v7 =	vmul.f32 v36, v35  }
0x1e2: {  	v44 =	vor.u32 $0x6, v2;
	v43 =	vld.idx.msk [tilespmem:v37+s19+$0x0], $0xffff  }
0x1e3: {  	v45 =	vld.idx.msk [tilespmem:v39+s17+$0x0], $0xffff;
	v5 =	vmul.f32 v5, v38;
	v7 =	vadd.f32 $0.0e+00, v7  }
0x1e4: {  	v47 =	vor.u32 $0x7, v2;
	v46 =	vld.idx.msk [tilespmem:v39+s19+$0x0], $0xffff  }
0x1e5: {  	v48 =	vld.idx.msk [tilespmem:v41+s17+$0x0], $0xffff;
	v6 =	vmul.f32 v6, v40;
	v5 =	vadd.f32 v5, v7  }
0x1e6: {  	v50 =	vor.u32 $0x8, v2;
	v49 =	vld.idx.msk [tilespmem:v41+s19+$0x0], $0xffff  }
0x1e7: {  	v51 =	vld.idx.msk [tilespmem:v44+s17+$0x0], $0xffff;
	v52 =	vmul.f32 v43, v42;
	v5 =	vadd.f32 v6, v5  }
0x1e8: {  	v54 =	vor.u32 $0x9, v2;
	v53 =	vld.idx.msk [tilespmem:v44+s19+$0x0], $0xffff  }
0x1e9: {  	v55 =	vld.idx.msk [tilespmem:v47+s17+$0x0], $0xffff;
	v56 =	vmul.f32 v46, v45;
	v5 =	vadd.f32 v52, v5  }
0x1ea: {  	v58 =	vor.u32 $0xA, v2;
	v57 =	vld.idx.msk [tilespmem:v47+s19+$0x0], $0xffff  }
0x1eb: {  	v59 =	vld.idx.msk [tilespmem:v50+s17+$0x0], $0xffff;
	v60 =	vmul.f32 v49, v48;
	v5 =	vadd.f32 v56, v5  }
0x1ec: {  	v62 =	vor.u32 $0xB, v2;
	v61 =	vld.idx.msk [tilespmem:v50+s19+$0x0], $0xffff  }
0x1ed: {  	v63 =	vld.idx.msk [tilespmem:v54+s17+$0x0], $0xffff;
	v20 =	vmul.f32 v53, v51;
	v5 =	vadd.f32 v60, v5  }
0x1ee: {  	v22 =	vor.u32 $0xC, v2;
	v21 =	vld.idx.msk [tilespmem:v54+s19+$0x0], $0xffff  }
0x1ef: {  	v23 =	vld.idx.msk [tilespmem:v58+s17+$0x0], $0xffff;
	v24 =	vmul.f32 v57, v55;
	v5 =	vadd.f32 v20, v5  }
0x1f0: {  	v26 =	vor.u32 $0xD, v2;
	v25 =	vld.idx.msk [tilespmem:v58+s19+$0x0], $0xffff  }
0x1f1: {  	v27 =	vld.idx.msk [tilespmem:v62+s17+$0x0], $0xffff;
	v28 =	vmul.f32 v61, v59;
	v5 =	vadd.f32 v24, v5  }
0x1f2: {  	v30 =	vor.u32 $0xE, v2;
	v29 =	vld.idx.msk [tilespmem:v62+s19+$0x0], $0xffff  }
0x1f3: {  	v31 =	vld.idx.msk [tilespmem:v22+s17+$0x0], $0xffff;
	v32 =	vmul.f32 v21, v63;
	v5 =	vadd.f32 v28, v5  }
0x1f4: {  	v33 =	vld.idx.msk [tilespmem:v22+s19+$0x0], $0xffff;
	v34 =	vor.u32 $0xF, v2  }
0x1f5: {  	v37 =	vld.idx.msk [tilespmem:v26+s19+$0x0], $0xffff;
	v36 =	vmul.f32 v25, v23;
	v5 =	vadd.f32 v32, v5  }
0x1f6: {  	v35 =	vld.idx.msk [tilespmem:v26+s17+$0x0], $0xffff;
	v38 =	vor.u32 $0x10, v2  }
0x1f7: {  	v39 =	vld.idx.msk [tilespmem:v30+s17+$0x0], $0xffff;
	v40 =	vmul.f32 v29, v27;
	v5 =	vadd.f32 v36, v5  }
0x1f8: {  	v41 =	vld.idx.msk [tilespmem:v30+s19+$0x0], $0xffff;
	v42 =	vor.u32 $0x11, v2  }
0x1f9: {  	v43 =	vld.idx.msk [tilespmem:v34+s17+$0x0], $0xffff;
	v44 =	vmul.f32 v33, v31;
	v5 =	vadd.f32 v40, v5  }
0x1fa: {  	v45 =	vld.idx.msk [tilespmem:v34+s19+$0x0], $0xffff;
	v46 =	vor.u32 $0x12, v2  }
0x1fb: {  	v48 =	vmul.f32 v37, v35;
	v47 =	vld.idx.msk [tilespmem:v38+s17+$0x0], $0xffff;
	v5 =	vadd.f32 v44, v5  }
0x1fc: {  	v50 =	vor.u32 $0x13, v2;
	v49 =	vld.idx.msk [tilespmem:v38+s19+$0x0], $0xffff  }
0x1fd: {  	v51 =	vld.idx.msk [tilespmem:v42+s17+$0x0], $0xffff;
	v52 =	vmul.f32 v41, v39;
	v5 =	vadd.f32 v48, v5  }
0x1fe: {  	v54 =	vor.u32 $0x14, v2;
	v53 =	vld.idx.msk [tilespmem:v42+s19+$0x0], $0xffff  }
0x1ff: {  	v55 =	vld.idx.msk [tilespmem:v46+s17+$0x0], $0xffff;
	v56 =	vmul.f32 v45, v43;
	v5 =	vadd.f32 v52, v5  }
0x200: {  	v58 =	vor.u32 $0x15, v2;
	v57 =	vld.idx.msk [tilespmem:v46+s19+$0x0], $0xffff  }
0x201: {  	v59 =	vld.idx.msk [tilespmem:v50+s17+$0x0], $0xffff;
	v60 =	vmul.f32 v49, v47;
	v5 =	vadd.f32 v56, v5  }
0x202: {  	v62 =	vor.u32 $0x16, v2;
	v61 =	vld.idx.msk [tilespmem:v50+s19+$0x0], $0xffff  }
0x203: {  	v63 =	vld.idx.msk [tilespmem:v54+s17+$0x0], $0xffff;
	v20 =	vmul.f32 v53, v51;
	v5 =	vadd.f32 v60, v5  }
0x204: {  	v22 =	vor.u32 $0x17, v2;
	v21 =	vld.idx.msk [tilespmem:v54+s19+$0x0], $0xffff  }
0x205: {  	v23 =	vld.idx.msk [tilespmem:v58+s17+$0x0], $0xffff;
	v24 =	vmul.f32 v57, v55;
	v5 =	vadd.f32 v20, v5  }
0x206: {  	v26 =	vor.u32 $0x18, v2;
	v25 =	vld.idx.msk [tilespmem:v58+s19+$0x0], $0xffff  }
0x207: {  	v27 =	vld.idx.msk [tilespmem:v62+s17+$0x0], $0xffff;
	v28 =	vmul.f32 v61, v59;
	v5 =	vadd.f32 v24, v5  }
0x208: {  	v30 =	vor.u32 $0x19, v2;
	v29 =	vld.idx.msk [tilespmem:v62+s19+$0x0], $0xffff  }
0x209: {  	v31 =	vld.idx.msk [tilespmem:v22+s17+$0x0], $0xffff;
	v32 =	vmul.f32 v21, v63;
	v5 =	vadd.f32 v28, v5  }
0x20a: {  	v33 =	vld.idx.msk [tilespmem:v22+s19+$0x0], $0xffff;
	v34 =	vor.u32 $0x1A, v2  }
0x20b: {  	v35 =	vld.idx.msk [tilespmem:v26+s17+$0x0], $0xffff;
	v36 =	vmul.f32 v25, v23;
	v5 =	vadd.f32 v32, v5  }
0x20c: {  	v37 =	vld.idx.msk [tilespmem:v26+s19+$0x0], $0xffff;
	v38 =	vor.u32 $0x1B, v2  }
0x20d: {  	v39 =	vld.idx.msk [tilespmem:v30+s17+$0x0], $0xffff;
	v40 =	vmul.f32 v29, v27;
	v5 =	vadd.f32 v36, v5  }
0x20e: {  	v42 =	vor.u32 $0x1C, v2;
	v41 =	vld.idx.msk [tilespmem:v30+s19+$0x0], $0xffff  }
0x20f: {  	v43 =	vld.idx.msk [tilespmem:v34+s17+$0x0], $0xffff;
	v44 =	vmul.f32 v33, v31;
	v5 =	vadd.f32 v40, v5  }
0x210: {  	v46 =	vor.u32 $0x1D, v2;
	v45 =	vld.idx.msk [tilespmem:v34+s19+$0x0], $0xffff  }
0x211: {  	v47 =	vld.idx.msk [tilespmem:v38+s17+$0x0], $0xffff;
	v48 =	vmul.f32 v37, v35;
	v5 =	vadd.f32 v44, v5  }
0x212: {  	v50 =	vor.u32 $0x1E, v2;
	v49 =	vld.idx.msk [tilespmem:v38+s19+$0x0], $0xffff  }
0x213: {  	v51 =	vld.idx.msk [tilespmem:v42+s17+$0x0], $0xffff;
	v52 =	vmul.f32 v41, v39;
	v5 =	vadd.f32 v48, v5  }
0x214: {  	v54 =	vor.u32 $0x1F, v2;
	v53 =	vld.idx.msk [tilespmem:v42+s19+$0x0], $0xffff  }
0x215: {  	v55 =	vld.idx.msk [tilespmem:v46+s17+$0x0], $0xffff;
	v56 =	vmul.f32 v45, v43;
	v5 =	vadd.f32 v52, v5  }
0x216: {  	v57 =	vld.idx.msk [tilespmem:v46+s19+$0x0], $0xffff  }
0x217: {  	v58 =	vld.idx.msk [tilespmem:v50+s17+$0x0], $0xffff;
	v59 =	vmul.f32 v49, v47;
	v5 =	vadd.f32 v56, v5  }
0x218: {  	v4 =	vand.u32 $0x7F, v4;
	v60 =	vld.idx.msk [tilespmem:v50+s19+$0x0], $0xffff  }
0x219: {  	v4 =	vor.u32 v2, v4;
	v61 =	vld.idx.msk [tilespmem:v54+s17+$0x0], $0xffff;
	v62 =	vmul.f32 v53, v51;
	v5 =	vadd.f32 v59, v5  }
0x21a: {  	v3 =	vand.u32 $0x7F, v3;
	v63 =	vld.idx.msk [tilespmem:v54+s19+$0x0], $0xffff  }
0x21b: {  	v2 =	vor.u32 v2, v3;
	v3 =	vadd.f32 v62, v5;
	v5 =	vmul.f32 v57, v55;
	_ =	sdelay $0x1  }
0x21c: {  	v3 =	vadd.f32 v5, v3;
	v5 =	vmul.f32 v60, v58  }
0x21d: {  	v4 =	vld.idx.msk [tilespmem:v4+s21+$0x0], $0xffff  }
0x21e: {  	v3 =	vadd.f32 v5, v3;
	v5 =	vmul.f32 v63, v61  }
0x21f: {  	v2 =	vld.idx.msk [tilespmem:v2+s23+$0x0], $0xffff  }
0x220: {  	v3 =	vadd.f32 v5, v3;
	_ =	sdelay $0x1  }
0x221: {  	v3 =	vadd.f32 v3, v4  }
0x222: {  	s29 =	simm.s32 $0x20  }
0x223: {  	v4 =	vmov s29;
	v3 =	vadd.f32 v3, v2  }
0x224: {  	s29 =	simm.s32 $0x30;
	v2 =	vshll.u32 v4, $0x7  }
.LBB2_6:
0x225: {  	p0 =	sne.s32 s29, $0x70;
	v2 =	vor.u32 v0, v2;
	v3 =	vadd.f32 v3, v1  }
0x226: {  	s25 =	sadd.s32 $0x10, s25  }
0x227: {  	s26 =	sadd.s32 $0x10, s26;
	v5 =	vor.u32 $0x1, v2;
	[tilespmem:s25+$0x0] =	vst v3  }
0x228: {  	s28 =	sadd.s32 $0x10, s28;
	v3 =	vld [tilespmem:s26+$0x0]  }
0x229: {  	v6 =	vor.u32 $0x2, v2;
	v4 =	vld [tilespmem:s28+$0x0]  }
0x22a: {  	v7 =	vld.idx.msk [tilespmem:v2+s17+$0x0], $0xffff  }
0x22b: {  	v9 =	vor.u32 $0x3, v2;
	v8 =	vld.idx.msk [tilespmem:v2+s19+$0x0], $0xffff  }
0x22c: {  	v10 =	vld.idx.msk [tilespmem:v5+s17+$0x0], $0xffff  }
0x22d: {  	v11 =	vor.u32 $0x4, v2;
	v5 =	vld.idx.msk [tilespmem:v5+s19+$0x0], $0xffff  }
0x22e: {  	v12 =	vld.idx.msk [tilespmem:v6+s17+$0x0], $0xffff  }
0x22f: {  	v13 =	vor.u32 $0x5, v2;
	v6 =	vld.idx.msk [tilespmem:v6+s19+$0x0], $0xffff  }
0x230: {  	v14 =	vld.idx.msk [tilespmem:v9+s17+$0x0], $0xffff  }
0x231: {  	v7 =	vmul.f32 v8, v7;
	v8 =	vld.idx.msk [tilespmem:v9+s19+$0x0], $0xffff;
	v9 =	vor.u32 $0x6, v2  }
0x232: {  	v15 =	vld.idx.msk [tilespmem:v11+s17+$0x0], $0xffff  }
0x233: {  	v7 =	vadd.f32 $0.0e+00, v7;
	v5 =	vmul.f32 v5, v10;
	v10 =	vld.idx.msk [tilespmem:v11+s19+$0x0], $0xffff;
	v11 =	vor.u32 $0x7, v2  }
0x234: {  	v16 =	vld.idx.msk [tilespmem:v13+s17+$0x0], $0xffff  }
0x235: {  	v5 =	vadd.f32 v5, v7;
	v6 =	vmul.f32 v6, v12;
	v12 =	vor.u32 $0x8, v2;
	v7 =	vld.idx.msk [tilespmem:v13+s19+$0x0], $0xffff  }
0x236: {  	v13 =	vld.idx.msk [tilespmem:v9+s17+$0x0], $0xffff  }
0x237: {  	v5 =	vadd.f32 v6, v5;
	v6 =	vmul.f32 v8, v14;
	v8 =	vld.idx.msk [tilespmem:v9+s19+$0x0], $0xffff;
	v9 =	vor.u32 $0x9, v2  }
0x238: {  	v14 =	vld.idx.msk [tilespmem:v11+s17+$0x0], $0xffff  }
0x239: {  	v5 =	vadd.f32 v6, v5;
	v6 =	vmul.f32 v10, v15;
	v10 =	vld.idx.msk [tilespmem:v11+s19+$0x0], $0xffff;
	v11 =	vor.u32 $0xA, v2  }
0x23a: {  	v15 =	vld.idx.msk [tilespmem:v12+s17+$0x0], $0xffff  }
0x23b: {  	v5 =	vadd.f32 v6, v5;
	v6 =	vmul.f32 v7, v16;
	v7 =	vld.idx.msk [tilespmem:v12+s19+$0x0], $0xffff;
	v12 =	vor.u32 $0xB, v2  }
0x23c: {  	v16 =	vld.idx.msk [tilespmem:v9+s17+$0x0], $0xffff  }
0x23d: {  	v5 =	vadd.f32 v6, v5;
	v6 =	vmul.f32 v8, v13;
	v8 =	vld.idx.msk [tilespmem:v9+s19+$0x0], $0xffff;
	v9 =	vor.u32 $0xC, v2  }
0x23e: {  	v13 =	vld.idx.msk [tilespmem:v11+s17+$0x0], $0xffff  }
0x23f: {  	v5 =	vadd.f32 v6, v5;
	v6 =	vmul.f32 v10, v14;
	v10 =	vld.idx.msk [tilespmem:v11+s19+$0x0], $0xffff;
	v11 =	vor.u32 $0xD, v2  }
0x240: {  	v14 =	vld.idx.msk [tilespmem:v12+s17+$0x0], $0xffff  }
0x241: {  	v5 =	vadd.f32 v6, v5;
	v6 =	vmul.f32 v7, v15;
	v7 =	vld.idx.msk [tilespmem:v12+s19+$0x0], $0xffff;
	v12 =	vor.u32 $0xE, v2  }
0x242: {  	v15 =	vld.idx.msk [tilespmem:v9+s17+$0x0], $0xffff  }
0x243: {  	v5 =	vadd.f32 v6, v5;
	v6 =	vmul.f32 v8, v16;
	v8 =	vld.idx.msk [tilespmem:v9+s19+$0x0], $0xffff;
	v9 =	vor.u32 $0xF, v2  }
0x244: {  	v16 =	vld.idx.msk [tilespmem:v11+s17+$0x0], $0xffff  }
0x245: {  	v5 =	vadd.f32 v6, v5;
	v6 =	vmul.f32 v10, v13;
	v10 =	vld.idx.msk [tilespmem:v11+s19+$0x0], $0xffff;
	v11 =	vor.u32 $0x10, v2  }
0x246: {  	v13 =	vld.idx.msk [tilespmem:v12+s17+$0x0], $0xffff  }
0x247: {  	v5 =	vadd.f32 v6, v5;
	v6 =	vmul.f32 v7, v14;
	v7 =	vld.idx.msk [tilespmem:v12+s19+$0x0], $0xffff;
	v12 =	vor.u32 $0x11, v2  }
0x248: {  	v14 =	vld.idx.msk [tilespmem:v9+s17+$0x0], $0xffff  }
0x249: {  	v5 =	vadd.f32 v6, v5;
	v6 =	vmul.f32 v8, v15;
	v8 =	vld.idx.msk [tilespmem:v9+s19+$0x0], $0xffff;
	v9 =	vor.u32 $0x12, v2  }
0x24a: {  	v15 =	vld.idx.msk [tilespmem:v11+s17+$0x0], $0xffff  }
0x24b: {  	v5 =	vadd.f32 v6, v5;
	v6 =	vmul.f32 v10, v16;
	v10 =	vld.idx.msk [tilespmem:v11+s19+$0x0], $0xffff;
	v11 =	vor.u32 $0x13, v2  }
0x24c: {  	v16 =	vld.idx.msk [tilespmem:v12+s17+$0x0], $0xffff  }
0x24d: {  	v5 =	vadd.f32 v6, v5;
	v6 =	vmul.f32 v7, v13;
	v7 =	vld.idx.msk [tilespmem:v12+s19+$0x0], $0xffff;
	v12 =	vor.u32 $0x14, v2  }
0x24e: {  	v13 =	vld.idx.msk [tilespmem:v9+s17+$0x0], $0xffff  }
0x24f: {  	v5 =	vadd.f32 v6, v5;
	v6 =	vmul.f32 v8, v14;
	v8 =	vld.idx.msk [tilespmem:v9+s19+$0x0], $0xffff;
	v9 =	vor.u32 $0x15, v2  }
0x250: {  	v14 =	vld.idx.msk [tilespmem:v11+s17+$0x0], $0xffff  }
0x251: {  	v5 =	vadd.f32 v6, v5;
	v6 =	vmul.f32 v10, v15;
	v10 =	vld.idx.msk [tilespmem:v11+s19+$0x0], $0xffff;
	v11 =	vor.u32 $0x16, v2  }
0x252: {  	v15 =	vld.idx.msk [tilespmem:v12+s17+$0x0], $0xffff  }
0x253: {  	v5 =	vadd.f32 v6, v5;
	v6 =	vmul.f32 v7, v16;
	v7 =	vld.idx.msk [tilespmem:v12+s19+$0x0], $0xffff;
	v12 =	vor.u32 $0x17, v2  }
0x254: {  	v16 =	vld.idx.msk [tilespmem:v9+s17+$0x0], $0xffff  }
0x255: {  	v5 =	vadd.f32 v6, v5;
	v6 =	vmul.f32 v8, v13;
	v8 =	vld.idx.msk [tilespmem:v9+s19+$0x0], $0xffff;
	v9 =	vor.u32 $0x18, v2  }
0x256: {  	v13 =	vld.idx.msk [tilespmem:v11+s17+$0x0], $0xffff  }
0x257: {  	v5 =	vadd.f32 v6, v5;
	v6 =	vmul.f32 v10, v14;
	v10 =	vld.idx.msk [tilespmem:v11+s19+$0x0], $0xffff;
	v11 =	vor.u32 $0x19, v2  }
0x258: {  	v14 =	vld.idx.msk [tilespmem:v12+s17+$0x0], $0xffff  }
0x259: {  	v5 =	vadd.f32 v6, v5;
	v6 =	vmul.f32 v7, v15;
	v7 =	vld.idx.msk [tilespmem:v12+s19+$0x0], $0xffff;
	v12 =	vor.u32 $0x1A, v2  }
0x25a: {  	v15 =	vld.idx.msk [tilespmem:v9+s17+$0x0], $0xffff  }
0x25b: {  	v5 =	vadd.f32 v6, v5;
	v6 =	vmul.f32 v8, v16;
	v8 =	vld.idx.msk [tilespmem:v9+s19+$0x0], $0xffff;
	v9 =	vor.u32 $0x1B, v2  }
0x25c: {  	v16 =	vld.idx.msk [tilespmem:v11+s17+$0x0], $0xffff  }
0x25d: {  	v5 =	vadd.f32 v6, v5;
	v6 =	vmul.f32 v10, v13;
	v10 =	vld.idx.msk [tilespmem:v11+s19+$0x0], $0xffff;
	v11 =	vor.u32 $0x1C, v2  }
0x25e: {  	v13 =	vld.idx.msk [tilespmem:v12+s17+$0x0], $0xffff  }
0x25f: {  	v5 =	vadd.f32 v6, v5;
	v6 =	vmul.f32 v7, v14;
	v7 =	vld.idx.msk [tilespmem:v12+s19+$0x0], $0xffff;
	v12 =	vor.u32 $0x1D, v2  }
0x260: {  	v14 =	vld.idx.msk [tilespmem:v9+s17+$0x0], $0xffff  }
0x261: {  	v5 =	vadd.f32 v6, v5;
	v6 =	vmul.f32 v8, v15;
	v8 =	vld.idx.msk [tilespmem:v9+s19+$0x0], $0xffff;
	v9 =	vor.u32 $0x1E, v2  }
0x262: {  	v15 =	vld.idx.msk [tilespmem:v11+s17+$0x0], $0xffff  }
0x263: {  	v5 =	vadd.f32 v6, v5;
	v6 =	vmul.f32 v10, v16;
	v10 =	vld.idx.msk [tilespmem:v11+s19+$0x0], $0xffff;
	v11 =	vor.u32 $0x1F, v2  }
0x264: {  	v16 =	vld.idx.msk [tilespmem:v12+s17+$0x0], $0xffff  }
0x265: {  	v5 =	vadd.f32 v6, v5;
	v6 =	vmul.f32 v7, v13;
	v7 =	vld.idx.msk [tilespmem:v12+s19+$0x0], $0xffff  }
0x266: {  	v12 =	vld.idx.msk [tilespmem:v9+s17+$0x0], $0xffff  }
0x267: {  	v4 =	vand.u32 $0x7F, v4;
	v5 =	vadd.f32 v6, v5;
	v6 =	vmul.f32 v8, v14;
	v8 =	vld.idx.msk [tilespmem:v9+s19+$0x0], $0xffff  }
0x268: {  	v4 =	vor.u32 v2, v4;
	v9 =	vld.idx.msk [tilespmem:v11+s17+$0x0], $0xffff  }
0x269: {  	v3 =	vand.u32 $0x7F, v3;
	v5 =	vadd.f32 v6, v5;
	v6 =	vmul.f32 v10, v15;
	v10 =	vld.idx.msk [tilespmem:v11+s19+$0x0], $0xffff  }
0x26a: {  	v2 =	vor.u32 v2, v3  }
0x26b: {  	v3 =	vadd.f32 v6, v5;
	v5 =	vmul.f32 v7, v16;
	_ =	sdelay $0x1  }
0x26c: {  	v3 =	vadd.f32 v5, v3;
	v5 =	vmul.f32 v8, v12;
	v4 =	vld.idx.msk [tilespmem:v4+s21+$0x0], $0xffff;
	_ =	sdelay $0x1  }
0x26d: {  	v3 =	vadd.f32 v5, v3;
	v5 =	vmul.f32 v10, v9;
	v2 =	vld.idx.msk [tilespmem:v2+s23+$0x0], $0xffff;
	_ =	sdelay $0x1  }
0x26e: {  	v3 =	vadd.f32 v5, v3  }
.Ltmp2:
0x26f: {  	(pc) =	sbr.rel @p0 .LBB2_6-.Ltmp2, $3  }
0x270: {  	v3 =	vadd.f32 v3, v4;
	_ =	sdelay $0x1  }
0x271: {  	v4 =	vmov s29;
	v3 =	vadd.f32 v3, v2  }
0x272: {  	s29 =	sadd.s32 $0x10, s29;
	v2 =	vshll.u32 v4, $0x7  }
0x273: {  	v2 =	vor.u32 v0, v2;
	v3 =	vadd.f32 v3, v1  }
0x274: {  	s25 =	sadd.s32 $0x10, s25  }
0x275: {  	s26 =	sadd.s32 $0x10, s26;
	v5 =	vor.u32 $0x1, v2;
	[tilespmem:s25+$0x0] =	vst v3  }
0x276: {  	v3 =	vld [tilespmem:s26+$0x0];
	s26 =	sadd.s32 $0x10, s28  }
0x277: {  	v6 =	vor.u32 $0x2, v2;
	v4 =	vld [tilespmem:s26+$0x0]  }
0x278: {  	v7 =	vld.idx.msk [tilespmem:v2+s17+$0x0], $0xffff  }
0x279: {  	v9 =	vor.u32 $0x3, v2;
	v8 =	vld.idx.msk [tilespmem:v2+s19+$0x0], $0xffff  }
0x27a: {  	v10 =	vld.idx.msk [tilespmem:v5+s17+$0x0], $0xffff  }
0x27b: {  	v11 =	vor.u32 $0x4, v2;
	v5 =	vld.idx.msk [tilespmem:v5+s19+$0x0], $0xffff  }
0x27c: {  	v12 =	vld.idx.msk [tilespmem:v6+s17+$0x0], $0xffff  }
0x27d: {  	v13 =	vor.u32 $0x5, v2;
	v6 =	vld.idx.msk [tilespmem:v6+s19+$0x0], $0xffff  }
0x27e: {  	v14 =	vld.idx.msk [tilespmem:v9+s17+$0x0], $0xffff;
	v7 =	vmul.f32 v8, v7  }
0x27f: {  	v31 =	vor.u32 $0x6, v2;
	v30 =	vld.idx.msk [tilespmem:v9+s19+$0x0], $0xffff  }
0x280: {  	v15 =	vld.idx.msk [tilespmem:v11+s17+$0x0], $0xffff;
	v5 =	vmul.f32 v5, v10;
	v7 =	vadd.f32 $0.0e+00, v7  }
0x281: {  	v33 =	vor.u32 $0x7, v2;
	v32 =	vld.idx.msk [tilespmem:v11+s19+$0x0], $0xffff  }
0x282: {  	v16 =	vld.idx.msk [tilespmem:v13+s17+$0x0], $0xffff;
	v6 =	vmul.f32 v6, v12;
	v5 =	vadd.f32 v5, v7  }
0x283: {  	v35 =	vor.u32 $0x8, v2;
	v34 =	vld.idx.msk [tilespmem:v13+s19+$0x0], $0xffff  }
0x284: {  	v36 =	vld.idx.msk [tilespmem:v31+s17+$0x0], $0xffff;
	v37 =	vmul.f32 v30, v14;
	v5 =	vadd.f32 v6, v5  }
0x285: {  	v39 =	vor.u32 $0x9, v2;
	v38 =	vld.idx.msk [tilespmem:v31+s19+$0x0], $0xffff  }
0x286: {  	v40 =	vld.idx.msk [tilespmem:v33+s17+$0x0], $0xffff;
	v41 =	vmul.f32 v32, v15;
	v5 =	vadd.f32 v37, v5  }
0x287: {  	v43 =	vor.u32 $0xA, v2;
	v42 =	vld.idx.msk [tilespmem:v33+s19+$0x0], $0xffff  }
0x288: {  	v44 =	vld.idx.msk [tilespmem:v35+s17+$0x0], $0xffff;
	v45 =	vmul.f32 v34, v16;
	v5 =	vadd.f32 v41, v5  }
0x289: {  	v47 =	vor.u32 $0xB, v2;
	v46 =	vld.idx.msk [tilespmem:v35+s19+$0x0], $0xffff  }
0x28a: {  	v48 =	vld.idx.msk [tilespmem:v39+s17+$0x0], $0xffff;
	v49 =	vmul.f32 v38, v36;
	v5 =	vadd.f32 v45, v5  }
0x28b: {  	v51 =	vor.u32 $0xC, v2;
	v50 =	vld.idx.msk [tilespmem:v39+s19+$0x0], $0xffff  }
0x28c: {  	v52 =	vld.idx.msk [tilespmem:v43+s17+$0x0], $0xffff;
	v53 =	vmul.f32 v42, v40;
	v5 =	vadd.f32 v49, v5  }
0x28d: {  	v55 =	vor.u32 $0xD, v2;
	v54 =	vld.idx.msk [tilespmem:v43+s19+$0x0], $0xffff  }
0x28e: {  	v56 =	vld.idx.msk [tilespmem:v47+s17+$0x0], $0xffff;
	v57 =	vmul.f32 v46, v44;
	v5 =	vadd.f32 v53, v5  }
0x28f: {  	v59 =	vor.u32 $0xE, v2;
	v58 =	vld.idx.msk [tilespmem:v47+s19+$0x0], $0xffff  }
0x290: {  	v60 =	vld.idx.msk [tilespmem:v51+s17+$0x0], $0xffff;
	v61 =	vmul.f32 v50, v48;
	v5 =	vadd.f32 v57, v5  }
0x291: {  	v63 =	vor.u32 $0xF, v2;
	v62 =	vld.idx.msk [tilespmem:v51+s19+$0x0], $0xffff  }
0x292: {  	v20 =	vld.idx.msk [tilespmem:v55+s17+$0x0], $0xffff;
	v21 =	vmul.f32 v54, v52;
	v5 =	vadd.f32 v61, v5  }
0x293: {  	v23 =	vor.u32 $0x10, v2;
	v22 =	vld.idx.msk [tilespmem:v55+s19+$0x0], $0xffff  }
0x294: {  	v24 =	vld.idx.msk [tilespmem:v59+s17+$0x0], $0xffff;
	v25 =	vmul.f32 v58, v56;
	v5 =	vadd.f32 v21, v5  }
0x295: {  	v27 =	vor.u32 $0x11, v2;
	v26 =	vld.idx.msk [tilespmem:v59+s19+$0x0], $0xffff  }
0x296: {  	v28 =	vld.idx.msk [tilespmem:v63+s17+$0x0], $0xffff;
	v29 =	vmul.f32 v62, v60;
	v5 =	vadd.f32 v25, v5  }
0x297: {  	v31 =	vor.u32 $0x12, v2;
	v30 =	vld.idx.msk [tilespmem:v63+s19+$0x0], $0xffff  }
0x298: {  	v32 =	vld.idx.msk [tilespmem:v23+s17+$0x0], $0xffff;
	v33 =	vmul.f32 v22, v20;
	v5 =	vadd.f32 v29, v5  }
0x299: {  	v35 =	vor.u32 $0x13, v2;
	v34 =	vld.idx.msk [tilespmem:v23+s19+$0x0], $0xffff  }
0x29a: {  	v36 =	vld.idx.msk [tilespmem:v27+s17+$0x0], $0xffff;
	v37 =	vmul.f32 v26, v24;
	v5 =	vadd.f32 v33, v5  }
0x29b: {  	v39 =	vor.u32 $0x14, v2;
	v38 =	vld.idx.msk [tilespmem:v27+s19+$0x0], $0xffff  }
0x29c: {  	v40 =	vld.idx.msk [tilespmem:v31+s17+$0x0], $0xffff;
	v41 =	vmul.f32 v30, v28;
	v5 =	vadd.f32 v37, v5  }
0x29d: {  	v43 =	vor.u32 $0x15, v2;
	v42 =	vld.idx.msk [tilespmem:v31+s19+$0x0], $0xffff  }
0x29e: {  	v44 =	vld.idx.msk [tilespmem:v35+s17+$0x0], $0xffff;
	v45 =	vmul.f32 v34, v32;
	v5 =	vadd.f32 v41, v5  }
0x29f: {  	v47 =	vor.u32 $0x16, v2;
	v46 =	vld.idx.msk [tilespmem:v35+s19+$0x0], $0xffff  }
0x2a0: {  	v48 =	vld.idx.msk [tilespmem:v39+s17+$0x0], $0xffff;
	v49 =	vmul.f32 v38, v36;
	v5 =	vadd.f32 v45, v5  }
0x2a1: {  	v51 =	vor.u32 $0x17, v2;
	v50 =	vld.idx.msk [tilespmem:v39+s19+$0x0], $0xffff  }
0x2a2: {  	v52 =	vld.idx.msk [tilespmem:v43+s17+$0x0], $0xffff;
	v53 =	vmul.f32 v42, v40;
	v5 =	vadd.f32 v49, v5  }
0x2a3: {  	v55 =	vor.u32 $0x18, v2;
	v54 =	vld.idx.msk [tilespmem:v43+s19+$0x0], $0xffff  }
0x2a4: {  	v56 =	vld.idx.msk [tilespmem:v47+s17+$0x0], $0xffff;
	v57 =	vmul.f32 v46, v44;
	v5 =	vadd.f32 v53, v5  }
0x2a5: {  	v59 =	vor.u32 $0x19, v2;
	v58 =	vld.idx.msk [tilespmem:v47+s19+$0x0], $0xffff  }
0x2a6: {  	v60 =	vld.idx.msk [tilespmem:v51+s17+$0x0], $0xffff;
	v61 =	vmul.f32 v50, v48;
	v5 =	vadd.f32 v57, v5  }
0x2a7: {  	v62 =	vld.idx.msk [tilespmem:v51+s19+$0x0], $0xffff;
	v63 =	vor.u32 $0x1A, v2  }
0x2a8: {  	v20 =	vld.idx.msk [tilespmem:v55+s17+$0x0], $0xffff;
	v21 =	vmul.f32 v54, v52;
	v5 =	vadd.f32 v61, v5  }
0x2a9: {  	v22 =	vld.idx.msk [tilespmem:v55+s19+$0x0], $0xffff;
	v23 =	vor.u32 $0x1B, v2  }
0x2aa: {  	v24 =	vld.idx.msk [tilespmem:v59+s17+$0x0], $0xffff;
	v25 =	vmul.f32 v58, v56;
	v5 =	vadd.f32 v21, v5  }
0x2ab: {  	v27 =	vor.u32 $0x1C, v2;
	v26 =	vld.idx.msk [tilespmem:v59+s19+$0x0], $0xffff  }
0x2ac: {  	v28 =	vld.idx.msk [tilespmem:v63+s17+$0x0], $0xffff;
	v29 =	vmul.f32 v62, v60;
	v5 =	vadd.f32 v25, v5  }
0x2ad: {  	v31 =	vor.u32 $0x1D, v2;
	v30 =	vld.idx.msk [tilespmem:v63+s19+$0x0], $0xffff  }
0x2ae: {  	v32 =	vld.idx.msk [tilespmem:v23+s17+$0x0], $0xffff;
	v33 =	vmul.f32 v22, v20;
	v5 =	vadd.f32 v29, v5  }
0x2af: {  	v35 =	vor.u32 $0x1E, v2;
	v34 =	vld.idx.msk [tilespmem:v23+s19+$0x0], $0xffff  }
0x2b0: {  	v36 =	vld.idx.msk [tilespmem:v27+s17+$0x0], $0xffff;
	v37 =	vmul.f32 v26, v24;
	v5 =	vadd.f32 v33, v5  }
0x2b1: {  	v39 =	vor.u32 $0x1F, v2;
	v38 =	vld.idx.msk [tilespmem:v27+s19+$0x0], $0xffff  }
0x2b2: {  	v40 =	vld.idx.msk [tilespmem:v31+s17+$0x0], $0xffff;
	v41 =	vmul.f32 v30, v28;
	v5 =	vadd.f32 v37, v5  }
0x2b3: {  	v42 =	vld.idx.msk [tilespmem:v31+s19+$0x0], $0xffff  }
0x2b4: {  	v43 =	vld.idx.msk [tilespmem:v35+s17+$0x0], $0xffff;
	v44 =	vmul.f32 v34, v32;
	v5 =	vadd.f32 v41, v5  }
0x2b5: {  	v4 =	vand.u32 $0x7F, v4;
	v45 =	vld.idx.msk [tilespmem:v35+s19+$0x0], $0xffff  }
0x2b6: {  	v4 =	vor.u32 v2, v4;
	v46 =	vld.idx.msk [tilespmem:v39+s17+$0x0], $0xffff;
	v47 =	vmul.f32 v38, v36;
	v5 =	vadd.f32 v44, v5  }
0x2b7: {  	v3 =	vand.u32 $0x7F, v3;
	v48 =	vld.idx.msk [tilespmem:v39+s19+$0x0], $0xffff  }
0x2b8: {  	v2 =	vor.u32 v2, v3;
	v3 =	vadd.f32 v47, v5;
	v5 =	vmul.f32 v42, v40;
	_ =	sdelay $0x1  }
0x2b9: {  	v3 =	vadd.f32 v5, v3;
	v5 =	vmul.f32 v45, v43  }
0x2ba: {  	v4 =	vld.idx.msk [tilespmem:v4+s21+$0x0], $0xffff  }
0x2bb: {  	v3 =	vadd.f32 v5, v3;
	v5 =	vmul.f32 v48, v46  }
0x2bc: {  	v2 =	vld.idx.msk [tilespmem:v2+s23+$0x0], $0xffff  }
0x2bd: {  	v3 =	vadd.f32 v5, v3;
	_ =	sdelay $0x1  }
0x2be: {  	v3 =	vadd.f32 v3, v4;
	_ =	sdelay $0x1  }
0x2bf: {  	v2 =	vadd.f32 v3, v2;
	_ =	sdelay $0x1  }
0x2c0: {  	v2 =	vadd.f32 v2, v1  }
0x2c1: {  	s25 =	sadd.s32 $0x10, s25  }
0x2c2: {  	[tilespmem:s25+$0x0] =	vst v2  }
0x2c3: {  	[tilespmem:s17], [sflag:$0x1] =	stream.indirect.gather [hbm4b:s4+s15], $0x80, s30, s15, $0xb8;
	[tilespmem:$0x10E10] =	vst v63  }
0x2c4: {  	_ = 	snop  }
0x2c5: {  	[tilespmem:s19], [sflag:$0x1] =	stream.indirect.gather [hbm4b:s5+s15], $0x80, s31, s15, $0xb8;
	[tilespmem:$0x10E10] =	vst v63  }
0x2c6: {  	_ = 	snop  }
0x2c7: {  	[tilespmem:s21], [sflag:$0x1] =	stream.indirect.gather [hbm4b:s1+s15], $0x80, s0, s15, $0xb8;
	[tilespmem:$0x10E10] =	vst v63  }
0x2c8: {  	_ = 	snop  }
0x2c9: {  	[tilespmem:s23], [sflag:$0x1] =	stream.indirect.gather [hbm4b:s6+s15], $0x80, s3, s15, $0xb8;
	[tilespmem:$0x10E10] =	vst v63  }
0x2ca: {  	_ =	swait.ge [sflag:s24], $0x4000  }
0x2cb: {  	[sflag:s24] =	ssyncset.done $0x0  }
0x2cc: {  	[sflag:s24] =	ssyncadd.s32 $0xFFFFC000  }
0x2cd: {  	_ =	swait.ge [sflag:s24], $0x4000  }
0x2ce: {  	[sflag:s24] =	ssyncset.done $0x0  }
0x2cf: {  	[sflag:s24] =	ssyncadd.s32 $0xFFFFC000  }
0x2d0: {  	s26 =	simm.s32 $0x0;
	_ =	swait.ge [sflag:s24], $0x4000  }
0x2d1: {  	v2 =	vmov s26;
	[sflag:s24] =	ssyncset.done $0x0  }
0x2d2: {  	v2 =	vshll.u32 v2, $0x7;
	[sflag:s24] =	ssyncadd.s32 $0xFFFFC000  }
0x2d3: {  	v2 =	vor.u32 v0, v2;
	_ =	swait.ge [sflag:s24], $0x4000  }
0x2d4: {  	[sflag:s24] =	ssyncset.done $0x0  }
0x2d5: {  	s25 =	simm.s32 $0x300;
	v5 =	vor.u32 $0x1, v2;
	[sflag:s24] =	ssyncadd.s32 $0xFFFFC000  }
0x2d6: {  	s26 =	simm.s32 $0x100;
	v3 =	vld [tilespmem:s25+$0x0]  }
0x2d7: {  	v49 =	vor.u32 $0x2, v2;
	v4 =	vld [tilespmem:s26+$0x0]  }
0x2d8: {  	v50 =	vld.idx.msk [tilespmem:v2+s17+$0x0], $0xffff  }
0x2d9: {  	v52 =	vor.u32 $0x3, v2;
	v51 =	vld.idx.msk [tilespmem:v2+s19+$0x0], $0xffff  }
0x2da: {  	v53 =	vld.idx.msk [tilespmem:v5+s17+$0x0], $0xffff  }
0x2db: {  	v54 =	vor.u32 $0x4, v2;
	v5 =	vld.idx.msk [tilespmem:v5+s19+$0x0], $0xffff  }
0x2dc: {  	v55 =	vld.idx.msk [tilespmem:v49+s17+$0x0], $0xffff  }
0x2dd: {  	v56 =	vor.u32 $0x5, v2;
	v6 =	vld.idx.msk [tilespmem:v49+s19+$0x0], $0xffff  }
0x2de: {  	v57 =	vld.idx.msk [tilespmem:v52+s17+$0x0], $0xffff;
	v7 =	vmul.f32 v51, v50  }
0x2df: {  	v59 =	vor.u32 $0x6, v2;
	v58 =	vld.idx.msk [tilespmem:v52+s19+$0x0], $0xffff  }
0x2e0: {  	v60 =	vld.idx.msk [tilespmem:v54+s17+$0x0], $0xffff;
	v5 =	vmul.f32 v5, v53;
	v7 =	vadd.f32 $0.0e+00, v7  }
0x2e1: {  	v62 =	vor.u32 $0x7, v2;
	v61 =	vld.idx.msk [tilespmem:v54+s19+$0x0], $0xffff  }
0x2e2: {  	v63 =	vld.idx.msk [tilespmem:v56+s17+$0x0], $0xffff;
	v6 =	vmul.f32 v6, v55;
	v5 =	vadd.f32 v5, v7  }
0x2e3: {  	v20 =	vor.u32 $0x8, v2;
	v19 =	vld.idx.msk [tilespmem:v56+s19+$0x0], $0xffff  }
0x2e4: {  	v21 =	vld.idx.msk [tilespmem:v59+s17+$0x0], $0xffff;
	v22 =	vmul.f32 v58, v57;
	v5 =	vadd.f32 v6, v5  }
0x2e5: {  	v24 =	vor.u32 $0x9, v2;
	v23 =	vld.idx.msk [tilespmem:v59+s19+$0x0], $0xffff  }
0x2e6: {  	v25 =	vld.idx.msk [tilespmem:v62+s17+$0x0], $0xffff;
	v26 =	vmul.f32 v61, v60;
	v5 =	vadd.f32 v22, v5  }
0x2e7: {  	v28 =	vor.u32 $0xA, v2;
	v27 =	vld.idx.msk [tilespmem:v62+s19+$0x0], $0xffff  }
0x2e8: {  	v29 =	vld.idx.msk [tilespmem:v20+s17+$0x0], $0xffff;
	v30 =	vmul.f32 v19, v63;
	v5 =	vadd.f32 v26, v5  }
0x2e9: {  	v32 =	vor.u32 $0xB, v2;
	v31 =	vld.idx.msk [tilespmem:v20+s19+$0x0], $0xffff  }
0x2ea: {  	v33 =	vld.idx.msk [tilespmem:v24+s17+$0x0], $0xffff;
	v34 =	vmul.f32 v23, v21;
	v5 =	vadd.f32 v30, v5  }
0x2eb: {  	v36 =	vor.u32 $0xC, v2;
	v35 =	vld.idx.msk [tilespmem:v24+s19+$0x0], $0xffff  }
0x2ec: {  	v37 =	vld.idx.msk [tilespmem:v28+s17+$0x0], $0xffff;
	v38 =	vmul.f32 v27, v25;
	v5 =	vadd.f32 v34, v5  }
0x2ed: {  	v40 =	vor.u32 $0xD, v2;
	v39 =	vld.idx.msk [tilespmem:v28+s19+$0x0], $0xffff  }
0x2ee: {  	v41 =	vld.idx.msk [tilespmem:v32+s17+$0x0], $0xffff;
	v42 =	vmul.f32 v31, v29;
	v5 =	vadd.f32 v38, v5  }
0x2ef: {  	v44 =	vor.u32 $0xE, v2;
	v43 =	vld.idx.msk [tilespmem:v32+s19+$0x0], $0xffff  }
0x2f0: {  	v45 =	vld.idx.msk [tilespmem:v36+s17+$0x0], $0xffff;
	v46 =	vmul.f32 v35, v33;
	v5 =	vadd.f32 v42, v5  }
0x2f1: {  	v48 =	vor.u32 $0xF, v2;
	v47 =	vld.idx.msk [tilespmem:v36+s19+$0x0], $0xffff  }
0x2f2: {  	v49 =	vld.idx.msk [tilespmem:v40+s17+$0x0], $0xffff;
	v50 =	vmul.f32 v39, v37;
	v5 =	vadd.f32 v46, v5  }
0x2f3: {  	v52 =	vor.u32 $0x10, v2;
	v51 =	vld.idx.msk [tilespmem:v40+s19+$0x0], $0xffff  }
0x2f4: {  	v53 =	vld.idx.msk [tilespmem:v44+s17+$0x0], $0xffff;
	v54 =	vmul.f32 v43, v41;
	v5 =	vadd.f32 v50, v5  }
0x2f5: {  	v56 =	vor.u32 $0x11, v2;
	v55 =	vld.idx.msk [tilespmem:v44+s19+$0x0], $0xffff  }
0x2f6: {  	v59 =	vld.idx.msk [tilespmem:v48+s19+$0x0], $0xffff;
	v58 =	vmul.f32 v47, v45;
	v5 =	vadd.f32 v54, v5  }
0x2f7: {  	v57 =	vld.idx.msk [tilespmem:v48+s17+$0x0], $0xffff;
	v60 =	vor.u32 $0x12, v2  }
0x2f8: {  	v61 =	vld.idx.msk [tilespmem:v52+s17+$0x0], $0xffff;
	v62 =	vmul.f32 v51, v49;
	v5 =	vadd.f32 v58, v5  }
0x2f9: {  	v20 =	vor.u32 $0x13, v2;
	v63 =	vld.idx.msk [tilespmem:v52+s19+$0x0], $0xffff  }
0x2fa: {  	v21 =	vld.idx.msk [tilespmem:v56+s17+$0x0], $0xffff;
	v22 =	vmul.f32 v55, v53;
	v5 =	vadd.f32 v62, v5  }
0x2fb: {  	v24 =	vor.u32 $0x14, v2;
	v23 =	vld.idx.msk [tilespmem:v56+s19+$0x0], $0xffff  }
0x2fc: {  	v25 =	vld.idx.msk [tilespmem:v60+s17+$0x0], $0xffff;
	v26 =	vmul.f32 v59, v57;
	v5 =	vadd.f32 v22, v5  }
0x2fd: {  	v28 =	vor.u32 $0x15, v2;
	v27 =	vld.idx.msk [tilespmem:v60+s19+$0x0], $0xffff  }
0x2fe: {  	v29 =	vld.idx.msk [tilespmem:v20+s17+$0x0], $0xffff;
	v30 =	vmul.f32 v63, v61;
	v5 =	vadd.f32 v26, v5  }
0x2ff: {  	v32 =	vor.u32 $0x16, v2;
	v31 =	vld.idx.msk [tilespmem:v20+s19+$0x0], $0xffff  }
0x300: {  	v33 =	vld.idx.msk [tilespmem:v24+s17+$0x0], $0xffff;
	v34 =	vmul.f32 v23, v21;
	v5 =	vadd.f32 v30, v5  }
0x301: {  	v36 =	vor.u32 $0x17, v2;
	v35 =	vld.idx.msk [tilespmem:v24+s19+$0x0], $0xffff  }
0x302: {  	v37 =	vld.idx.msk [tilespmem:v28+s17+$0x0], $0xffff;
	v38 =	vmul.f32 v27, v25;
	v5 =	vadd.f32 v34, v5  }
0x303: {  	v39 =	vld.idx.msk [tilespmem:v28+s19+$0x0], $0xffff;
	v40 =	vor.u32 $0x18, v2  }
0x304: {  	v41 =	vld.idx.msk [tilespmem:v32+s17+$0x0], $0xffff;
	v42 =	vmul.f32 v31, v29;
	v5 =	vadd.f32 v38, v5  }
0x305: {  	v43 =	vld.idx.msk [tilespmem:v32+s19+$0x0], $0xffff;
	v44 =	vor.u32 $0x19, v2  }
0x306: {  	v45 =	vld.idx.msk [tilespmem:v36+s17+$0x0], $0xffff;
	v46 =	vmul.f32 v35, v33;
	v5 =	vadd.f32 v42, v5  }
0x307: {  	v47 =	vld.idx.msk [tilespmem:v36+s19+$0x0], $0xffff;
	v48 =	vor.u32 $0x1A, v2  }
0x308: {  	v49 =	vld.idx.msk [tilespmem:v40+s17+$0x0], $0xffff;
	v50 =	vmul.f32 v39, v37;
	v5 =	vadd.f32 v46, v5  }
0x309: {  	v52 =	vor.u32 $0x1B, v2;
	v51 =	vld.idx.msk [tilespmem:v40+s19+$0x0], $0xffff  }
0x30a: {  	v53 =	vld.idx.msk [tilespmem:v44+s17+$0x0], $0xffff;
	v54 =	vmul.f32 v43, v41;
	v5 =	vadd.f32 v50, v5  }
0x30b: {  	v56 =	vor.u32 $0x1C, v2;
	v55 =	vld.idx.msk [tilespmem:v44+s19+$0x0], $0xffff  }
0x30c: {  	v57 =	vld.idx.msk [tilespmem:v48+s17+$0x0], $0xffff;
	v58 =	vmul.f32 v47, v45;
	v5 =	vadd.f32 v54, v5  }
0x30d: {  	v60 =	vor.u32 $0x1D, v2;
	v59 =	vld.idx.msk [tilespmem:v48+s19+$0x0], $0xffff  }
0x30e: {  	v61 =	vld.idx.msk [tilespmem:v52+s17+$0x0], $0xffff;
	v62 =	vmul.f32 v51, v49;
	v5 =	vadd.f32 v58, v5  }
0x30f: {  	v20 =	vor.u32 $0x1E, v2;
	v63 =	vld.idx.msk [tilespmem:v52+s19+$0x0], $0xffff  }
0x310: {  	v21 =	vld.idx.msk [tilespmem:v56+s17+$0x0], $0xffff;
	v22 =	vmul.f32 v55, v53;
	v5 =	vadd.f32 v62, v5  }
0x311: {  	v24 =	vor.u32 $0x1F, v2;
	v23 =	vld.idx.msk [tilespmem:v56+s19+$0x0], $0xffff  }
0x312: {  	v25 =	vld.idx.msk [tilespmem:v60+s17+$0x0], $0xffff;
	v26 =	vmul.f32 v59, v57;
	v5 =	vadd.f32 v22, v5  }
0x313: {  	v27 =	vld.idx.msk [tilespmem:v60+s19+$0x0], $0xffff  }
0x314: {  	v28 =	vld.idx.msk [tilespmem:v20+s17+$0x0], $0xffff;
	v29 =	vmul.f32 v63, v61;
	v5 =	vadd.f32 v26, v5  }
0x315: {  	v4 =	vand.u32 $0x7F, v4;
	v30 =	vld.idx.msk [tilespmem:v20+s19+$0x0], $0xffff  }
0x316: {  	v4 =	vor.u32 v2, v4;
	v31 =	vld.idx.msk [tilespmem:v24+s17+$0x0], $0xffff;
	v32 =	vmul.f32 v23, v21;
	v5 =	vadd.f32 v29, v5  }
0x317: {  	v3 =	vand.u32 $0x7F, v3;
	v33 =	vld.idx.msk [tilespmem:v24+s19+$0x0], $0xffff  }
0x318: {  	v2 =	vor.u32 v2, v3;
	v3 =	vadd.f32 v32, v5;
	v5 =	vmul.f32 v27, v25;
	_ =	sdelay $0x1  }
0x319: {  	v3 =	vadd.f32 v5, v3;
	v5 =	vmul.f32 v30, v28  }
0x31a: {  	v4 =	vld.idx.msk [tilespmem:v4+s21+$0x0], $0xffff  }
0x31b: {  	v3 =	vadd.f32 v5, v3;
	v5 =	vmul.f32 v33, v31  }
0x31c: {  	v2 =	vld.idx.msk [tilespmem:v2+s23+$0x0], $0xffff  }
0x31d: {  	v3 =	vadd.f32 v5, v3;
	_ =	sdelay $0x1  }
0x31e: {  	v3 =	vadd.f32 v3, v4  }
0x31f: {  	s26 =	simm.s32 $0x10  }
0x320: {  	v4 =	vmov s26;
	v3 =	vadd.f32 v3, v2  }
0x321: {  	v2 =	vshll.u32 v4, $0x7  }
0x322: {  	v2 =	vor.u32 v0, v2;
	v3 =	vadd.f32 v3, v1  }
0x323: {  	s25 =	simm.s32 $0x10D10  }
0x324: {  	s26 =	simm.s32 $0x310;
	v5 =	vor.u32 $0x1, v2;
	[tilespmem:s25+$0x0] =	vst v3  }
0x325: {  	s28 =	simm.s32 $0x110;
	v3 =	vld [tilespmem:s26+$0x0]  }
0x326: {  	v34 =	vor.u32 $0x2, v2;
	v4 =	vld [tilespmem:s28+$0x0]  }
0x327: {  	v35 =	vld.idx.msk [tilespmem:v2+s17+$0x0], $0xffff  }
0x328: {  	v37 =	vor.u32 $0x3, v2;
	v36 =	vld.idx.msk [tilespmem:v2+s19+$0x0], $0xffff  }
0x329: {  	v38 =	vld.idx.msk [tilespmem:v5+s17+$0x0], $0xffff  }
0x32a: {  	v39 =	vor.u32 $0x4, v2;
	v5 =	vld.idx.msk [tilespmem:v5+s19+$0x0], $0xffff  }
0x32b: {  	v40 =	vld.idx.msk [tilespmem:v34+s17+$0x0], $0xffff  }
0x32c: {  	v41 =	vor.u32 $0x5, v2;
	v6 =	vld.idx.msk [tilespmem:v34+s19+$0x0], $0xffff  }
0x32d: {  	v42 =	vld.idx.msk [tilespmem:v37+s17+$0x0], $0xffff;
	v7 =	vmul.f32 v36, v35  }
0x32e: {  	v44 =	vor.u32 $0x6, v2;
	v43 =	vld.idx.msk [tilespmem:v37+s19+$0x0], $0xffff  }
0x32f: {  	v45 =	vld.idx.msk [tilespmem:v39+s17+$0x0], $0xffff;
	v5 =	vmul.f32 v5, v38;
	v7 =	vadd.f32 $0.0e+00, v7  }
0x330: {  	v47 =	vor.u32 $0x7, v2;
	v46 =	vld.idx.msk [tilespmem:v39+s19+$0x0], $0xffff  }
0x331: {  	v48 =	vld.idx.msk [tilespmem:v41+s17+$0x0], $0xffff;
	v6 =	vmul.f32 v6, v40;
	v5 =	vadd.f32 v5, v7  }
0x332: {  	v50 =	vor.u32 $0x8, v2;
	v49 =	vld.idx.msk [tilespmem:v41+s19+$0x0], $0xffff  }
0x333: {  	v51 =	vld.idx.msk [tilespmem:v44+s17+$0x0], $0xffff;
	v52 =	vmul.f32 v43, v42;
	v5 =	vadd.f32 v6, v5  }
0x334: {  	v54 =	vor.u32 $0x9, v2;
	v53 =	vld.idx.msk [tilespmem:v44+s19+$0x0], $0xffff  }
0x335: {  	v55 =	vld.idx.msk [tilespmem:v47+s17+$0x0], $0xffff;
	v56 =	vmul.f32 v46, v45;
	v5 =	vadd.f32 v52, v5  }
0x336: {  	v58 =	vor.u32 $0xA, v2;
	v57 =	vld.idx.msk [tilespmem:v47+s19+$0x0], $0xffff  }
0x337: {  	v59 =	vld.idx.msk [tilespmem:v50+s17+$0x0], $0xffff;
	v60 =	vmul.f32 v49, v48;
	v5 =	vadd.f32 v56, v5  }
0x338: {  	v62 =	vor.u32 $0xB, v2;
	v61 =	vld.idx.msk [tilespmem:v50+s19+$0x0], $0xffff  }
0x339: {  	v63 =	vld.idx.msk [tilespmem:v54+s17+$0x0], $0xffff;
	v20 =	vmul.f32 v53, v51;
	v5 =	vadd.f32 v60, v5  }
0x33a: {  	v22 =	vor.u32 $0xC, v2;
	v21 =	vld.idx.msk [tilespmem:v54+s19+$0x0], $0xffff  }
0x33b: {  	v23 =	vld.idx.msk [tilespmem:v58+s17+$0x0], $0xffff;
	v24 =	vmul.f32 v57, v55;
	v5 =	vadd.f32 v20, v5  }
0x33c: {  	v26 =	vor.u32 $0xD, v2;
	v25 =	vld.idx.msk [tilespmem:v58+s19+$0x0], $0xffff  }
0x33d: {  	v27 =	vld.idx.msk [tilespmem:v62+s17+$0x0], $0xffff;
	v28 =	vmul.f32 v61, v59;
	v5 =	vadd.f32 v24, v5  }
0x33e: {  	v30 =	vor.u32 $0xE, v2;
	v29 =	vld.idx.msk [tilespmem:v62+s19+$0x0], $0xffff  }
0x33f: {  	v31 =	vld.idx.msk [tilespmem:v22+s17+$0x0], $0xffff;
	v32 =	vmul.f32 v21, v63;
	v5 =	vadd.f32 v28, v5  }
0x340: {  	v33 =	vld.idx.msk [tilespmem:v22+s19+$0x0], $0xffff;
	v34 =	vor.u32 $0xF, v2  }
0x341: {  	v37 =	vld.idx.msk [tilespmem:v26+s19+$0x0], $0xffff;
	v36 =	vmul.f32 v25, v23;
	v5 =	vadd.f32 v32, v5  }
0x342: {  	v35 =	vld.idx.msk [tilespmem:v26+s17+$0x0], $0xffff;
	v38 =	vor.u32 $0x10, v2  }
0x343: {  	v39 =	vld.idx.msk [tilespmem:v30+s17+$0x0], $0xffff;
	v40 =	vmul.f32 v29, v27;
	v5 =	vadd.f32 v36, v5  }
0x344: {  	v41 =	vld.idx.msk [tilespmem:v30+s19+$0x0], $0xffff;
	v42 =	vor.u32 $0x11, v2  }
0x345: {  	v43 =	vld.idx.msk [tilespmem:v34+s17+$0x0], $0xffff;
	v44 =	vmul.f32 v33, v31;
	v5 =	vadd.f32 v40, v5  }
0x346: {  	v45 =	vld.idx.msk [tilespmem:v34+s19+$0x0], $0xffff;
	v46 =	vor.u32 $0x12, v2  }
0x347: {  	v48 =	vmul.f32 v37, v35;
	v47 =	vld.idx.msk [tilespmem:v38+s17+$0x0], $0xffff;
	v5 =	vadd.f32 v44, v5  }
0x348: {  	v50 =	vor.u32 $0x13, v2;
	v49 =	vld.idx.msk [tilespmem:v38+s19+$0x0], $0xffff  }
0x349: {  	v51 =	vld.idx.msk [tilespmem:v42+s17+$0x0], $0xffff;
	v52 =	vmul.f32 v41, v39;
	v5 =	vadd.f32 v48, v5  }
0x34a: {  	v54 =	vor.u32 $0x14, v2;
	v53 =	vld.idx.msk [tilespmem:v42+s19+$0x0], $0xffff  }
0x34b: {  	v55 =	vld.idx.msk [tilespmem:v46+s17+$0x0], $0xffff;
	v56 =	vmul.f32 v45, v43;
	v5 =	vadd.f32 v52, v5  }
0x34c: {  	v58 =	vor.u32 $0x15, v2;
	v57 =	vld.idx.msk [tilespmem:v46+s19+$0x0], $0xffff  }
0x34d: {  	v59 =	vld.idx.msk [tilespmem:v50+s17+$0x0], $0xffff;
	v60 =	vmul.f32 v49, v47;
	v5 =	vadd.f32 v56, v5  }
0x34e: {  	v62 =	vor.u32 $0x16, v2;
	v61 =	vld.idx.msk [tilespmem:v50+s19+$0x0], $0xffff  }
0x34f: {  	v63 =	vld.idx.msk [tilespmem:v54+s17+$0x0], $0xffff;
	v20 =	vmul.f32 v53, v51;
	v5 =	vadd.f32 v60, v5  }
0x350: {  	v22 =	vor.u32 $0x17, v2;
	v21 =	vld.idx.msk [tilespmem:v54+s19+$0x0], $0xffff  }
0x351: {  	v23 =	vld.idx.msk [tilespmem:v58+s17+$0x0], $0xffff;
	v24 =	vmul.f32 v57, v55;
	v5 =	vadd.f32 v20, v5  }
0x352: {  	v26 =	vor.u32 $0x18, v2;
	v25 =	vld.idx.msk [tilespmem:v58+s19+$0x0], $0xffff  }
0x353: {  	v27 =	vld.idx.msk [tilespmem:v62+s17+$0x0], $0xffff;
	v28 =	vmul.f32 v61, v59;
	v5 =	vadd.f32 v24, v5  }
0x354: {  	v30 =	vor.u32 $0x19, v2;
	v29 =	vld.idx.msk [tilespmem:v62+s19+$0x0], $0xffff  }
0x355: {  	v31 =	vld.idx.msk [tilespmem:v22+s17+$0x0], $0xffff;
	v32 =	vmul.f32 v21, v63;
	v5 =	vadd.f32 v28, v5  }
0x356: {  	v33 =	vld.idx.msk [tilespmem:v22+s19+$0x0], $0xffff;
	v34 =	vor.u32 $0x1A, v2  }
0x357: {  	v35 =	vld.idx.msk [tilespmem:v26+s17+$0x0], $0xffff;
	v36 =	vmul.f32 v25, v23;
	v5 =	vadd.f32 v32, v5  }
0x358: {  	v37 =	vld.idx.msk [tilespmem:v26+s19+$0x0], $0xffff;
	v38 =	vor.u32 $0x1B, v2  }
0x359: {  	v39 =	vld.idx.msk [tilespmem:v30+s17+$0x0], $0xffff;
	v40 =	vmul.f32 v29, v27;
	v5 =	vadd.f32 v36, v5  }
0x35a: {  	v42 =	vor.u32 $0x1C, v2;
	v41 =	vld.idx.msk [tilespmem:v30+s19+$0x0], $0xffff  }
0x35b: {  	v43 =	vld.idx.msk [tilespmem:v34+s17+$0x0], $0xffff;
	v44 =	vmul.f32 v33, v31;
	v5 =	vadd.f32 v40, v5  }
0x35c: {  	v46 =	vor.u32 $0x1D, v2;
	v45 =	vld.idx.msk [tilespmem:v34+s19+$0x0], $0xffff  }
0x35d: {  	v47 =	vld.idx.msk [tilespmem:v38+s17+$0x0], $0xffff;
	v48 =	vmul.f32 v37, v35;
	v5 =	vadd.f32 v44, v5  }
0x35e: {  	v50 =	vor.u32 $0x1E, v2;
	v49 =	vld.idx.msk [tilespmem:v38+s19+$0x0], $0xffff  }
0x35f: {  	v51 =	vld.idx.msk [tilespmem:v42+s17+$0x0], $0xffff;
	v52 =	vmul.f32 v41, v39;
	v5 =	vadd.f32 v48, v5  }
0x360: {  	v54 =	vor.u32 $0x1F, v2;
	v53 =	vld.idx.msk [tilespmem:v42+s19+$0x0], $0xffff  }
0x361: {  	v55 =	vld.idx.msk [tilespmem:v46+s17+$0x0], $0xffff;
	v56 =	vmul.f32 v45, v43;
	v5 =	vadd.f32 v52, v5  }
0x362: {  	v57 =	vld.idx.msk [tilespmem:v46+s19+$0x0], $0xffff  }
0x363: {  	v58 =	vld.idx.msk [tilespmem:v50+s17+$0x0], $0xffff;
	v59 =	vmul.f32 v49, v47;
	v5 =	vadd.f32 v56, v5  }
0x364: {  	v4 =	vand.u32 $0x7F, v4;
	v60 =	vld.idx.msk [tilespmem:v50+s19+$0x0], $0xffff  }
0x365: {  	v4 =	vor.u32 v2, v4;
	v61 =	vld.idx.msk [tilespmem:v54+s17+$0x0], $0xffff;
	v62 =	vmul.f32 v53, v51;
	v5 =	vadd.f32 v59, v5  }
0x366: {  	v3 =	vand.u32 $0x7F, v3;
	v63 =	vld.idx.msk [tilespmem:v54+s19+$0x0], $0xffff  }
0x367: {  	v2 =	vor.u32 v2, v3;
	v3 =	vadd.f32 v62, v5;
	v5 =	vmul.f32 v57, v55;
	_ =	sdelay $0x1  }
0x368: {  	v3 =	vadd.f32 v5, v3;
	v5 =	vmul.f32 v60, v58  }
0x369: {  	v4 =	vld.idx.msk [tilespmem:v4+s21+$0x0], $0xffff  }
0x36a: {  	v3 =	vadd.f32 v5, v3;
	v5 =	vmul.f32 v63, v61  }
0x36b: {  	v2 =	vld.idx.msk [tilespmem:v2+s23+$0x0], $0xffff  }
0x36c: {  	v3 =	vadd.f32 v5, v3;
	_ =	sdelay $0x1  }
0x36d: {  	v3 =	vadd.f32 v3, v4  }
0x36e: {  	s29 =	simm.s32 $0x20  }
0x36f: {  	v4 =	vmov s29;
	v3 =	vadd.f32 v3, v2  }
0x370: {  	s29 =	simm.s32 $0x30;
	v2 =	vshll.u32 v4, $0x7  }
.LBB2_8:
0x371: {  	p0 =	sne.s32 s29, $0x70;
	v2 =	vor.u32 v0, v2;
	v3 =	vadd.f32 v3, v1  }
0x372: {  	s25 =	sadd.s32 $0x10, s25  }
0x373: {  	s26 =	sadd.s32 $0x10, s26;
	v5 =	vor.u32 $0x1, v2;
	[tilespmem:s25+$0x0] =	vst v3  }
0x374: {  	s28 =	sadd.s32 $0x10, s28;
	v3 =	vld [tilespmem:s26+$0x0]  }
0x375: {  	v6 =	vor.u32 $0x2, v2;
	v4 =	vld [tilespmem:s28+$0x0]  }
0x376: {  	v7 =	vld.idx.msk [tilespmem:v2+s17+$0x0], $0xffff  }
0x377: {  	v9 =	vor.u32 $0x3, v2;
	v8 =	vld.idx.msk [tilespmem:v2+s19+$0x0], $0xffff  }
0x378: {  	v10 =	vld.idx.msk [tilespmem:v5+s17+$0x0], $0xffff  }
0x379: {  	v11 =	vor.u32 $0x4, v2;
	v5 =	vld.idx.msk [tilespmem:v5+s19+$0x0], $0xffff  }
0x37a: {  	v12 =	vld.idx.msk [tilespmem:v6+s17+$0x0], $0xffff  }
0x37b: {  	v13 =	vor.u32 $0x5, v2;
	v6 =	vld.idx.msk [tilespmem:v6+s19+$0x0], $0xffff  }
0x37c: {  	v14 =	vld.idx.msk [tilespmem:v9+s17+$0x0], $0xffff  }
0x37d: {  	v7 =	vmul.f32 v8, v7;
	v8 =	vld.idx.msk [tilespmem:v9+s19+$0x0], $0xffff;
	v9 =	vor.u32 $0x6, v2  }
0x37e: {  	v15 =	vld.idx.msk [tilespmem:v11+s17+$0x0], $0xffff  }
0x37f: {  	v7 =	vadd.f32 $0.0e+00, v7;
	v5 =	vmul.f32 v5, v10;
	v10 =	vld.idx.msk [tilespmem:v11+s19+$0x0], $0xffff;
	v11 =	vor.u32 $0x7, v2  }
0x380: {  	v16 =	vld.idx.msk [tilespmem:v13+s17+$0x0], $0xffff  }
0x381: {  	v5 =	vadd.f32 v5, v7;
	v6 =	vmul.f32 v6, v12;
	v12 =	vor.u32 $0x8, v2;
	v7 =	vld.idx.msk [tilespmem:v13+s19+$0x0], $0xffff  }
0x382: {  	v13 =	vld.idx.msk [tilespmem:v9+s17+$0x0], $0xffff  }
0x383: {  	v5 =	vadd.f32 v6, v5;
	v6 =	vmul.f32 v8, v14;
	v8 =	vld.idx.msk [tilespmem:v9+s19+$0x0], $0xffff;
	v9 =	vor.u32 $0x9, v2  }
0x384: {  	v14 =	vld.idx.msk [tilespmem:v11+s17+$0x0], $0xffff  }
0x385: {  	v5 =	vadd.f32 v6, v5;
	v6 =	vmul.f32 v10, v15;
	v10 =	vld.idx.msk [tilespmem:v11+s19+$0x0], $0xffff;
	v11 =	vor.u32 $0xA, v2  }
0x386: {  	v15 =	vld.idx.msk [tilespmem:v12+s17+$0x0], $0xffff  }
0x387: {  	v5 =	vadd.f32 v6, v5;
	v6 =	vmul.f32 v7, v16;
	v7 =	vld.idx.msk [tilespmem:v12+s19+$0x0], $0xffff;
	v12 =	vor.u32 $0xB, v2  }
0x388: {  	v16 =	vld.idx.msk [tilespmem:v9+s17+$0x0], $0xffff  }
0x389: {  	v5 =	vadd.f32 v6, v5;
	v6 =	vmul.f32 v8, v13;
	v8 =	vld.idx.msk [tilespmem:v9+s19+$0x0], $0xffff;
	v9 =	vor.u32 $0xC, v2  }
0x38a: {  	v13 =	vld.idx.msk [tilespmem:v11+s17+$0x0], $0xffff  }
0x38b: {  	v5 =	vadd.f32 v6, v5;
	v6 =	vmul.f32 v10, v14;
	v10 =	vld.idx.msk [tilespmem:v11+s19+$0x0], $0xffff;
	v11 =	vor.u32 $0xD, v2  }
0x38c: {  	v14 =	vld.idx.msk [tilespmem:v12+s17+$0x0], $0xffff  }
0x38d: {  	v5 =	vadd.f32 v6, v5;
	v6 =	vmul.f32 v7, v15;
	v7 =	vld.idx.msk [tilespmem:v12+s19+$0x0], $0xffff;
	v12 =	vor.u32 $0xE, v2  }
0x38e: {  	v15 =	vld.idx.msk [tilespmem:v9+s17+$0x0], $0xffff  }
0x38f: {  	v5 =	vadd.f32 v6, v5;
	v6 =	vmul.f32 v8, v16;
	v8 =	vld.idx.msk [tilespmem:v9+s19+$0x0], $0xffff;
	v9 =	vor.u32 $0xF, v2  }
0x390: {  	v16 =	vld.idx.msk [tilespmem:v11+s17+$0x0], $0xffff  }
0x391: {  	v5 =	vadd.f32 v6, v5;
	v6 =	vmul.f32 v10, v13;
	v10 =	vld.idx.msk [tilespmem:v11+s19+$0x0], $0xffff;
	v11 =	vor.u32 $0x10, v2  }
0x392: {  	v13 =	vld.idx.msk [tilespmem:v12+s17+$0x0], $0xffff  }
0x393: {  	v5 =	vadd.f32 v6, v5;
	v6 =	vmul.f32 v7, v14;
	v7 =	vld.idx.msk [tilespmem:v12+s19+$0x0], $0xffff;
	v12 =	vor.u32 $0x11, v2  }
0x394: {  	v14 =	vld.idx.msk [tilespmem:v9+s17+$0x0], $0xffff  }
0x395: {  	v5 =	vadd.f32 v6, v5;
	v6 =	vmul.f32 v8, v15;
	v8 =	vld.idx.msk [tilespmem:v9+s19+$0x0], $0xffff;
	v9 =	vor.u32 $0x12, v2  }
0x396: {  	v15 =	vld.idx.msk [tilespmem:v11+s17+$0x0], $0xffff  }
0x397: {  	v5 =	vadd.f32 v6, v5;
	v6 =	vmul.f32 v10, v16;
	v10 =	vld.idx.msk [tilespmem:v11+s19+$0x0], $0xffff;
	v11 =	vor.u32 $0x13, v2  }
0x398: {  	v16 =	vld.idx.msk [tilespmem:v12+s17+$0x0], $0xffff  }
0x399: {  	v5 =	vadd.f32 v6, v5;
	v6 =	vmul.f32 v7, v13;
	v7 =	vld.idx.msk [tilespmem:v12+s19+$0x0], $0xffff;
	v12 =	vor.u32 $0x14, v2  }
0x39a: {  	v13 =	vld.idx.msk [tilespmem:v9+s17+$0x0], $0xffff  }
0x39b: {  	v5 =	vadd.f32 v6, v5;
	v6 =	vmul.f32 v8, v14;
	v8 =	vld.idx.msk [tilespmem:v9+s19+$0x0], $0xffff;
	v9 =	vor.u32 $0x15, v2  }
0x39c: {  	v14 =	vld.idx.msk [tilespmem:v11+s17+$0x0], $0xffff  }
0x39d: {  	v5 =	vadd.f32 v6, v5;
	v6 =	vmul.f32 v10, v15;
	v10 =	vld.idx.msk [tilespmem:v11+s19+$0x0], $0xffff;
	v11 =	vor.u32 $0x16, v2  }
0x39e: {  	v15 =	vld.idx.msk [tilespmem:v12+s17+$0x0], $0xffff  }
0x39f: {  	v5 =	vadd.f32 v6, v5;
	v6 =	vmul.f32 v7, v16;
	v7 =	vld.idx.msk [tilespmem:v12+s19+$0x0], $0xffff;
	v12 =	vor.u32 $0x17, v2  }
0x3a0: {  	v16 =	vld.idx.msk [tilespmem:v9+s17+$0x0], $0xffff  }
0x3a1: {  	v5 =	vadd.f32 v6, v5;
	v6 =	vmul.f32 v8, v13;
	v8 =	vld.idx.msk [tilespmem:v9+s19+$0x0], $0xffff;
	v9 =	vor.u32 $0x18, v2  }
0x3a2: {  	v13 =	vld.idx.msk [tilespmem:v11+s17+$0x0], $0xffff  }
0x3a3: {  	v5 =	vadd.f32 v6, v5;
	v6 =	vmul.f32 v10, v14;
	v10 =	vld.idx.msk [tilespmem:v11+s19+$0x0], $0xffff;
	v11 =	vor.u32 $0x19, v2  }
0x3a4: {  	v14 =	vld.idx.msk [tilespmem:v12+s17+$0x0], $0xffff  }
0x3a5: {  	v5 =	vadd.f32 v6, v5;
	v6 =	vmul.f32 v7, v15;
	v7 =	vld.idx.msk [tilespmem:v12+s19+$0x0], $0xffff;
	v12 =	vor.u32 $0x1A, v2  }
0x3a6: {  	v15 =	vld.idx.msk [tilespmem:v9+s17+$0x0], $0xffff  }
0x3a7: {  	v5 =	vadd.f32 v6, v5;
	v6 =	vmul.f32 v8, v16;
	v8 =	vld.idx.msk [tilespmem:v9+s19+$0x0], $0xffff;
	v9 =	vor.u32 $0x1B, v2  }
0x3a8: {  	v16 =	vld.idx.msk [tilespmem:v11+s17+$0x0], $0xffff  }
0x3a9: {  	v5 =	vadd.f32 v6, v5;
	v6 =	vmul.f32 v10, v13;
	v10 =	vld.idx.msk [tilespmem:v11+s19+$0x0], $0xffff;
	v11 =	vor.u32 $0x1C, v2  }
0x3aa: {  	v13 =	vld.idx.msk [tilespmem:v12+s17+$0x0], $0xffff  }
0x3ab: {  	v5 =	vadd.f32 v6, v5;
	v6 =	vmul.f32 v7, v14;
	v7 =	vld.idx.msk [tilespmem:v12+s19+$0x0], $0xffff;
	v12 =	vor.u32 $0x1D, v2  }
0x3ac: {  	v14 =	vld.idx.msk [tilespmem:v9+s17+$0x0], $0xffff  }
0x3ad: {  	v5 =	vadd.f32 v6, v5;
	v6 =	vmul.f32 v8, v15;
	v8 =	vld.idx.msk [tilespmem:v9+s19+$0x0], $0xffff;
	v9 =	vor.u32 $0x1E, v2  }
0x3ae: {  	v15 =	vld.idx.msk [tilespmem:v11+s17+$0x0], $0xffff  }
0x3af: {  	v5 =	vadd.f32 v6, v5;
	v6 =	vmul.f32 v10, v16;
	v10 =	vld.idx.msk [tilespmem:v11+s19+$0x0], $0xffff;
	v11 =	vor.u32 $0x1F, v2  }
0x3b0: {  	v16 =	vld.idx.msk [tilespmem:v12+s17+$0x0], $0xffff  }
0x3b1: {  	v5 =	vadd.f32 v6, v5;
	v6 =	vmul.f32 v7, v13;
	v7 =	vld.idx.msk [tilespmem:v12+s19+$0x0], $0xffff  }
0x3b2: {  	v12 =	vld.idx.msk [tilespmem:v9+s17+$0x0], $0xffff  }
0x3b3: {  	v4 =	vand.u32 $0x7F, v4;
	v5 =	vadd.f32 v6, v5;
	v6 =	vmul.f32 v8, v14;
	v8 =	vld.idx.msk [tilespmem:v9+s19+$0x0], $0xffff  }
0x3b4: {  	v4 =	vor.u32 v2, v4;
	v9 =	vld.idx.msk [tilespmem:v11+s17+$0x0], $0xffff  }
0x3b5: {  	v3 =	vand.u32 $0x7F, v3;
	v5 =	vadd.f32 v6, v5;
	v6 =	vmul.f32 v10, v15;
	v10 =	vld.idx.msk [tilespmem:v11+s19+$0x0], $0xffff  }
0x3b6: {  	v2 =	vor.u32 v2, v3  }
0x3b7: {  	v3 =	vadd.f32 v6, v5;
	v5 =	vmul.f32 v7, v16;
	_ =	sdelay $0x1  }
0x3b8: {  	v3 =	vadd.f32 v5, v3;
	v5 =	vmul.f32 v8, v12;
	v4 =	vld.idx.msk [tilespmem:v4+s21+$0x0], $0xffff;
	_ =	sdelay $0x1  }
0x3b9: {  	v3 =	vadd.f32 v5, v3;
	v5 =	vmul.f32 v10, v9;
	v2 =	vld.idx.msk [tilespmem:v2+s23+$0x0], $0xffff;
	_ =	sdelay $0x1  }
0x3ba: {  	v3 =	vadd.f32 v5, v3  }
.Ltmp3:
0x3bb: {  	(pc) =	sbr.rel @p0 .LBB2_8-.Ltmp3, $3  }
0x3bc: {  	v3 =	vadd.f32 v3, v4;
	_ =	sdelay $0x1  }
0x3bd: {  	v4 =	vmov s29;
	v3 =	vadd.f32 v3, v2  }
0x3be: {  	s29 =	sadd.s32 $0x10, s29;
	v2 =	vshll.u32 v4, $0x7  }
0x3bf: {  	v2 =	vor.u32 v0, v2;
	v3 =	vadd.f32 v3, v1  }
0x3c0: {  	s25 =	sadd.s32 $0x10, s25  }
0x3c1: {  	s26 =	sadd.s32 $0x10, s26;
	v5 =	vor.u32 $0x1, v2;
	[tilespmem:s25+$0x0] =	vst v3  }
0x3c2: {  	v3 =	vld [tilespmem:s26+$0x0];
	s26 =	sadd.s32 $0x10, s28  }
0x3c3: {  	v6 =	vor.u32 $0x2, v2;
	v4 =	vld [tilespmem:s26+$0x0]  }
0x3c4: {  	v7 =	vld.idx.msk [tilespmem:v2+s17+$0x0], $0xffff  }
0x3c5: {  	v9 =	vor.u32 $0x3, v2;
	v8 =	vld.idx.msk [tilespmem:v2+s19+$0x0], $0xffff  }
0x3c6: {  	v10 =	vld.idx.msk [tilespmem:v5+s17+$0x0], $0xffff  }
0x3c7: {  	v11 =	vor.u32 $0x4, v2;
	v5 =	vld.idx.msk [tilespmem:v5+s19+$0x0], $0xffff  }
0x3c8: {  	v12 =	vld.idx.msk [tilespmem:v6+s17+$0x0], $0xffff  }
0x3c9: {  	v13 =	vor.u32 $0x5, v2;
	v6 =	vld.idx.msk [tilespmem:v6+s19+$0x0], $0xffff  }
0x3ca: {  	v14 =	vld.idx.msk [tilespmem:v9+s17+$0x0], $0xffff;
	v7 =	vmul.f32 v8, v7  }
0x3cb: {  	v31 =	vor.u32 $0x6, v2;
	v30 =	vld.idx.msk [tilespmem:v9+s19+$0x0], $0xffff  }
0x3cc: {  	v15 =	vld.idx.msk [tilespmem:v11+s17+$0x0], $0xffff;
	v5 =	vmul.f32 v5, v10;
	v7 =	vadd.f32 $0.0e+00, v7  }
0x3cd: {  	v33 =	vor.u32 $0x7, v2;
	v32 =	vld.idx.msk [tilespmem:v11+s19+$0x0], $0xffff  }
0x3ce: {  	v16 =	vld.idx.msk [tilespmem:v13+s17+$0x0], $0xffff;
	v6 =	vmul.f32 v6, v12;
	v5 =	vadd.f32 v5, v7  }
0x3cf: {  	v35 =	vor.u32 $0x8, v2;
	v34 =	vld.idx.msk [tilespmem:v13+s19+$0x0], $0xffff  }
0x3d0: {  	v36 =	vld.idx.msk [tilespmem:v31+s17+$0x0], $0xffff;
	v37 =	vmul.f32 v30, v14;
	v5 =	vadd.f32 v6, v5  }
0x3d1: {  	v39 =	vor.u32 $0x9, v2;
	v38 =	vld.idx.msk [tilespmem:v31+s19+$0x0], $0xffff  }
0x3d2: {  	v40 =	vld.idx.msk [tilespmem:v33+s17+$0x0], $0xffff;
	v41 =	vmul.f32 v32, v15;
	v5 =	vadd.f32 v37, v5  }
0x3d3: {  	v43 =	vor.u32 $0xA, v2;
	v42 =	vld.idx.msk [tilespmem:v33+s19+$0x0], $0xffff  }
0x3d4: {  	v44 =	vld.idx.msk [tilespmem:v35+s17+$0x0], $0xffff;
	v45 =	vmul.f32 v34, v16;
	v5 =	vadd.f32 v41, v5  }
0x3d5: {  	v47 =	vor.u32 $0xB, v2;
	v46 =	vld.idx.msk [tilespmem:v35+s19+$0x0], $0xffff  }
0x3d6: {  	v48 =	vld.idx.msk [tilespmem:v39+s17+$0x0], $0xffff;
	v49 =	vmul.f32 v38, v36;
	v5 =	vadd.f32 v45, v5  }
0x3d7: {  	v51 =	vor.u32 $0xC, v2;
	v50 =	vld.idx.msk [tilespmem:v39+s19+$0x0], $0xffff  }
0x3d8: {  	v52 =	vld.idx.msk [tilespmem:v43+s17+$0x0], $0xffff;
	v53 =	vmul.f32 v42, v40;
	v5 =	vadd.f32 v49, v5  }
0x3d9: {  	v55 =	vor.u32 $0xD, v2;
	v54 =	vld.idx.msk [tilespmem:v43+s19+$0x0], $0xffff  }
0x3da: {  	v56 =	vld.idx.msk [tilespmem:v47+s17+$0x0], $0xffff;
	v57 =	vmul.f32 v46, v44;
	v5 =	vadd.f32 v53, v5  }
0x3db: {  	v59 =	vor.u32 $0xE, v2;
	v58 =	vld.idx.msk [tilespmem:v47+s19+$0x0], $0xffff  }
0x3dc: {  	v60 =	vld.idx.msk [tilespmem:v51+s17+$0x0], $0xffff;
	v61 =	vmul.f32 v50, v48;
	v5 =	vadd.f32 v57, v5  }
0x3dd: {  	v63 =	vor.u32 $0xF, v2;
	v62 =	vld.idx.msk [tilespmem:v51+s19+$0x0], $0xffff  }
0x3de: {  	v20 =	vld.idx.msk [tilespmem:v55+s17+$0x0], $0xffff;
	v21 =	vmul.f32 v54, v52;
	v5 =	vadd.f32 v61, v5  }
0x3df: {  	v23 =	vor.u32 $0x10, v2;
	v22 =	vld.idx.msk [tilespmem:v55+s19+$0x0], $0xffff  }
0x3e0: {  	v24 =	vld.idx.msk [tilespmem:v59+s17+$0x0], $0xffff;
	v25 =	vmul.f32 v58, v56;
	v5 =	vadd.f32 v21, v5  }
0x3e1: {  	v27 =	vor.u32 $0x11, v2;
	v26 =	vld.idx.msk [tilespmem:v59+s19+$0x0], $0xffff  }
0x3e2: {  	v28 =	vld.idx.msk [tilespmem:v63+s17+$0x0], $0xffff;
	v29 =	vmul.f32 v62, v60;
	v5 =	vadd.f32 v25, v5  }
0x3e3: {  	v31 =	vor.u32 $0x12, v2;
	v30 =	vld.idx.msk [tilespmem:v63+s19+$0x0], $0xffff  }
0x3e4: {  	v32 =	vld.idx.msk [tilespmem:v23+s17+$0x0], $0xffff;
	v33 =	vmul.f32 v22, v20;
	v5 =	vadd.f32 v29, v5  }
0x3e5: {  	v35 =	vor.u32 $0x13, v2;
	v34 =	vld.idx.msk [tilespmem:v23+s19+$0x0], $0xffff  }
0x3e6: {  	v36 =	vld.idx.msk [tilespmem:v27+s17+$0x0], $0xffff;
	v37 =	vmul.f32 v26, v24;
	v5 =	vadd.f32 v33, v5  }
0x3e7: {  	v39 =	vor.u32 $0x14, v2;
	v38 =	vld.idx.msk [tilespmem:v27+s19+$0x0], $0xffff  }
0x3e8: {  	v40 =	vld.idx.msk [tilespmem:v31+s17+$0x0], $0xffff;
	v41 =	vmul.f32 v30, v28;
	v5 =	vadd.f32 v37, v5  }
0x3e9: {  	v43 =	vor.u32 $0x15, v2;
	v42 =	vld.idx.msk [tilespmem:v31+s19+$0x0], $0xffff  }
0x3ea: {  	v44 =	vld.idx.msk [tilespmem:v35+s17+$0x0], $0xffff;
	v45 =	vmul.f32 v34, v32;
	v5 =	vadd.f32 v41, v5  }
0x3eb: {  	v47 =	vor.u32 $0x16, v2;
	v46 =	vld.idx.msk [tilespmem:v35+s19+$0x0], $0xffff  }
0x3ec: {  	v48 =	vld.idx.msk [tilespmem:v39+s17+$0x0], $0xffff;
	v49 =	vmul.f32 v38, v36;
	v5 =	vadd.f32 v45, v5  }
0x3ed: {  	v51 =	vor.u32 $0x17, v2;
	v50 =	vld.idx.msk [tilespmem:v39+s19+$0x0], $0xffff  }
0x3ee: {  	v52 =	vld.idx.msk [tilespmem:v43+s17+$0x0], $0xffff;
	v53 =	vmul.f32 v42, v40;
	v5 =	vadd.f32 v49, v5  }
0x3ef: {  	v55 =	vor.u32 $0x18, v2;
	v54 =	vld.idx.msk [tilespmem:v43+s19+$0x0], $0xffff  }
0x3f0: {  	v56 =	vld.idx.msk [tilespmem:v47+s17+$0x0], $0xffff;
	v57 =	vmul.f32 v46, v44;
	v5 =	vadd.f32 v53, v5  }
0x3f1: {  	v59 =	vor.u32 $0x19, v2;
	v58 =	vld.idx.msk [tilespmem:v47+s19+$0x0], $0xffff  }
0x3f2: {  	v60 =	vld.idx.msk [tilespmem:v51+s17+$0x0], $0xffff;
	v61 =	vmul.f32 v50, v48;
	v5 =	vadd.f32 v57, v5  }
0x3f3: {  	v62 =	vld.idx.msk [tilespmem:v51+s19+$0x0], $0xffff;
	v63 =	vor.u32 $0x1A, v2  }
0x3f4: {  	v20 =	vld.idx.msk [tilespmem:v55+s17+$0x0], $0xffff;
	v21 =	vmul.f32 v54, v52;
	v5 =	vadd.f32 v61, v5  }
0x3f5: {  	v22 =	vld.idx.msk [tilespmem:v55+s19+$0x0], $0xffff;
	v23 =	vor.u32 $0x1B, v2  }
0x3f6: {  	v24 =	vld.idx.msk [tilespmem:v59+s17+$0x0], $0xffff;
	v25 =	vmul.f32 v58, v56;
	v5 =	vadd.f32 v21, v5  }
0x3f7: {  	v27 =	vor.u32 $0x1C, v2;
	v26 =	vld.idx.msk [tilespmem:v59+s19+$0x0], $0xffff  }
0x3f8: {  	v28 =	vld.idx.msk [tilespmem:v63+s17+$0x0], $0xffff;
	v29 =	vmul.f32 v62, v60;
	v5 =	vadd.f32 v25, v5  }
0x3f9: {  	v31 =	vor.u32 $0x1D, v2;
	v30 =	vld.idx.msk [tilespmem:v63+s19+$0x0], $0xffff  }
0x3fa: {  	v32 =	vld.idx.msk [tilespmem:v23+s17+$0x0], $0xffff;
	v33 =	vmul.f32 v22, v20;
	v5 =	vadd.f32 v29, v5  }
0x3fb: {  	v35 =	vor.u32 $0x1E, v2;
	v34 =	vld.idx.msk [tilespmem:v23+s19+$0x0], $0xffff  }
0x3fc: {  	v36 =	vld.idx.msk [tilespmem:v27+s17+$0x0], $0xffff;
	v37 =	vmul.f32 v26, v24;
	v5 =	vadd.f32 v33, v5  }
0x3fd: {  	v39 =	vor.u32 $0x1F, v2;
	v38 =	vld.idx.msk [tilespmem:v27+s19+$0x0], $0xffff  }
0x3fe: {  	v40 =	vld.idx.msk [tilespmem:v31+s17+$0x0], $0xffff;
	v41 =	vmul.f32 v30, v28;
	v5 =	vadd.f32 v37, v5  }
0x3ff: {  	v42 =	vld.idx.msk [tilespmem:v31+s19+$0x0], $0xffff  }
0x400: {  	v43 =	vld.idx.msk [tilespmem:v35+s17+$0x0], $0xffff;
	v44 =	vmul.f32 v34, v32;
	v5 =	vadd.f32 v41, v5  }
0x401: {  	v4 =	vand.u32 $0x7F, v4;
	v45 =	vld.idx.msk [tilespmem:v35+s19+$0x0], $0xffff  }
0x402: {  	v4 =	vor.u32 v2, v4;
	v46 =	vld.idx.msk [tilespmem:v39+s17+$0x0], $0xffff;
	v47 =	vmul.f32 v38, v36;
	v5 =	vadd.f32 v44, v5  }
0x403: {  	v3 =	vand.u32 $0x7F, v3;
	v48 =	vld.idx.msk [tilespmem:v39+s19+$0x0], $0xffff  }
0x404: {  	v2 =	vor.u32 v2, v3;
	v3 =	vadd.f32 v47, v5;
	v5 =	vmul.f32 v42, v40;
	_ =	sdelay $0x1  }
0x405: {  	v3 =	vadd.f32 v5, v3;
	v5 =	vmul.f32 v45, v43  }
0x406: {  	v4 =	vld.idx.msk [tilespmem:v4+s21+$0x0], $0xffff  }
0x407: {  	v3 =	vadd.f32 v5, v3;
	v5 =	vmul.f32 v48, v46  }
0x408: {  	v2 =	vld.idx.msk [tilespmem:v2+s23+$0x0], $0xffff  }
0x409: {  	v3 =	vadd.f32 v5, v3;
	_ =	sdelay $0x1  }
0x40a: {  	v3 =	vadd.f32 v3, v4;
	_ =	sdelay $0x1  }
0x40b: {  	v2 =	vadd.f32 v3, v2;
	_ =	sdelay $0x1  }
0x40c: {  	v2 =	vadd.f32 v2, v1  }
0x40d: {  	s25 =	sadd.s32 $0x10, s25  }
0x40e: {  	[tilespmem:s25+$0x0] =	vst v2  }
0x40f: {  	[tilespmem:s17], [sflag:$0x1] =	stream.indirect.gather [hbm4b:s4+s15], $0x80, s13, s15, $0xb8;
	[tilespmem:$0x10E10] =	vst v63  }
0x410: {  	_ = 	snop  }
0x411: {  	[tilespmem:s19], [sflag:$0x1] =	stream.indirect.gather [hbm4b:s5+s15], $0x80, s14, s15, $0xb8;
	[tilespmem:$0x10E10] =	vst v63  }
0x412: {  	_ = 	snop  }
0x413: {  	[tilespmem:s21], [sflag:$0x1] =	stream.indirect.gather [hbm4b:s1+s15], $0x80, s16, s15, $0xb8;
	[tilespmem:$0x10E10] =	vst v63  }
0x414: {  	_ = 	snop  }
0x415: {  	[tilespmem:s23], [sflag:$0x1] =	stream.indirect.gather [hbm4b:s6+s15], $0x80, s18, s15, $0xb8;
	[tilespmem:$0x10E10] =	vst v63  }
0x416: {  	_ =	swait.ge [sflag:s24], $0x4000  }
0x417: {  	[sflag:s24] =	ssyncset.done $0x0  }
0x418: {  	[sflag:s24] =	ssyncadd.s32 $0xFFFFC000  }
0x419: {  	_ =	swait.ge [sflag:s24], $0x4000  }
0x41a: {  	[sflag:s24] =	ssyncset.done $0x0  }
0x41b: {  	[sflag:s24] =	ssyncadd.s32 $0xFFFFC000  }
0x41c: {  	s26 =	simm.s32 $0x0;
	_ =	swait.ge [sflag:s24], $0x4000  }
0x41d: {  	v2 =	vmov s26;
	[sflag:s24] =	ssyncset.done $0x0  }
0x41e: {  	v2 =	vshll.u32 v2, $0x7;
	[sflag:s24] =	ssyncadd.s32 $0xFFFFC000  }
0x41f: {  	v2 =	vor.u32 v0, v2;
	_ =	swait.ge [sflag:s24], $0x4000  }
0x420: {  	[sflag:s24] =	ssyncset.done $0x0  }
0x421: {  	s25 =	simm.s32 $0x380;
	v5 =	vor.u32 $0x1, v2;
	[sflag:s24] =	ssyncadd.s32 $0xFFFFC000  }
0x422: {  	s26 =	simm.s32 $0x180;
	v3 =	vld [tilespmem:s25+$0x0]  }
0x423: {  	v49 =	vor.u32 $0x2, v2;
	v4 =	vld [tilespmem:s26+$0x0]  }
0x424: {  	v50 =	vld.idx.msk [tilespmem:v2+s17+$0x0], $0xffff  }
0x425: {  	v52 =	vor.u32 $0x3, v2;
	v51 =	vld.idx.msk [tilespmem:v2+s19+$0x0], $0xffff  }
0x426: {  	v53 =	vld.idx.msk [tilespmem:v5+s17+$0x0], $0xffff  }
0x427: {  	v54 =	vor.u32 $0x4, v2;
	v5 =	vld.idx.msk [tilespmem:v5+s19+$0x0], $0xffff  }
0x428: {  	v55 =	vld.idx.msk [tilespmem:v49+s17+$0x0], $0xffff  }
0x429: {  	v56 =	vor.u32 $0x5, v2;
	v6 =	vld.idx.msk [tilespmem:v49+s19+$0x0], $0xffff  }
0x42a: {  	v57 =	vld.idx.msk [tilespmem:v52+s17+$0x0], $0xffff;
	v7 =	vmul.f32 v51, v50  }
0x42b: {  	v59 =	vor.u32 $0x6, v2;
	v58 =	vld.idx.msk [tilespmem:v52+s19+$0x0], $0xffff  }
0x42c: {  	v60 =	vld.idx.msk [tilespmem:v54+s17+$0x0], $0xffff;
	v5 =	vmul.f32 v5, v53;
	v7 =	vadd.f32 $0.0e+00, v7  }
0x42d: {  	v62 =	vor.u32 $0x7, v2;
	v61 =	vld.idx.msk [tilespmem:v54+s19+$0x0], $0xffff  }
0x42e: {  	v63 =	vld.idx.msk [tilespmem:v56+s17+$0x0], $0xffff;
	v6 =	vmul.f32 v6, v55;
	v5 =	vadd.f32 v5, v7  }
0x42f: {  	v20 =	vor.u32 $0x8, v2;
	v19 =	vld.idx.msk [tilespmem:v56+s19+$0x0], $0xffff  }
0x430: {  	v21 =	vld.idx.msk [tilespmem:v59+s17+$0x0], $0xffff;
	v22 =	vmul.f32 v58, v57;
	v5 =	vadd.f32 v6, v5  }
0x431: {  	v24 =	vor.u32 $0x9, v2;
	v23 =	vld.idx.msk [tilespmem:v59+s19+$0x0], $0xffff  }
0x432: {  	v25 =	vld.idx.msk [tilespmem:v62+s17+$0x0], $0xffff;
	v26 =	vmul.f32 v61, v60;
	v5 =	vadd.f32 v22, v5  }
0x433: {  	v28 =	vor.u32 $0xA, v2;
	v27 =	vld.idx.msk [tilespmem:v62+s19+$0x0], $0xffff  }
0x434: {  	v29 =	vld.idx.msk [tilespmem:v20+s17+$0x0], $0xffff;
	v30 =	vmul.f32 v19, v63;
	v5 =	vadd.f32 v26, v5  }
0x435: {  	v32 =	vor.u32 $0xB, v2;
	v31 =	vld.idx.msk [tilespmem:v20+s19+$0x0], $0xffff  }
0x436: {  	v33 =	vld.idx.msk [tilespmem:v24+s17+$0x0], $0xffff;
	v34 =	vmul.f32 v23, v21;
	v5 =	vadd.f32 v30, v5  }
0x437: {  	v36 =	vor.u32 $0xC, v2;
	v35 =	vld.idx.msk [tilespmem:v24+s19+$0x0], $0xffff  }
0x438: {  	v37 =	vld.idx.msk [tilespmem:v28+s17+$0x0], $0xffff;
	v38 =	vmul.f32 v27, v25;
	v5 =	vadd.f32 v34, v5  }
0x439: {  	v40 =	vor.u32 $0xD, v2;
	v39 =	vld.idx.msk [tilespmem:v28+s19+$0x0], $0xffff  }
0x43a: {  	v41 =	vld.idx.msk [tilespmem:v32+s17+$0x0], $0xffff;
	v42 =	vmul.f32 v31, v29;
	v5 =	vadd.f32 v38, v5  }
0x43b: {  	v44 =	vor.u32 $0xE, v2;
	v43 =	vld.idx.msk [tilespmem:v32+s19+$0x0], $0xffff  }
0x43c: {  	v45 =	vld.idx.msk [tilespmem:v36+s17+$0x0], $0xffff;
	v46 =	vmul.f32 v35, v33;
	v5 =	vadd.f32 v42, v5  }
0x43d: {  	v48 =	vor.u32 $0xF, v2;
	v47 =	vld.idx.msk [tilespmem:v36+s19+$0x0], $0xffff  }
0x43e: {  	v49 =	vld.idx.msk [tilespmem:v40+s17+$0x0], $0xffff;
	v50 =	vmul.f32 v39, v37;
	v5 =	vadd.f32 v46, v5  }
0x43f: {  	v52 =	vor.u32 $0x10, v2;
	v51 =	vld.idx.msk [tilespmem:v40+s19+$0x0], $0xffff  }
0x440: {  	v53 =	vld.idx.msk [tilespmem:v44+s17+$0x0], $0xffff;
	v54 =	vmul.f32 v43, v41;
	v5 =	vadd.f32 v50, v5  }
0x441: {  	v56 =	vor.u32 $0x11, v2;
	v55 =	vld.idx.msk [tilespmem:v44+s19+$0x0], $0xffff  }
0x442: {  	v59 =	vld.idx.msk [tilespmem:v48+s19+$0x0], $0xffff;
	v58 =	vmul.f32 v47, v45;
	v5 =	vadd.f32 v54, v5  }
0x443: {  	v57 =	vld.idx.msk [tilespmem:v48+s17+$0x0], $0xffff;
	v60 =	vor.u32 $0x12, v2  }
0x444: {  	v61 =	vld.idx.msk [tilespmem:v52+s17+$0x0], $0xffff;
	v62 =	vmul.f32 v51, v49;
	v5 =	vadd.f32 v58, v5  }
0x445: {  	v20 =	vor.u32 $0x13, v2;
	v63 =	vld.idx.msk [tilespmem:v52+s19+$0x0], $0xffff  }
0x446: {  	v21 =	vld.idx.msk [tilespmem:v56+s17+$0x0], $0xffff;
	v22 =	vmul.f32 v55, v53;
	v5 =	vadd.f32 v62, v5  }
0x447: {  	v24 =	vor.u32 $0x14, v2;
	v23 =	vld.idx.msk [tilespmem:v56+s19+$0x0], $0xffff  }
0x448: {  	v25 =	vld.idx.msk [tilespmem:v60+s17+$0x0], $0xffff;
	v26 =	vmul.f32 v59, v57;
	v5 =	vadd.f32 v22, v5  }
0x449: {  	v28 =	vor.u32 $0x15, v2;
	v27 =	vld.idx.msk [tilespmem:v60+s19+$0x0], $0xffff  }
0x44a: {  	v29 =	vld.idx.msk [tilespmem:v20+s17+$0x0], $0xffff;
	v30 =	vmul.f32 v63, v61;
	v5 =	vadd.f32 v26, v5  }
0x44b: {  	v32 =	vor.u32 $0x16, v2;
	v31 =	vld.idx.msk [tilespmem:v20+s19+$0x0], $0xffff  }
0x44c: {  	v33 =	vld.idx.msk [tilespmem:v24+s17+$0x0], $0xffff;
	v34 =	vmul.f32 v23, v21;
	v5 =	vadd.f32 v30, v5  }
0x44d: {  	v36 =	vor.u32 $0x17, v2;
	v35 =	vld.idx.msk [tilespmem:v24+s19+$0x0], $0xffff  }
0x44e: {  	v37 =	vld.idx.msk [tilespmem:v28+s17+$0x0], $0xffff;
	v38 =	vmul.f32 v27, v25;
	v5 =	vadd.f32 v34, v5  }
0x44f: {  	v39 =	vld.idx.msk [tilespmem:v28+s19+$0x0], $0xffff;
	v40 =	vor.u32 $0x18, v2  }
0x450: {  	v41 =	vld.idx.msk [tilespmem:v32+s17+$0x0], $0xffff;
	v42 =	vmul.f32 v31, v29;
	v5 =	vadd.f32 v38, v5  }
0x451: {  	v43 =	vld.idx.msk [tilespmem:v32+s19+$0x0], $0xffff;
	v44 =	vor.u32 $0x19, v2  }
0x452: {  	v45 =	vld.idx.msk [tilespmem:v36+s17+$0x0], $0xffff;
	v46 =	vmul.f32 v35, v33;
	v5 =	vadd.f32 v42, v5  }
0x453: {  	v47 =	vld.idx.msk [tilespmem:v36+s19+$0x0], $0xffff;
	v48 =	vor.u32 $0x1A, v2  }
0x454: {  	v49 =	vld.idx.msk [tilespmem:v40+s17+$0x0], $0xffff;
	v50 =	vmul.f32 v39, v37;
	v5 =	vadd.f32 v46, v5  }
0x455: {  	v52 =	vor.u32 $0x1B, v2;
	v51 =	vld.idx.msk [tilespmem:v40+s19+$0x0], $0xffff  }
0x456: {  	v53 =	vld.idx.msk [tilespmem:v44+s17+$0x0], $0xffff;
	v54 =	vmul.f32 v43, v41;
	v5 =	vadd.f32 v50, v5  }
0x457: {  	v56 =	vor.u32 $0x1C, v2;
	v55 =	vld.idx.msk [tilespmem:v44+s19+$0x0], $0xffff  }
0x458: {  	v57 =	vld.idx.msk [tilespmem:v48+s17+$0x0], $0xffff;
	v58 =	vmul.f32 v47, v45;
	v5 =	vadd.f32 v54, v5  }
0x459: {  	v60 =	vor.u32 $0x1D, v2;
	v59 =	vld.idx.msk [tilespmem:v48+s19+$0x0], $0xffff  }
0x45a: {  	v61 =	vld.idx.msk [tilespmem:v52+s17+$0x0], $0xffff;
	v62 =	vmul.f32 v51, v49;
	v5 =	vadd.f32 v58, v5  }
0x45b: {  	v20 =	vor.u32 $0x1E, v2;
	v63 =	vld.idx.msk [tilespmem:v52+s19+$0x0], $0xffff  }
0x45c: {  	v21 =	vld.idx.msk [tilespmem:v56+s17+$0x0], $0xffff;
	v22 =	vmul.f32 v55, v53;
	v5 =	vadd.f32 v62, v5  }
0x45d: {  	v24 =	vor.u32 $0x1F, v2;
	v23 =	vld.idx.msk [tilespmem:v56+s19+$0x0], $0xffff  }
0x45e: {  	v25 =	vld.idx.msk [tilespmem:v60+s17+$0x0], $0xffff;
	v26 =	vmul.f32 v59, v57;
	v5 =	vadd.f32 v22, v5  }
0x45f: {  	v27 =	vld.idx.msk [tilespmem:v60+s19+$0x0], $0xffff  }
0x460: {  	v28 =	vld.idx.msk [tilespmem:v20+s17+$0x0], $0xffff;
	v29 =	vmul.f32 v63, v61;
	v5 =	vadd.f32 v26, v5  }
0x461: {  	v4 =	vand.u32 $0x7F, v4;
	v30 =	vld.idx.msk [tilespmem:v20+s19+$0x0], $0xffff  }
0x462: {  	v4 =	vor.u32 v2, v4;
	v31 =	vld.idx.msk [tilespmem:v24+s17+$0x0], $0xffff;
	v32 =	vmul.f32 v23, v21;
	v5 =	vadd.f32 v29, v5  }
0x463: {  	v3 =	vand.u32 $0x7F, v3;
	v33 =	vld.idx.msk [tilespmem:v24+s19+$0x0], $0xffff  }
0x464: {  	v2 =	vor.u32 v2, v3;
	v3 =	vadd.f32 v32, v5;
	v5 =	vmul.f32 v27, v25;
	_ =	sdelay $0x1  }
0x465: {  	v3 =	vadd.f32 v5, v3;
	v5 =	vmul.f32 v30, v28  }
0x466: {  	v4 =	vld.idx.msk [tilespmem:v4+s21+$0x0], $0xffff  }
0x467: {  	v3 =	vadd.f32 v5, v3;
	v5 =	vmul.f32 v33, v31  }
0x468: {  	v2 =	vld.idx.msk [tilespmem:v2+s23+$0x0], $0xffff  }
0x469: {  	v3 =	vadd.f32 v5, v3;
	_ =	sdelay $0x1  }
0x46a: {  	v3 =	vadd.f32 v3, v4  }
0x46b: {  	s26 =	simm.s32 $0x10  }
0x46c: {  	v4 =	vmov s26;
	v3 =	vadd.f32 v3, v2  }
0x46d: {  	v2 =	vshll.u32 v4, $0x7  }
0x46e: {  	v2 =	vor.u32 v0, v2;
	v3 =	vadd.f32 v3, v1  }
0x46f: {  	s25 =	simm.s32 $0x10D90  }
0x470: {  	s26 =	simm.s32 $0x390;
	v5 =	vor.u32 $0x1, v2;
	[tilespmem:s25+$0x0] =	vst v3  }
0x471: {  	s28 =	simm.s32 $0x190;
	v3 =	vld [tilespmem:s26+$0x0]  }
0x472: {  	v34 =	vor.u32 $0x2, v2;
	v4 =	vld [tilespmem:s28+$0x0]  }
0x473: {  	v35 =	vld.idx.msk [tilespmem:v2+s17+$0x0], $0xffff  }
0x474: {  	v37 =	vor.u32 $0x3, v2;
	v36 =	vld.idx.msk [tilespmem:v2+s19+$0x0], $0xffff  }
0x475: {  	v38 =	vld.idx.msk [tilespmem:v5+s17+$0x0], $0xffff  }
0x476: {  	v39 =	vor.u32 $0x4, v2;
	v5 =	vld.idx.msk [tilespmem:v5+s19+$0x0], $0xffff  }
0x477: {  	v40 =	vld.idx.msk [tilespmem:v34+s17+$0x0], $0xffff  }
0x478: {  	v41 =	vor.u32 $0x5, v2;
	v6 =	vld.idx.msk [tilespmem:v34+s19+$0x0], $0xffff  }
0x479: {  	v42 =	vld.idx.msk [tilespmem:v37+s17+$0x0], $0xffff;
	v7 =	vmul.f32 v36, v35  }
0x47a: {  	v44 =	vor.u32 $0x6, v2;
	v43 =	vld.idx.msk [tilespmem:v37+s19+$0x0], $0xffff  }
0x47b: {  	v45 =	vld.idx.msk [tilespmem:v39+s17+$0x0], $0xffff;
	v5 =	vmul.f32 v5, v38;
	v7 =	vadd.f32 $0.0e+00, v7  }
0x47c: {  	v47 =	vor.u32 $0x7, v2;
	v46 =	vld.idx.msk [tilespmem:v39+s19+$0x0], $0xffff  }
0x47d: {  	v48 =	vld.idx.msk [tilespmem:v41+s17+$0x0], $0xffff;
	v6 =	vmul.f32 v6, v40;
	v5 =	vadd.f32 v5, v7  }
0x47e: {  	v50 =	vor.u32 $0x8, v2;
	v49 =	vld.idx.msk [tilespmem:v41+s19+$0x0], $0xffff  }
0x47f: {  	v51 =	vld.idx.msk [tilespmem:v44+s17+$0x0], $0xffff;
	v52 =	vmul.f32 v43, v42;
	v5 =	vadd.f32 v6, v5  }
0x480: {  	v54 =	vor.u32 $0x9, v2;
	v53 =	vld.idx.msk [tilespmem:v44+s19+$0x0], $0xffff  }
0x481: {  	v55 =	vld.idx.msk [tilespmem:v47+s17+$0x0], $0xffff;
	v56 =	vmul.f32 v46, v45;
	v5 =	vadd.f32 v52, v5  }
0x482: {  	v58 =	vor.u32 $0xA, v2;
	v57 =	vld.idx.msk [tilespmem:v47+s19+$0x0], $0xffff  }
0x483: {  	v59 =	vld.idx.msk [tilespmem:v50+s17+$0x0], $0xffff;
	v60 =	vmul.f32 v49, v48;
	v5 =	vadd.f32 v56, v5  }
0x484: {  	v62 =	vor.u32 $0xB, v2;
	v61 =	vld.idx.msk [tilespmem:v50+s19+$0x0], $0xffff  }
0x485: {  	v63 =	vld.idx.msk [tilespmem:v54+s17+$0x0], $0xffff;
	v20 =	vmul.f32 v53, v51;
	v5 =	vadd.f32 v60, v5  }
0x486: {  	v22 =	vor.u32 $0xC, v2;
	v21 =	vld.idx.msk [tilespmem:v54+s19+$0x0], $0xffff  }
0x487: {  	v23 =	vld.idx.msk [tilespmem:v58+s17+$0x0], $0xffff;
	v24 =	vmul.f32 v57, v55;
	v5 =	vadd.f32 v20, v5  }
0x488: {  	v26 =	vor.u32 $0xD, v2;
	v25 =	vld.idx.msk [tilespmem:v58+s19+$0x0], $0xffff  }
0x489: {  	v27 =	vld.idx.msk [tilespmem:v62+s17+$0x0], $0xffff;
	v28 =	vmul.f32 v61, v59;
	v5 =	vadd.f32 v24, v5  }
0x48a: {  	v30 =	vor.u32 $0xE, v2;
	v29 =	vld.idx.msk [tilespmem:v62+s19+$0x0], $0xffff  }
0x48b: {  	v31 =	vld.idx.msk [tilespmem:v22+s17+$0x0], $0xffff;
	v32 =	vmul.f32 v21, v63;
	v5 =	vadd.f32 v28, v5  }
0x48c: {  	v33 =	vld.idx.msk [tilespmem:v22+s19+$0x0], $0xffff;
	v34 =	vor.u32 $0xF, v2  }
0x48d: {  	v37 =	vld.idx.msk [tilespmem:v26+s19+$0x0], $0xffff;
	v36 =	vmul.f32 v25, v23;
	v5 =	vadd.f32 v32, v5  }
0x48e: {  	v35 =	vld.idx.msk [tilespmem:v26+s17+$0x0], $0xffff;
	v38 =	vor.u32 $0x10, v2  }
0x48f: {  	v39 =	vld.idx.msk [tilespmem:v30+s17+$0x0], $0xffff;
	v40 =	vmul.f32 v29, v27;
	v5 =	vadd.f32 v36, v5  }
0x490: {  	v41 =	vld.idx.msk [tilespmem:v30+s19+$0x0], $0xffff;
	v42 =	vor.u32 $0x11, v2  }
0x491: {  	v43 =	vld.idx.msk [tilespmem:v34+s17+$0x0], $0xffff;
	v44 =	vmul.f32 v33, v31;
	v5 =	vadd.f32 v40, v5  }
0x492: {  	v45 =	vld.idx.msk [tilespmem:v34+s19+$0x0], $0xffff;
	v46 =	vor.u32 $0x12, v2  }
0x493: {  	v48 =	vmul.f32 v37, v35;
	v47 =	vld.idx.msk [tilespmem:v38+s17+$0x0], $0xffff;
	v5 =	vadd.f32 v44, v5  }
0x494: {  	v50 =	vor.u32 $0x13, v2;
	v49 =	vld.idx.msk [tilespmem:v38+s19+$0x0], $0xffff  }
0x495: {  	v51 =	vld.idx.msk [tilespmem:v42+s17+$0x0], $0xffff;
	v52 =	vmul.f32 v41, v39;
	v5 =	vadd.f32 v48, v5  }
0x496: {  	v54 =	vor.u32 $0x14, v2;
	v53 =	vld.idx.msk [tilespmem:v42+s19+$0x0], $0xffff  }
0x497: {  	v55 =	vld.idx.msk [tilespmem:v46+s17+$0x0], $0xffff;
	v56 =	vmul.f32 v45, v43;
	v5 =	vadd.f32 v52, v5  }
0x498: {  	v58 =	vor.u32 $0x15, v2;
	v57 =	vld.idx.msk [tilespmem:v46+s19+$0x0], $0xffff  }
0x499: {  	v59 =	vld.idx.msk [tilespmem:v50+s17+$0x0], $0xffff;
	v60 =	vmul.f32 v49, v47;
	v5 =	vadd.f32 v56, v5  }
0x49a: {  	v62 =	vor.u32 $0x16, v2;
	v61 =	vld.idx.msk [tilespmem:v50+s19+$0x0], $0xffff  }
0x49b: {  	v63 =	vld.idx.msk [tilespmem:v54+s17+$0x0], $0xffff;
	v20 =	vmul.f32 v53, v51;
	v5 =	vadd.f32 v60, v5  }
0x49c: {  	v22 =	vor.u32 $0x17, v2;
	v21 =	vld.idx.msk [tilespmem:v54+s19+$0x0], $0xffff  }
0x49d: {  	v23 =	vld.idx.msk [tilespmem:v58+s17+$0x0], $0xffff;
	v24 =	vmul.f32 v57, v55;
	v5 =	vadd.f32 v20, v5  }
0x49e: {  	v26 =	vor.u32 $0x18, v2;
	v25 =	vld.idx.msk [tilespmem:v58+s19+$0x0], $0xffff  }
0x49f: {  	v27 =	vld.idx.msk [tilespmem:v62+s17+$0x0], $0xffff;
	v28 =	vmul.f32 v61, v59;
	v5 =	vadd.f32 v24, v5  }
0x4a0: {  	v30 =	vor.u32 $0x19, v2;
	v29 =	vld.idx.msk [tilespmem:v62+s19+$0x0], $0xffff  }
0x4a1: {  	v31 =	vld.idx.msk [tilespmem:v22+s17+$0x0], $0xffff;
	v32 =	vmul.f32 v21, v63;
	v5 =	vadd.f32 v28, v5  }
0x4a2: {  	v33 =	vld.idx.msk [tilespmem:v22+s19+$0x0], $0xffff;
	v34 =	vor.u32 $0x1A, v2  }
0x4a3: {  	v35 =	vld.idx.msk [tilespmem:v26+s17+$0x0], $0xffff;
	v36 =	vmul.f32 v25, v23;
	v5 =	vadd.f32 v32, v5  }
0x4a4: {  	v37 =	vld.idx.msk [tilespmem:v26+s19+$0x0], $0xffff;
	v38 =	vor.u32 $0x1B, v2  }
0x4a5: {  	v39 =	vld.idx.msk [tilespmem:v30+s17+$0x0], $0xffff;
	v40 =	vmul.f32 v29, v27;
	v5 =	vadd.f32 v36, v5  }
0x4a6: {  	v42 =	vor.u32 $0x1C, v2;
	v41 =	vld.idx.msk [tilespmem:v30+s19+$0x0], $0xffff  }
0x4a7: {  	v43 =	vld.idx.msk [tilespmem:v34+s17+$0x0], $0xffff;
	v44 =	vmul.f32 v33, v31;
	v5 =	vadd.f32 v40, v5  }
0x4a8: {  	v46 =	vor.u32 $0x1D, v2;
	v45 =	vld.idx.msk [tilespmem:v34+s19+$0x0], $0xffff  }
0x4a9: {  	v47 =	vld.idx.msk [tilespmem:v38+s17+$0x0], $0xffff;
	v48 =	vmul.f32 v37, v35;
	v5 =	vadd.f32 v44, v5  }
0x4aa: {  	v50 =	vor.u32 $0x1E, v2;
	v49 =	vld.idx.msk [tilespmem:v38+s19+$0x0], $0xffff  }
0x4ab: {  	v51 =	vld.idx.msk [tilespmem:v42+s17+$0x0], $0xffff;
	v52 =	vmul.f32 v41, v39;
	v5 =	vadd.f32 v48, v5  }
0x4ac: {  	v54 =	vor.u32 $0x1F, v2;
	v53 =	vld.idx.msk [tilespmem:v42+s19+$0x0], $0xffff  }
0x4ad: {  	v55 =	vld.idx.msk [tilespmem:v46+s17+$0x0], $0xffff;
	v56 =	vmul.f32 v45, v43;
	v5 =	vadd.f32 v52, v5  }
0x4ae: {  	v57 =	vld.idx.msk [tilespmem:v46+s19+$0x0], $0xffff  }
0x4af: {  	v58 =	vld.idx.msk [tilespmem:v50+s17+$0x0], $0xffff;
	v59 =	vmul.f32 v49, v47;
	v5 =	vadd.f32 v56, v5  }
0x4b0: {  	v4 =	vand.u32 $0x7F, v4;
	v60 =	vld.idx.msk [tilespmem:v50+s19+$0x0], $0xffff  }
0x4b1: {  	v4 =	vor.u32 v2, v4;
	v61 =	vld.idx.msk [tilespmem:v54+s17+$0x0], $0xffff;
	v62 =	vmul.f32 v53, v51;
	v5 =	vadd.f32 v59, v5  }
0x4b2: {  	v3 =	vand.u32 $0x7F, v3;
	v63 =	vld.idx.msk [tilespmem:v54+s19+$0x0], $0xffff  }
0x4b3: {  	v2 =	vor.u32 v2, v3;
	v3 =	vadd.f32 v62, v5;
	v5 =	vmul.f32 v57, v55;
	_ =	sdelay $0x1  }
0x4b4: {  	v3 =	vadd.f32 v5, v3;
	v5 =	vmul.f32 v60, v58  }
0x4b5: {  	v4 =	vld.idx.msk [tilespmem:v4+s21+$0x0], $0xffff  }
0x4b6: {  	v3 =	vadd.f32 v5, v3;
	v5 =	vmul.f32 v63, v61  }
0x4b7: {  	v2 =	vld.idx.msk [tilespmem:v2+s23+$0x0], $0xffff  }
0x4b8: {  	v3 =	vadd.f32 v5, v3;
	_ =	sdelay $0x1  }
0x4b9: {  	v3 =	vadd.f32 v3, v4  }
0x4ba: {  	s29 =	simm.s32 $0x20  }
0x4bb: {  	v4 =	vmov s29;
	v3 =	vadd.f32 v3, v2  }
0x4bc: {  	s29 =	simm.s32 $0x30;
	v2 =	vshll.u32 v4, $0x7  }
.LBB2_10:
0x4bd: {  	p0 =	sne.s32 s29, $0x70;
	v2 =	vor.u32 v0, v2;
	v3 =	vadd.f32 v3, v1  }
0x4be: {  	s25 =	sadd.s32 $0x10, s25  }
0x4bf: {  	s26 =	sadd.s32 $0x10, s26;
	v5 =	vor.u32 $0x1, v2;
	[tilespmem:s25+$0x0] =	vst v3  }
0x4c0: {  	s28 =	sadd.s32 $0x10, s28;
	v3 =	vld [tilespmem:s26+$0x0]  }
0x4c1: {  	v6 =	vor.u32 $0x2, v2;
	v4 =	vld [tilespmem:s28+$0x0]  }
0x4c2: {  	v7 =	vld.idx.msk [tilespmem:v2+s17+$0x0], $0xffff  }
0x4c3: {  	v9 =	vor.u32 $0x3, v2;
	v8 =	vld.idx.msk [tilespmem:v2+s19+$0x0], $0xffff  }
0x4c4: {  	v10 =	vld.idx.msk [tilespmem:v5+s17+$0x0], $0xffff  }
0x4c5: {  	v11 =	vor.u32 $0x4, v2;
	v5 =	vld.idx.msk [tilespmem:v5+s19+$0x0], $0xffff  }
0x4c6: {  	v12 =	vld.idx.msk [tilespmem:v6+s17+$0x0], $0xffff  }
0x4c7: {  	v13 =	vor.u32 $0x5, v2;
	v6 =	vld.idx.msk [tilespmem:v6+s19+$0x0], $0xffff  }
0x4c8: {  	v14 =	vld.idx.msk [tilespmem:v9+s17+$0x0], $0xffff  }
0x4c9: {  	v7 =	vmul.f32 v8, v7;
	v8 =	vld.idx.msk [tilespmem:v9+s19+$0x0], $0xffff;
	v9 =	vor.u32 $0x6, v2  }
0x4ca: {  	v15 =	vld.idx.msk [tilespmem:v11+s17+$0x0], $0xffff  }
0x4cb: {  	v7 =	vadd.f32 $0.0e+00, v7;
	v5 =	vmul.f32 v5, v10;
	v10 =	vld.idx.msk [tilespmem:v11+s19+$0x0], $0xffff;
	v11 =	vor.u32 $0x7, v2  }
0x4cc: {  	v16 =	vld.idx.msk [tilespmem:v13+s17+$0x0], $0xffff  }
0x4cd: {  	v5 =	vadd.f32 v5, v7;
	v6 =	vmul.f32 v6, v12;
	v12 =	vor.u32 $0x8, v2;
	v7 =	vld.idx.msk [tilespmem:v13+s19+$0x0], $0xffff  }
0x4ce: {  	v13 =	vld.idx.msk [tilespmem:v9+s17+$0x0], $0xffff  }
0x4cf: {  	v5 =	vadd.f32 v6, v5;
	v6 =	vmul.f32 v8, v14;
	v8 =	vld.idx.msk [tilespmem:v9+s19+$0x0], $0xffff;
	v9 =	vor.u32 $0x9, v2  }
0x4d0: {  	v14 =	vld.idx.msk [tilespmem:v11+s17+$0x0], $0xffff  }
0x4d1: {  	v5 =	vadd.f32 v6, v5;
	v6 =	vmul.f32 v10, v15;
	v10 =	vld.idx.msk [tilespmem:v11+s19+$0x0], $0xffff;
	v11 =	vor.u32 $0xA, v2  }
0x4d2: {  	v15 =	vld.idx.msk [tilespmem:v12+s17+$0x0], $0xffff  }
0x4d3: {  	v5 =	vadd.f32 v6, v5;
	v6 =	vmul.f32 v7, v16;
	v7 =	vld.idx.msk [tilespmem:v12+s19+$0x0], $0xffff;
	v12 =	vor.u32 $0xB, v2  }
0x4d4: {  	v16 =	vld.idx.msk [tilespmem:v9+s17+$0x0], $0xffff  }
0x4d5: {  	v5 =	vadd.f32 v6, v5;
	v6 =	vmul.f32 v8, v13;
	v8 =	vld.idx.msk [tilespmem:v9+s19+$0x0], $0xffff;
	v9 =	vor.u32 $0xC, v2  }
0x4d6: {  	v13 =	vld.idx.msk [tilespmem:v11+s17+$0x0], $0xffff  }
0x4d7: {  	v5 =	vadd.f32 v6, v5;
	v6 =	vmul.f32 v10, v14;
	v10 =	vld.idx.msk [tilespmem:v11+s19+$0x0], $0xffff;
	v11 =	vor.u32 $0xD, v2  }
0x4d8: {  	v14 =	vld.idx.msk [tilespmem:v12+s17+$0x0], $0xffff  }
0x4d9: {  	v5 =	vadd.f32 v6, v5;
	v6 =	vmul.f32 v7, v15;
	v7 =	vld.idx.msk [tilespmem:v12+s19+$0x0], $0xffff;
	v12 =	vor.u32 $0xE, v2  }
0x4da: {  	v15 =	vld.idx.msk [tilespmem:v9+s17+$0x0], $0xffff  }
0x4db: {  	v5 =	vadd.f32 v6, v5;
	v6 =	vmul.f32 v8, v16;
	v8 =	vld.idx.msk [tilespmem:v9+s19+$0x0], $0xffff;
	v9 =	vor.u32 $0xF, v2  }
0x4dc: {  	v16 =	vld.idx.msk [tilespmem:v11+s17+$0x0], $0xffff  }
0x4dd: {  	v5 =	vadd.f32 v6, v5;
	v6 =	vmul.f32 v10, v13;
	v10 =	vld.idx.msk [tilespmem:v11+s19+$0x0], $0xffff;
	v11 =	vor.u32 $0x10, v2  }
0x4de: {  	v13 =	vld.idx.msk [tilespmem:v12+s17+$0x0], $0xffff  }
0x4df: {  	v5 =	vadd.f32 v6, v5;
	v6 =	vmul.f32 v7, v14;
	v7 =	vld.idx.msk [tilespmem:v12+s19+$0x0], $0xffff;
	v12 =	vor.u32 $0x11, v2  }
0x4e0: {  	v14 =	vld.idx.msk [tilespmem:v9+s17+$0x0], $0xffff  }
0x4e1: {  	v5 =	vadd.f32 v6, v5;
	v6 =	vmul.f32 v8, v15;
	v8 =	vld.idx.msk [tilespmem:v9+s19+$0x0], $0xffff;
	v9 =	vor.u32 $0x12, v2  }
0x4e2: {  	v15 =	vld.idx.msk [tilespmem:v11+s17+$0x0], $0xffff  }
0x4e3: {  	v5 =	vadd.f32 v6, v5;
	v6 =	vmul.f32 v10, v16;
	v10 =	vld.idx.msk [tilespmem:v11+s19+$0x0], $0xffff;
	v11 =	vor.u32 $0x13, v2  }
0x4e4: {  	v16 =	vld.idx.msk [tilespmem:v12+s17+$0x0], $0xffff  }
0x4e5: {  	v5 =	vadd.f32 v6, v5;
	v6 =	vmul.f32 v7, v13;
	v7 =	vld.idx.msk [tilespmem:v12+s19+$0x0], $0xffff;
	v12 =	vor.u32 $0x14, v2  }
0x4e6: {  	v13 =	vld.idx.msk [tilespmem:v9+s17+$0x0], $0xffff  }
0x4e7: {  	v5 =	vadd.f32 v6, v5;
	v6 =	vmul.f32 v8, v14;
	v8 =	vld.idx.msk [tilespmem:v9+s19+$0x0], $0xffff;
	v9 =	vor.u32 $0x15, v2  }
0x4e8: {  	v14 =	vld.idx.msk [tilespmem:v11+s17+$0x0], $0xffff  }
0x4e9: {  	v5 =	vadd.f32 v6, v5;
	v6 =	vmul.f32 v10, v15;
	v10 =	vld.idx.msk [tilespmem:v11+s19+$0x0], $0xffff;
	v11 =	vor.u32 $0x16, v2  }
0x4ea: {  	v15 =	vld.idx.msk [tilespmem:v12+s17+$0x0], $0xffff  }
0x4eb: {  	v5 =	vadd.f32 v6, v5;
	v6 =	vmul.f32 v7, v16;
	v7 =	vld.idx.msk [tilespmem:v12+s19+$0x0], $0xffff;
	v12 =	vor.u32 $0x17, v2  }
0x4ec: {  	v16 =	vld.idx.msk [tilespmem:v9+s17+$0x0], $0xffff  }
0x4ed: {  	v5 =	vadd.f32 v6, v5;
	v6 =	vmul.f32 v8, v13;
	v8 =	vld.idx.msk [tilespmem:v9+s19+$0x0], $0xffff;
	v9 =	vor.u32 $0x18, v2  }
0x4ee: {  	v13 =	vld.idx.msk [tilespmem:v11+s17+$0x0], $0xffff  }
0x4ef: {  	v5 =	vadd.f32 v6, v5;
	v6 =	vmul.f32 v10, v14;
	v10 =	vld.idx.msk [tilespmem:v11+s19+$0x0], $0xffff;
	v11 =	vor.u32 $0x19, v2  }
0x4f0: {  	v14 =	vld.idx.msk [tilespmem:v12+s17+$0x0], $0xffff  }
0x4f1: {  	v5 =	vadd.f32 v6, v5;
	v6 =	vmul.f32 v7, v15;
	v7 =	vld.idx.msk [tilespmem:v12+s19+$0x0], $0xffff;
	v12 =	vor.u32 $0x1A, v2  }
0x4f2: {  	v15 =	vld.idx.msk [tilespmem:v9+s17+$0x0], $0xffff  }
0x4f3: {  	v5 =	vadd.f32 v6, v5;
	v6 =	vmul.f32 v8, v16;
	v8 =	vld.idx.msk [tilespmem:v9+s19+$0x0], $0xffff;
	v9 =	vor.u32 $0x1B, v2  }
0x4f4: {  	v16 =	vld.idx.msk [tilespmem:v11+s17+$0x0], $0xffff  }
0x4f5: {  	v5 =	vadd.f32 v6, v5;
	v6 =	vmul.f32 v10, v13;
	v10 =	vld.idx.msk [tilespmem:v11+s19+$0x0], $0xffff;
	v11 =	vor.u32 $0x1C, v2  }
0x4f6: {  	v13 =	vld.idx.msk [tilespmem:v12+s17+$0x0], $0xffff  }
0x4f7: {  	v5 =	vadd.f32 v6, v5;
	v6 =	vmul.f32 v7, v14;
	v7 =	vld.idx.msk [tilespmem:v12+s19+$0x0], $0xffff;
	v12 =	vor.u32 $0x1D, v2  }
0x4f8: {  	v14 =	vld.idx.msk [tilespmem:v9+s17+$0x0], $0xffff  }
0x4f9: {  	v5 =	vadd.f32 v6, v5;
	v6 =	vmul.f32 v8, v15;
	v8 =	vld.idx.msk [tilespmem:v9+s19+$0x0], $0xffff;
	v9 =	vor.u32 $0x1E, v2  }
0x4fa: {  	v15 =	vld.idx.msk [tilespmem:v11+s17+$0x0], $0xffff  }
0x4fb: {  	v5 =	vadd.f32 v6, v5;
	v6 =	vmul.f32 v10, v16;
	v10 =	vld.idx.msk [tilespmem:v11+s19+$0x0], $0xffff;
	v11 =	vor.u32 $0x1F, v2  }
0x4fc: {  	v16 =	vld.idx.msk [tilespmem:v12+s17+$0x0], $0xffff  }
0x4fd: {  	v5 =	vadd.f32 v6, v5;
	v6 =	vmul.f32 v7, v13;
	v7 =	vld.idx.msk [tilespmem:v12+s19+$0x0], $0xffff  }
0x4fe: {  	v12 =	vld.idx.msk [tilespmem:v9+s17+$0x0], $0xffff  }
0x4ff: {  	v4 =	vand.u32 $0x7F, v4;
	v5 =	vadd.f32 v6, v5;
	v6 =	vmul.f32 v8, v14;
	v8 =	vld.idx.msk [tilespmem:v9+s19+$0x0], $0xffff  }
0x500: {  	v4 =	vor.u32 v2, v4;
	v9 =	vld.idx.msk [tilespmem:v11+s17+$0x0], $0xffff  }
0x501: {  	v3 =	vand.u32 $0x7F, v3;
	v5 =	vadd.f32 v6, v5;
	v6 =	vmul.f32 v10, v15;
	v10 =	vld.idx.msk [tilespmem:v11+s19+$0x0], $0xffff  }
0x502: {  	v2 =	vor.u32 v2, v3  }
0x503: {  	v3 =	vadd.f32 v6, v5;
	v5 =	vmul.f32 v7, v16;
	_ =	sdelay $0x1  }
0x504: {  	v3 =	vadd.f32 v5, v3;
	v5 =	vmul.f32 v8, v12;
	v4 =	vld.idx.msk [tilespmem:v4+s21+$0x0], $0xffff;
	_ =	sdelay $0x1  }
0x505: {  	v3 =	vadd.f32 v5, v3;
	v5 =	vmul.f32 v10, v9;
	v2 =	vld.idx.msk [tilespmem:v2+s23+$0x0], $0xffff;
	_ =	sdelay $0x1  }
0x506: {  	v3 =	vadd.f32 v5, v3  }
.Ltmp4:
0x507: {  	(pc) =	sbr.rel @p0 .LBB2_10-.Ltmp4, $3  }
0x508: {  	v3 =	vadd.f32 v3, v4;
	_ =	sdelay $0x1  }
0x509: {  	v4 =	vmov s29;
	v3 =	vadd.f32 v3, v2  }
0x50a: {  	s29 =	sadd.s32 $0x10, s29;
	v2 =	vshll.u32 v4, $0x7  }
0x50b: {  	v2 =	vor.u32 v0, v2;
	v3 =	vadd.f32 v3, v1  }
0x50c: {  	s25 =	sadd.s32 $0x10, s25  }
0x50d: {  	s26 =	sadd.s32 $0x10, s26;
	v5 =	vor.u32 $0x1, v2;
	[tilespmem:s25+$0x0] =	vst v3  }
0x50e: {  	s29 =	sadd.s32 $0x10, s28;
	v3 =	vld [tilespmem:s26+$0x0]  }
0x50f: {  	v6 =	vor.u32 $0x2, v2;
	v4 =	vld [tilespmem:s29+$0x0]  }
0x510: {  	v7 =	vld.idx.msk [tilespmem:v2+s17+$0x0], $0xffff  }
0x511: {  	v9 =	vor.u32 $0x3, v2;
	v8 =	vld.idx.msk [tilespmem:v2+s19+$0x0], $0xffff  }
0x512: {  	v10 =	vld.idx.msk [tilespmem:v5+s17+$0x0], $0xffff  }
0x513: {  	v11 =	vor.u32 $0x4, v2;
	v5 =	vld.idx.msk [tilespmem:v5+s19+$0x0], $0xffff  }
0x514: {  	v12 =	vld.idx.msk [tilespmem:v6+s17+$0x0], $0xffff  }
0x515: {  	v13 =	vor.u32 $0x5, v2;
	v6 =	vld.idx.msk [tilespmem:v6+s19+$0x0], $0xffff  }
0x516: {  	v14 =	vld.idx.msk [tilespmem:v9+s17+$0x0], $0xffff;
	v7 =	vmul.f32 v8, v7  }
0x517: {  	v46 =	vor.u32 $0x6, v2;
	v45 =	vld.idx.msk [tilespmem:v9+s19+$0x0], $0xffff  }
0x518: {  	v15 =	vld.idx.msk [tilespmem:v11+s17+$0x0], $0xffff;
	v5 =	vmul.f32 v5, v10;
	v7 =	vadd.f32 $0.0e+00, v7  }
0x519: {  	v48 =	vor.u32 $0x7, v2;
	v47 =	vld.idx.msk [tilespmem:v11+s19+$0x0], $0xffff  }
0x51a: {  	v16 =	vld.idx.msk [tilespmem:v13+s17+$0x0], $0xffff;
	v6 =	vmul.f32 v6, v12;
	v5 =	vadd.f32 v5, v7  }
0x51b: {  	v50 =	vor.u32 $0x8, v2;
	v49 =	vld.idx.msk [tilespmem:v13+s19+$0x0], $0xffff  }
0x51c: {  	v51 =	vld.idx.msk [tilespmem:v46+s17+$0x0], $0xffff;
	v52 =	vmul.f32 v45, v14;
	v5 =	vadd.f32 v6, v5  }
0x51d: {  	v54 =	vor.u32 $0x9, v2;
	v53 =	vld.idx.msk [tilespmem:v46+s19+$0x0], $0xffff  }
0x51e: {  	v55 =	vld.idx.msk [tilespmem:v48+s17+$0x0], $0xffff;
	v56 =	vmul.f32 v47, v15;
	v5 =	vadd.f32 v52, v5  }
0x51f: {  	v58 =	vor.u32 $0xA, v2;
	v57 =	vld.idx.msk [tilespmem:v48+s19+$0x0], $0xffff  }
0x520: {  	v59 =	vld.idx.msk [tilespmem:v50+s17+$0x0], $0xffff;
	v60 =	vmul.f32 v49, v16;
	v5 =	vadd.f32 v56, v5  }
0x521: {  	v62 =	vor.u32 $0xB, v2;
	v61 =	vld.idx.msk [tilespmem:v50+s19+$0x0], $0xffff  }
0x522: {  	v63 =	vld.idx.msk [tilespmem:v54+s17+$0x0], $0xffff;
	v17 =	vmul.f32 v53, v51;
	v5 =	vadd.f32 v60, v5  }
0x523: {  	v19 =	vor.u32 $0xC, v2;
	v18 =	vld.idx.msk [tilespmem:v54+s19+$0x0], $0xffff  }
0x524: {  	v20 =	vld.idx.msk [tilespmem:v58+s17+$0x0], $0xffff;
	v21 =	vmul.f32 v57, v55;
	v5 =	vadd.f32 v17, v5  }
0x525: {  	v23 =	vor.u32 $0xD, v2;
	v22 =	vld.idx.msk [tilespmem:v58+s19+$0x0], $0xffff  }
0x526: {  	v24 =	vld.idx.msk [tilespmem:v62+s17+$0x0], $0xffff;
	v25 =	vmul.f32 v61, v59;
	v5 =	vadd.f32 v21, v5  }
0x527: {  	v27 =	vor.u32 $0xE, v2;
	v26 =	vld.idx.msk [tilespmem:v62+s19+$0x0], $0xffff  }
0x528: {  	v28 =	vld.idx.msk [tilespmem:v19+s17+$0x0], $0xffff;
	v29 =	vmul.f32 v18, v63;
	v5 =	vadd.f32 v25, v5  }
0x529: {  	v31 =	vor.u32 $0xF, v2;
	v30 =	vld.idx.msk [tilespmem:v19+s19+$0x0], $0xffff  }
0x52a: {  	v32 =	vld.idx.msk [tilespmem:v23+s17+$0x0], $0xffff;
	v33 =	vmul.f32 v22, v20;
	v5 =	vadd.f32 v29, v5  }
0x52b: {  	v35 =	vor.u32 $0x10, v2;
	v34 =	vld.idx.msk [tilespmem:v23+s19+$0x0], $0xffff  }
0x52c: {  	v36 =	vld.idx.msk [tilespmem:v27+s17+$0x0], $0xffff;
	v37 =	vmul.f32 v26, v24;
	v5 =	vadd.f32 v33, v5  }
0x52d: {  	v39 =	vor.u32 $0x11, v2;
	v38 =	vld.idx.msk [tilespmem:v27+s19+$0x0], $0xffff  }
0x52e: {  	v40 =	vld.idx.msk [tilespmem:v31+s17+$0x0], $0xffff;
	v41 =	vmul.f32 v30, v28;
	v5 =	vadd.f32 v37, v5  }
0x52f: {  	v43 =	vor.u32 $0x12, v2;
	v42 =	vld.idx.msk [tilespmem:v31+s19+$0x0], $0xffff  }
0x530: {  	v44 =	vld.idx.msk [tilespmem:v35+s17+$0x0], $0xffff;
	v45 =	vmul.f32 v34, v32;
	v5 =	vadd.f32 v41, v5  }
0x531: {  	v46 =	vld.idx.msk [tilespmem:v35+s19+$0x0], $0xffff;
	v47 =	vor.u32 $0x13, v2  }
0x532: {  	v48 =	vld.idx.msk [tilespmem:v39+s17+$0x0], $0xffff;
	v49 =	vmul.f32 v38, v36;
	v5 =	vadd.f32 v45, v5  }
0x533: {  	v50 =	vld.idx.msk [tilespmem:v39+s19+$0x0], $0xffff;
	v51 =	vor.u32 $0x14, v2  }
0x534: {  	v54 =	vld.idx.msk [tilespmem:v43+s19+$0x0], $0xffff;
	v53 =	vmul.f32 v42, v40;
	v5 =	vadd.f32 v49, v5  }
0x535: {  	v55 =	vor.u32 $0x15, v2;
	v52 =	vld.idx.msk [tilespmem:v43+s17+$0x0], $0xffff  }
0x536: {  	v57 =	vmul.f32 v46, v44;
	v58 =	vld.idx.msk [tilespmem:v47+s19+$0x0], $0xffff;
	v5 =	vadd.f32 v53, v5  }
0x537: {  	v59 =	vor.u32 $0x16, v2;
	v56 =	vld.idx.msk [tilespmem:v47+s17+$0x0], $0xffff  }
0x538: {  	v61 =	vmul.f32 v50, v48;
	v62 =	vld.idx.msk [tilespmem:v51+s19+$0x0], $0xffff;
	v5 =	vadd.f32 v57, v5  }
0x539: {  	v63 =	vor.u32 $0x17, v2;
	v60 =	vld.idx.msk [tilespmem:v51+s17+$0x0], $0xffff  }
0x53a: {  	v20 =	vld.idx.msk [tilespmem:v55+s17+$0x0], $0xffff;
	v21 =	vmul.f32 v54, v52;
	v5 =	vadd.f32 v61, v5  }
0x53b: {  	v23 =	vor.u32 $0x18, v2;
	v22 =	vld.idx.msk [tilespmem:v55+s19+$0x0], $0xffff  }
0x53c: {  	v24 =	vld.idx.msk [tilespmem:v59+s17+$0x0], $0xffff;
	v25 =	vmul.f32 v58, v56;
	v5 =	vadd.f32 v21, v5  }
0x53d: {  	v27 =	vor.u32 $0x19, v2;
	v26 =	vld.idx.msk [tilespmem:v59+s19+$0x0], $0xffff  }
0x53e: {  	v28 =	vld.idx.msk [tilespmem:v63+s17+$0x0], $0xffff;
	v29 =	vmul.f32 v62, v60;
	v5 =	vadd.f32 v25, v5  }
0x53f: {  	v31 =	vor.u32 $0x1A, v2;
	v30 =	vld.idx.msk [tilespmem:v63+s19+$0x0], $0xffff  }
0x540: {  	v32 =	vld.idx.msk [tilespmem:v23+s17+$0x0], $0xffff;
	v33 =	vmul.f32 v22, v20;
	v5 =	vadd.f32 v29, v5  }
0x541: {  	v35 =	vor.u32 $0x1B, v2;
	v34 =	vld.idx.msk [tilespmem:v23+s19+$0x0], $0xffff  }
0x542: {  	v36 =	vld.idx.msk [tilespmem:v27+s17+$0x0], $0xffff;
	v37 =	vmul.f32 v26, v24;
	v5 =	vadd.f32 v33, v5  }
0x543: {  	v39 =	vor.u32 $0x1C, v2;
	v38 =	vld.idx.msk [tilespmem:v27+s19+$0x0], $0xffff  }
0x544: {  	v40 =	vld.idx.msk [tilespmem:v31+s17+$0x0], $0xffff;
	v41 =	vmul.f32 v30, v28;
	v5 =	vadd.f32 v37, v5  }
0x545: {  	v42 =	vld.idx.msk [tilespmem:v31+s19+$0x0], $0xffff;
	v43 =	vor.u32 $0x1D, v2  }
0x546: {  	v44 =	vld.idx.msk [tilespmem:v35+s17+$0x0], $0xffff;
	v45 =	vmul.f32 v34, v32;
	v5 =	vadd.f32 v41, v5  }
0x547: {  	v46 =	vld.idx.msk [tilespmem:v35+s19+$0x0], $0xffff;
	v47 =	vor.u32 $0x1E, v2  }
0x548: {  	v48 =	vld.idx.msk [tilespmem:v39+s17+$0x0], $0xffff;
	v49 =	vmul.f32 v38, v36;
	v5 =	vadd.f32 v45, v5  }
0x549: {  	v50 =	vld.idx.msk [tilespmem:v39+s19+$0x0], $0xffff;
	v51 =	vor.u32 $0x1F, v2  }
0x54a: {  	v52 =	vld.idx.msk [tilespmem:v43+s17+$0x0], $0xffff;
	v53 =	vmul.f32 v42, v40;
	v5 =	vadd.f32 v49, v5  }
0x54b: {  	v54 =	vld.idx.msk [tilespmem:v43+s19+$0x0], $0xffff  }
0x54c: {  	v55 =	vld.idx.msk [tilespmem:v47+s17+$0x0], $0xffff;
	v56 =	vmul.f32 v46, v44;
	v5 =	vadd.f32 v53, v5  }
0x54d: {  	v4 =	vand.u32 $0x7F, v4;
	v57 =	vld.idx.msk [tilespmem:v47+s19+$0x0], $0xffff  }
0x54e: {  	v4 =	vor.u32 v2, v4;
	v59 =	vmul.f32 v50, v48;
	v58 =	vld.idx.msk [tilespmem:v51+s17+$0x0], $0xffff;
	v5 =	vadd.f32 v56, v5  }
0x54f: {  	v3 =	vand.u32 $0x7F, v3;
	v60 =	vld.idx.msk [tilespmem:v51+s19+$0x0], $0xffff  }
0x550: {  	v2 =	vor.u32 v2, v3;
	v61 =	vmul.f32 v54, v52;
	v3 =	vadd.f32 v59, v5;
	_ =	sdelay $0x1  }
0x551: {  	v62 =	vmul.f32 v57, v55;
	v3 =	vadd.f32 v61, v3  }
0x552: {  	v4 =	vld.idx.msk [tilespmem:v4+s21+$0x0], $0xffff  }
0x553: {  	v63 =	vmul.f32 v60, v58;
	v3 =	vadd.f32 v62, v3  }
0x554: {  	v2 =	vld.idx.msk [tilespmem:v2+s23+$0x0], $0xffff  }
0x555: {  	v3 =	vadd.f32 v63, v3;
	_ =	sdelay $0x1  }
0x556: {  	v3 =	vadd.f32 v3, v4;
	_ =	sdelay $0x1  }
0x557: {  	v2 =	vadd.f32 v3, v2;
	_ =	sdelay $0x1  }
0x558: {  	s22 =	sadd.s32 $0x1, s22;
	v1 =	vadd.f32 v2, v1  }
0x559: {  	p0 =	sne.s32 s22, s11;
	s25 =	sadd.s32 $0x10, s25  }
.Ltmp5:
0x55a: {  	[tilespmem:s25+$0x0] =	vst v1;
	(pc) =	sbr.rel @p0 .LBB2_1-.Ltmp5, $4  }
0x55b: {  	[hbm4b:s10+s2] =	stream.linear.scatter [tilespmem:s20], [sflag:$0x2], $0x200, $0x38;
	[tilespmem:$0x10E10] =	vst v63  }
0x55c: {  	_ =	swait.ge [sflag:s12], $0x200  }
0x55d: {  	[sflag:s12] =	ssyncset.done $0x0  }
0x55e: {  	[sflag:s12] =	ssyncadd.s32 $0xFFFFFE00  }
0x55f: {  	_ =	sfence.sel $0x180000  }
0x560: {  	[bflag:$0x0] =	sbarrier.arrive $0xFFFF  }
0x561: {  	_ =	strace $0x90000047  }
0x562: {  	s0 =	stileid.u32;
	[bflag:$0x2] =	sbarrier.arrive $0xFFFF  }
0x563: {  	p0 =	sne.s32 s0, $0x0;
	s0 =	rddreg [dreg:$0x4]  }
0x564: {  	s0 =	sadd.s32 @!p0 $0x100000, s0  }
0x565: {  	[sflag:s0] =	ssyncadd.tile.s32 @!p0 $0x1;
	_ =	shalt  }
.Lfunc_end2:
_tile_overlayer_lowered:
.L_overlay_start_2:
0x566: {  	(tag) =	ssettag $0x2  }
0x567: {  	s0 =	rddreg [dreg:$0x0];
	s2 =	stileid.u32  }
0x568: {  	s1 =	rddreg [dreg:$0x1];
	p0 =	sne.s32 s2, $0x0  }
0x569: {  	s3 =	rddreg [dreg:$0x2];
	[bflag:$0x3] =	sbarrier.arrive $0xFFFF;
	s2 =	simm.s32 @!p0 $0x1C02  }
0x56a: {  	[timem:s3], [sflag:s2] =	dma.local @!p0 [hbm:s0], s1  }
0x56b: {  	s0 =	simm.s32 @!p0 $0x2  }
0x56c: {  	_ =	swait.ge @!p0 [sflag:s0], s1  }
0x56d: {  	s1 =	ssub.s32 @!p0 $0x0, s1;
	[sflag:s0] =	ssyncset.done @!p0 $0x0  }
0x56e: {  	[sflag:s0] =	ssyncadd.s32 @!p0 s1  }
0x56f: {  	[bflag:$0x3] =	sbarrier.arrive $0xFFFF  }
0x570: {  	_ =	shalt  }

</sc_bundles>
